<compile_context>
chip_gen: v7x
topology: tpu7x:2x2x1
jax: 0.10.2.dev20260603
libtpu: 0.0.44.dev20260713+nightly
codegen_flags: <defaults>
</compile_context>

<pallas_src>
import functools

import jax
import jax.numpy as jnp
from jax import lax
from jax.experimental import pallas as pl
from jax.experimental.pallas import tpu as pltpu
from jax.experimental.pallas import tpu_sc as plsc

_BASE_VOCAB = 1000000
_EMBED_DIM = 64
_NUM_SEGMENTS = 250000
_N = 1000000

_NW = 32
_NSUB = 16
_SEG_TILE = 400
_NTILES = _NUM_SEGMENTS // _SEG_TILE
_CHUNK = 128
_TILES_PER_W = (_NTILES + _NW - 1) // _NW
_STARTS_PAD = 648
_NBUF = 4
_ACC_STRIDE = 416


def _sc_kernel(table, eidx, sidx, starts, out, starts_v, idx_v, seg_v,
               segloc_v, rows_v, accv, cntv, zpad, zpadc, ones_b,
               acc_sh, cnt_sh, isem, ssem, gsem, csem, zsem):
    wid = lax.axis_index("s") * 2 + lax.axis_index("c")
    region0 = lax.axis_index("s") * (2 * _ACC_STRIDE)
    pltpu.sync_copy(starts.at[pl.ds(0, _STARTS_PAD)], starts_v)

    zeros = jnp.zeros((16,), dtype=jnp.float32)
    onesv = jnp.full((16,), 1.0, dtype=jnp.float32)

    def init_body(p, _):
        for c in range(4):
            zpad[p, pl.ds(c * 16, 16)] = zeros
        zpadc[p, :] = zeros
        ones_b[p, :] = onesv
        return 0

    lax.fori_loop(0, _CHUNK, init_body, 0)

    _ZFULL = 3
    _ZREM = 17

    def fire_zero(base_row):
        for p in range(_ZFULL):
            pltpu.async_copy(
                zpad.at[pl.ds(0, _CHUNK)],
                acc_sh.at[pl.ds(base_row + p * _CHUNK, _CHUNK)], zsem)
            pltpu.async_copy(
                zpadc.at[pl.ds(0, _CHUNK)],
                cnt_sh.at[pl.ds(base_row + p * _CHUNK, _CHUNK)], zsem)
        pltpu.async_copy(zpad.at[pl.ds(0, _ZREM)],
                         acc_sh.at[pl.ds(base_row + _ZFULL * _CHUNK, _ZREM)],
                         zsem)
        pltpu.async_copy(zpadc.at[pl.ds(0, _ZREM)],
                         cnt_sh.at[pl.ds(base_row + _ZFULL * _CHUNK, _ZREM)],
                         zsem)

    def drain_zero(base_row):
        for p in range(_ZFULL):
            pltpu.make_async_copy(
                zpad.at[pl.ds(0, _CHUNK)],
                acc_sh.at[pl.ds(base_row + p * _CHUNK, _CHUNK)],
                zsem).wait()
            pltpu.make_async_copy(
                zpadc.at[pl.ds(0, _CHUNK)],
                cnt_sh.at[pl.ds(base_row + p * _CHUNK, _CHUNK)],
                zsem).wait()
        pltpu.make_async_copy(zpad.at[pl.ds(0, _ZREM)],
                              acc_sh.at[pl.ds(base_row + _ZFULL * _CHUNK, _ZREM)],
                              zsem).wait()
        pltpu.make_async_copy(zpadc.at[pl.ds(0, _ZREM)],
                              cnt_sh.at[pl.ds(base_row + _ZFULL * _CHUNK, _ZREM)],
                              zsem).wait()

    def finalize(tp, base_row):
        pltpu.sync_copy(acc_sh.at[pl.ds(base_row, _SEG_TILE)], accv)
        pltpu.sync_copy(cnt_sh.at[pl.ds(base_row, _SEG_TILE)], cntv)

        def fin_body(p, _):
            inv = 1.0 / jnp.maximum(cntv[p, :], 1.0)
            for c in range(4):
                accv[p, pl.ds(c * 16, 16)] *= inv
            return 0

        lax.fori_loop(0, _SEG_TILE, fin_body, 0)
        pltpu.sync_copy(accv.at[pl.ds(0, _SEG_TILE)],
                        out.at[pl.ds(tp * _SEG_TILE, _SEG_TILE)])

    def tile_body(i, _):
        t = wid + i * _NW
        base_row = region0 + lax.rem(i, 2) * _ACC_STRIDE
        prev_base = region0 + lax.rem(i + 1, 2) * _ACC_STRIDE

        @pl.when(t < _NTILES)
        def _():
            sv = starts_v[pl.ds(t, 16)]
            r_lo = sv[0]
            r_hi = sv[1]
            r0 = lax.bitwise_and(r_lo, jnp.int32(-8))
            nchunks = (r_hi - r0 + (_CHUNK - 1)) // _CHUNK
            seg_lo = t * _SEG_TILE

            def chunk_base(k):
                return pl.multiple_of(
                    jnp.minimum(r0 + k * _CHUNK, _N - _CHUNK), 8)

            def start_idx(k):
                s = lax.rem(k, _NBUF)
                b = chunk_base(k)
                pltpu.async_copy(eidx.at[pl.ds(b, _CHUNK)], idx_v.at[s],
                                 isem.at[s])
                pltpu.async_copy(sidx.at[pl.ds(b, _CHUNK)], seg_v.at[s],
                                 ssem.at[s])

            def wait_scatter(k):
                s = lax.rem(k, _NBUF)
                s2 = lax.rem(k, 2)
                pltpu.make_async_copy(rows_v.at[s2],
                                      acc_sh.at[segloc_v.at[s]],
                                      csem.at[s2]).wait()
                pltpu.make_async_copy(ones_b.at[pl.ds(0, _CHUNK)],
                                      cnt_sh.at[segloc_v.at[s]],
                                      csem.at[s2]).wait()

            def start_gather(k):
                s = lax.rem(k, _NBUF)
                s2 = lax.rem(k, 2)
                b = chunk_base(k)

                @pl.when(k >= 2)
                def _():
                    wait_scatter(k - 2)

                pltpu.make_async_copy(eidx.at[pl.ds(b, _CHUNK)],
                                      idx_v.at[s], isem.at[s]).wait()
                pltpu.async_copy(table.at[idx_v.at[s]], rows_v.at[s2],
                                 gsem.at[s2])

            @pl.when(nchunks > 0)
            def _():
                start_idx(0)

                @pl.when(nchunks > 1)
                def _():
                    start_idx(1)

            fire_zero(base_row)

            @pl.when(nchunks > 0)
            def _():
                start_gather(0)

            @pl.when(i > 0)
            def _():
                finalize(t - _NW, prev_base)

            drain_zero(base_row)

            def chunk_body(k, _):
                s = lax.rem(k, _NBUF)
                s2 = lax.rem(k, 2)
                b = chunk_base(k)
                shift = (r0 + k * _CHUNK) - b

                @pl.when(k + 1 < nchunks)
                def _():
                    start_gather(k + 1)

                @pl.when(k + 2 < nchunks)
                def _():
                    start_idx(k + 2)

                pltpu.make_async_copy(sidx.at[pl.ds(b, _CHUNK)],
                                      seg_v.at[s], ssem.at[s]).wait()
                for g in range(_CHUNK // 16):
                    sv16 = seg_v[s, pl.ds(g * 16, 16)]
                    ls = sv16 - seg_lo
                    jv = lax.iota(jnp.int32, 16) + (g * 16)
                    lsc = jnp.where(
                        (ls >= 0) & (ls < _SEG_TILE) & (jv >= shift),
                        ls, _SEG_TILE)
                    segloc_v[s, pl.ds(g * 16, 16)] = lsc + base_row

                pltpu.make_async_copy(table.at[idx_v.at[s]], rows_v.at[s2],
                                      gsem.at[s2]).wait()
                pltpu.async_copy(rows_v.at[s2],
                                acc_sh.at[segloc_v.at[s]], csem.at[s2],
                                add=True)
                pltpu.async_copy(ones_b.at[pl.ds(0, _CHUNK)],
                                cnt_sh.at[segloc_v.at[s]], csem.at[s2],
                                add=True)
                return 0

            lax.fori_loop(0, nchunks, chunk_body, 0)

            @pl.when(nchunks > 1)
            def _():
                wait_scatter(nchunks - 2)

            @pl.when(nchunks > 0)
            def _():
                wait_scatter(nchunks - 1)

        return 0

    lax.fori_loop(0, _TILES_PER_W, tile_body, 0)

    i_last = (_NTILES - 1 - wid) // _NW
    t_last = wid + i_last * _NW
    finalize(t_last, region0 + lax.rem(i_last, 2) * _ACC_STRIDE)


def kernel(base_embeddings, extract_index, scatter_index):
    bounds = jnp.arange(0, _STARTS_PAD * _SEG_TILE, _SEG_TILE,
                        dtype=jnp.int32)
    starts = jnp.searchsorted(scatter_index, bounds).astype(jnp.int32)

    mesh = plsc.VectorSubcoreMesh(core_axis_name="c", subcore_axis_name="s")
    f = functools.partial(
        pl.kernel,
        mesh=mesh,
        out_type=jax.ShapeDtypeStruct((_NUM_SEGMENTS, _EMBED_DIM),
                                      jnp.float32),
        scratch_types=[
            pltpu.VMEM((_STARTS_PAD,), jnp.int32),
            pltpu.VMEM((_NBUF, _CHUNK), jnp.int32),
            pltpu.VMEM((_NBUF, _CHUNK), jnp.int32),
            pltpu.VMEM((_NBUF, _CHUNK), jnp.int32),
            pltpu.VMEM((2, _CHUNK, _EMBED_DIM), jnp.float32),
            pltpu.VMEM((_SEG_TILE, _EMBED_DIM), jnp.float32),
            pltpu.VMEM((_SEG_TILE, 16), jnp.float32),
            pltpu.VMEM((_CHUNK, _EMBED_DIM), jnp.float32),
            pltpu.VMEM((_CHUNK, 16), jnp.float32),
            pltpu.VMEM((_CHUNK, 16), jnp.float32),
            pltpu.VMEM_SHARED((_NSUB * 2 * _ACC_STRIDE, _EMBED_DIM),
                              jnp.float32),
            pltpu.VMEM_SHARED((_NSUB * 2 * _ACC_STRIDE, 16), jnp.float32),
            pltpu.SemaphoreType.DMA((_NBUF,)),
            pltpu.SemaphoreType.DMA((_NBUF,)),
            pltpu.SemaphoreType.DMA((2,)),
            pltpu.SemaphoreType.DMA((2,)),
            pltpu.SemaphoreType.DMA,
        ],
        compiler_params=pltpu.CompilerParams(use_tc_tiling_on_sc=False),
    )(_sc_kernel)
    return f(base_embeddings, extract_index, scatter_index, starts)

# --- scband reference (transcript-rebuilt; emitter-appended) ---
"""Pipeline reference for scband-composite-embedding-11072425689473 (READ-ONLY COPY).

The authoritative reference and input builder live on the scoring server;
editing this copy changes nothing except your own understanding.
"""

import jax, jax.numpy as jnp
import numpy as np

BASE_VOCAB = 1000000
EMBED_DIM = 64
NUM_SEGMENTS = 250000
N = 1000000


def setup_inputs(seed: int = 0) -> dict:
    key = jax.random.key(seed)
    k1, k2, k3 = jax.random.split(key, 3)
    # Learned parameter: base vocabulary embedding table
    base_embeddings = jax.random.normal(k1, (BASE_VOCAB, EMBED_DIM), dtype=jnp.float32)
    # Indices of sub-symbols in the base vocabulary (flattened over all composite symbols)
    extract_index = jax.random.randint(k2, (N,), 0, BASE_VOCAB, dtype=jnp.int32)
    # Segment ids mapping each sub-symbol to its composite symbol id (sorted, as produced
    # by iterating dictionary.symbols in order in map_dictionary)
    scatter_index = jnp.sort(jax.random.randint(k3, (N,), 0, NUM_SEGMENTS, dtype=jnp.int32))
    return {
        "base_embeddings": base_embeddings,
        "extract_index": extract_index,
        "scatter_index": scatter_index,
    }


def reference(base_embeddings, extract_index, scatter_index):
    # torch.index_select(self.base_embeddings.weight, 0, extract_index)
    scatter_src = jnp.take(base_embeddings, extract_index, axis=0)
    # scatter_mean(scatter_src, scatter_index, dim=0) == segment_sum / segment_count
    seg_sum = jax.ops.segment_sum(scatter_src, scatter_index, num_segments=NUM_SEGMENTS)
    seg_cnt = jax.ops.segment_sum(
        jnp.ones((scatter_src.shape[0], 1), dtype=scatter_src.dtype),
        scatter_index,
        num_segments=NUM_SEGMENTS,
    )
    out = seg_sum / jnp.maximum(seg_cnt, 1.0)
    return out

if __name__ == "__main__":
    import jax
    _d = setup_inputs()
    print(jax.jit(kernel)(*tuple(_d.values())))

</pallas_src>

<mosaic_0001>
#map = affine_map<(d0, d1) -> (0, 0)>
#map1 = affine_map<(d0, d1) -> (0)>
module attributes {stable_mosaic.version = 14 : i64} {
  func.func @_sc_kernel(%arg0: i32, %arg1: i32, %arg2: memref<1000000x64xf32, #tpu.memory_space<hbm>>, %arg3: memref<1000000xi32, #tpu.memory_space<hbm>>, %arg4: memref<1000000xi32, #tpu.memory_space<hbm>>, %arg5: memref<648xi32, #tpu.memory_space<hbm>>, %arg6: memref<250000x64xf32, #tpu.memory_space<hbm>>, %arg7: memref<648xi32, #tpu.memory_space<vmem>>, %arg8: memref<4x128xi32, #tpu.memory_space<vmem>>, %arg9: memref<4x128xi32, #tpu.memory_space<vmem>>, %arg10: memref<4x128xi32, #tpu.memory_space<vmem>>, %arg11: memref<2x128x64xf32, #tpu.memory_space<vmem>>, %arg12: memref<400x64xf32, #tpu.memory_space<vmem>>, %arg13: memref<400x16xf32, #tpu.memory_space<vmem>>, %arg14: memref<128x64xf32, #tpu.memory_space<vmem>>, %arg15: memref<128x16xf32, #tpu.memory_space<vmem>>, %arg16: memref<128x16xf32, #tpu.memory_space<vmem>>, %arg17: memref<13312x64xf32, #tpu.memory_space<vmem_shared>>, %arg18: memref<13312x16xf32, #tpu.memory_space<vmem_shared>>, %arg19: memref<4x!tpu.dma_semaphore, #tpu.memory_space<semaphore_mem>>, %arg20: memref<4x!tpu.dma_semaphore, #tpu.memory_space<semaphore_mem>>, %arg21: memref<2x!tpu.dma_semaphore, #tpu.memory_space<semaphore_mem>>, %arg22: memref<2x!tpu.dma_semaphore, #tpu.memory_space<semaphore_mem>>, %arg23: memref<!tpu.dma_semaphore, #tpu.memory_space<semaphore_mem>>) attributes {dimension_semantics = [#tpu.dimension_semantics<core_parallel>, #tpu.dimension_semantics<subcore_parallel>], iteration_bounds = array<i64: 2, 16>, scalar_prefetch = 0 : i64, scratch_operands = 17 : i64, tpu.core_type = #tpu.core_type<sc_vector_subcore>, window_params = [{transform_indices = #map}, {transform_indices = #map1}, {transform_indices = #map1}, {transform_indices = #map1}, {transform_indices = #map}]} {
    %mul3A = arith.constant 2 : i32
    %mul3A_0 = arith.muli %arg1, %mul3A : i32
    %add3A = arith.addi %mul3A_0, %arg0 : i32
    %mul3A_1 = arith.constant 832 : i32
    %mul3A_2 = arith.muli %arg1, %mul3A_1 : i32
    "tpu.region"() ({
      %run_scoped3A = tpu.sem_alloc : memref<!tpu.dma_semaphore, #tpu.memory_space<semaphore_mem>>
      %dma_start3A = arith.constant 0 : i32
      %dma_start3A_54 = tpu.memref_slice %arg5[%dma_start3A] : memref<648xi32, #tpu.memory_space<hbm>> -> memref<648xi32, #tpu.memory_space<hbm>>
      %dma_start3A_55 = arith.constant 0 : i32
      %dma_start3A_56 = tpu.memref_slice %arg5[%dma_start3A_55] : memref<648xi32, #tpu.memory_space<hbm>> -> memref<648xi32, #tpu.memory_space<hbm>>
      tpu.enqueue_dma source(%dma_start3A_56 : memref<648xi32, #tpu.memory_space<hbm>>) target(%arg7 : memref<648xi32, #tpu.memory_space<vmem>>) target_semaphore(%run_scoped3A : memref<!tpu.dma_semaphore, #tpu.memory_space<semaphore_mem>>)
      %dma_wait3A = arith.constant 0 : i32
      %dma_wait3A_57 = tpu.memref_slice %arg5[%dma_wait3A] : memref<648xi32, #tpu.memory_space<hbm>> -> memref<648xi32, #tpu.memory_space<hbm>>
      %dma_wait3A_58 = arith.constant 0 : i32
      %dma_wait3A_59 = tpu.memref_slice %arg5[%dma_wait3A_58] : memref<648xi32, #tpu.memory_space<hbm>> -> memref<648xi32, #tpu.memory_space<hbm>>
      tpu.wait_dma2 semaphore(%run_scoped3A : memref<!tpu.dma_semaphore, #tpu.memory_space<semaphore_mem>>) src(%dma_wait3A_59 : memref<648xi32, #tpu.memory_space<hbm>>) dst(%arg7 : memref<648xi32, #tpu.memory_space<vmem>>)
      tpu.yield
    }) : () -> ()
    %broadcast_in_dim3A = arith.constant 0.000000e+00 : f32
    %broadcast_in_dim3A_3 = vector.broadcast %broadcast_in_dim3A : f32 to vector<16xf32>
    %broadcast_in_dim3A_4 = arith.constant 1.000000e+00 : f32
    %broadcast_in_dim3A_5 = vector.broadcast %broadcast_in_dim3A_4 : f32 to vector<16xf32>
    %scan3A = arith.constant 0 : i32
    %scan3A_6 = arith.constant 0 : i32
    %scan3A_7 = arith.constant 128 : i32
    %scan3A_8 = arith.addi %scan3A_6, %scan3A_7 : i32
    %scan3A_9 = arith.constant 1 : i32
    %scan3A_10 = scf.for %scan3A_54 = %scan3A_6 to %scan3A_8 step %scan3A_9 iter_args(%scan3A_55 = %scan3A) -> (i32)  : i32 {
      %swap3A = arith.index_cast %scan3A_54 : i32 to index
      %swap3A_56 = arith.constant 0 : index
      %swap3A_57 = tpu.vector_load %arg14[%swap3A, %swap3A_56] {strides = array<i32>} : memref<128x64xf32, #tpu.memory_space<vmem>>, vector<1x16xf32>,
      %swap3A_58 = vector.shape_cast %swap3A_57 : vector<1x16xf32> to vector<16xf32>
      %swap3A_59 = vector.shape_cast %broadcast_in_dim3A_3 : vector<16xf32> to vector<1x16xf32>
      tpu.vector_store %arg14[%swap3A, %swap3A_56], %swap3A_59 {strides = array<i32>} : memref<128x64xf32, #tpu.memory_space<vmem>>, vector<1x16xf32>,
      %swap3A_60 = arith.index_cast %scan3A_54 : i32 to index
      %swap3A_61 = arith.constant 16 : index
      %swap3A_62 = tpu.vector_load %arg14[%swap3A_60, %swap3A_61] {strides = array<i32>} : memref<128x64xf32, #tpu.memory_space<vmem>>, vector<1x16xf32>,
      %swap3A_63 = vector.shape_cast %swap3A_62 : vector<1x16xf32> to vector<16xf32>
      %swap3A_64 = vector.shape_cast %broadcast_in_dim3A_3 : vector<16xf32> to vector<1x16xf32>
      tpu.vector_store %arg14[%swap3A_60, %swap3A_61], %swap3A_64 {strides = array<i32>} : memref<128x64xf32, #tpu.memory_space<vmem>>, vector<1x16xf32>,
      %swap3A_65 = arith.index_cast %scan3A_54 : i32 to index
      %swap3A_66 = arith.constant 32 : index
      %swap3A_67 = tpu.vector_load %arg14[%swap3A_65, %swap3A_66] {strides = array<i32>} : memref<128x64xf32, #tpu.memory_space<vmem>>, vector<1x16xf32>,
      %swap3A_68 = vector.shape_cast %swap3A_67 : vector<1x16xf32> to vector<16xf32>
      %swap3A_69 = vector.shape_cast %broadcast_in_dim3A_3 : vector<16xf32> to vector<1x16xf32>
      tpu.vector_store %arg14[%swap3A_65, %swap3A_66], %swap3A_69 {strides = array<i32>} : memref<128x64xf32, #tpu.memory_space<vmem>>, vector<1x16xf32>,
      %swap3A_70 = arith.index_cast %scan3A_54 : i32 to index
      %swap3A_71 = arith.constant 48 : index
      %swap3A_72 = tpu.vector_load %arg14[%swap3A_70, %swap3A_71] {strides = array<i32>} : memref<128x64xf32, #tpu.memory_space<vmem>>, vector<1x16xf32>,
      %swap3A_73 = vector.shape_cast %swap3A_72 : vector<1x16xf32> to vector<16xf32>
      %swap3A_74 = vector.shape_cast %broadcast_in_dim3A_3 : vector<16xf32> to vector<1x16xf32>
      tpu.vector_store %arg14[%swap3A_70, %swap3A_71], %swap3A_74 {strides = array<i32>} : memref<128x64xf32, #tpu.memory_space<vmem>>, vector<1x16xf32>,
      %swap3A_75 = arith.index_cast %scan3A_54 : i32 to index
      %swap3A_76 = arith.constant 0 : index
      %swap3A_77 = tpu.vector_load %arg15[%swap3A_75, %swap3A_76] {strides = array<i32>} : memref<128x16xf32, #tpu.memory_space<vmem>>, vector<1x16xf32>,
      %swap3A_78 = vector.shape_cast %swap3A_77 : vector<1x16xf32> to vector<16xf32>
      %swap3A_79 = vector.shape_cast %broadcast_in_dim3A_3 : vector<16xf32> to vector<1x16xf32>
      tpu.vector_store %arg15[%swap3A_75, %swap3A_76], %swap3A_79 {strides = array<i32>} : memref<128x16xf32, #tpu.memory_space<vmem>>, vector<1x16xf32>,
      %swap3A_80 = arith.index_cast %scan3A_54 : i32 to index
      %swap3A_81 = arith.constant 0 : index
      %swap3A_82 = tpu.vector_load %arg16[%swap3A_80, %swap3A_81] {strides = array<i32>} : memref<128x16xf32, #tpu.memory_space<vmem>>, vector<1x16xf32>,
      %swap3A_83 = vector.shape_cast %swap3A_82 : vector<1x16xf32> to vector<16xf32>
      %swap3A_84 = vector.shape_cast %broadcast_in_dim3A_5 : vector<16xf32> to vector<1x16xf32>
      tpu.vector_store %arg16[%swap3A_80, %swap3A_81], %swap3A_84 {strides = array<i32>} : memref<128x16xf32, #tpu.memory_space<vmem>>, vector<1x16xf32>,
      %scan3A_85 = arith.constant 0 : i32
      scf.yield %scan3A_85 : i32
    }
    %scan3A_11 = arith.constant 128 : i32
    %scan3A_12 = arith.constant 0 : i32
    %scan3A_13 = arith.constant 0 : i32
    %scan3A_14 = arith.constant 20 : i32
    %scan3A_15 = arith.addi %scan3A_13, %scan3A_14 : i32
    %scan3A_16 = arith.constant 1 : i32
    %scan3A_17 = scf.for %scan3A_54 = %scan3A_13 to %scan3A_15 step %scan3A_16 iter_args(%scan3A_55 = %scan3A_12) -> (i32)  : i32 {
      %mul3A_56 = arith.constant 32 : i32
      %mul3A_57 = arith.muli %scan3A_54, %mul3A_56 : i32
      %add3A_58 = arith.addi %add3A, %mul3A_57 : i32
      %rem3A_59 = arith.constant 2 : i32
      %rem3A_60 = arith.remsi %scan3A_54, %rem3A_59 : i32
      %mul3A_61 = arith.constant 416 : i32
      %mul3A_62 = arith.muli %rem3A_60, %mul3A_61 : i32
      %add3A_63 = arith.addi %mul3A_2, %mul3A_62 : i32
      %add3A_64 = arith.constant 1 : i32
      %add3A_65 = arith.addi %scan3A_54, %add3A_64 : i32
      %rem3A_66 = arith.constant 2 : i32
      %rem3A_67 = arith.remsi %add3A_65, %rem3A_66 : i32
      %mul3A_68 = arith.constant 416 : i32
      %mul3A_69 = arith.muli %rem3A_67, %mul3A_68 : i32
      %add3A_70 = arith.addi %mul3A_2, %mul3A_69 : i32
      %lt3A = arith.constant 625 : i32
      %lt3A_71 = arith.cmpi slt, %add3A_58, %lt3A : i32
      %convert_element_type3A = arith.extui %lt3A_71 : i1 to i32
      %cond3A = arith.constant 0 : i32
      %cond3A_72 = arith.cmpi ne, %convert_element_type3A, %cond3A : i32
      scf.if %cond3A_72 {
        %get3A = arith.index_cast %add3A_58 : i32 to index
        %get3A_74 = tpu.vector_load %arg7[%get3A] {strides = array<i32>} : memref<648xi32, #tpu.memory_space<vmem>>, vector<16xi32>,
        %get3A_75 = vector.shape_cast %get3A_74 : vector<16xi32> to vector<16xi32>
        %slice3A = vector.extract_strided_slice %get3A_75 {offsets = [0], sizes = [1], strides = [1]} : vector<16xi32> to vector<1xi32>
        %squeeze3A = vector.extract %slice3A[0] : i32 from vector<1xi32>
        %slice3A_76 = vector.extract_strided_slice %get3A_75 {offsets = [1], sizes = [1], strides = [1]} : vector<16xi32> to vector<1xi32>
        %squeeze3A_77 = vector.extract %slice3A_76[0] : i32 from vector<1xi32>
        %and3A_78 = arith.constant -8 : i32
        %and3A_79 = arith.andi %squeeze3A, %and3A_78 : i32
        %sub3A_80 = arith.subi %squeeze3A_77, %and3A_79 : i32
        %add3A_81 = arith.constant 127 : i32
        %add3A_82 = arith.addi %sub3A_80, %add3A_81 : i32
        %jit3A_83 = arith.constant 128 : i32
        %div3A_84 = arith.divsi %add3A_82, %jit3A_83 : i32
        %sign3A_85 = arith.constant 0 : i32
        %sign3A_86 = arith.cmpi sgt, %add3A_82, %sign3A_85 : i32
        %sign3A_87 = arith.extui %sign3A_86 : i1 to i32
        %sign3A_88 = arith.constant 0 : i32
        %sign3A_89 = arith.cmpi slt, %add3A_82, %sign3A_88 : i32
        %sign3A_90 = arith.extui %sign3A_89 : i1 to i32
        %sign3A_91 = arith.subi %sign3A_87, %sign3A_90 : i32
        %sign3A_92 = arith.constant 0 : i32
        %sign3A_93 = arith.cmpi sgt, %jit3A_83, %sign3A_92 : i32
        %sign3A_94 = arith.extui %sign3A_93 : i1 to i32
        %sign3A_95 = arith.constant 0 : i32
        %sign3A_96 = arith.cmpi slt, %jit3A_83, %sign3A_95 : i32
        %sign3A_97 = arith.extui %sign3A_96 : i1 to i32
        %sign3A_98 = arith.subi %sign3A_94, %sign3A_97 : i32
        %ne3A_99 = arith.cmpi ne, %sign3A_91, %sign3A_98 : i32
        %rem3A_100 = arith.remsi %add3A_82, %jit3A_83 : i32
        %ne3A_101 = arith.constant 0 : i32
        %ne3A_102 = arith.cmpi ne, %rem3A_100, %ne3A_101 : i32
        %and3A_103 = arith.andi %ne3A_99, %ne3A_102 : i1
        %sub3A_104 = arith.constant 1 : i32
        %sub3A_105 = arith.subi %div3A_84, %sub3A_104 : i32
        %select_n3A_106 = arith.select %and3A_103, %sub3A_105, %div3A_84 : i32
        %mul3A_107 = arith.constant 400 : i32
        %mul3A_108 = arith.muli %add3A_58, %mul3A_107 : i32
        %gt3A = arith.constant 0 : i32
        %gt3A_109 = arith.cmpi sgt, %select_n3A_106, %gt3A : i32
        %convert_element_type3A_110 = arith.extui %gt3A_109 : i1 to i32
        %cond3A_111 = arith.constant 0 : i32
        %cond3A_112 = arith.cmpi ne, %convert_element_type3A_110, %cond3A_111 : i32
        scf.if %cond3A_112 {
          %rem3A_334 = arith.constant 0 : i32
          %rem3A_335 = arith.constant 4 : i32
          %rem3A_336 = arith.remsi %rem3A_334, %rem3A_335 : i32
          %add3A_337 = arith.constant 0 : i32
          %add3A_338 = arith.addi %and3A_79, %add3A_337 : i32
          %min3A = arith.constant 999872 : i32
          %min3A_339 = arith.minsi %add3A_338, %min3A : i32
          %multiple_of3A = tpu.assume_multiple %min3A_339, 8 : i32
          %dma_start3A_340 = arith.constant 0 : i32
          %dma_start3A_341 = tpu.memref_slice %arg8[%rem3A_336, %dma_start3A_340] : memref<4x128xi32, #tpu.memory_space<vmem>> -> memref<1x128xi32, #tpu.memory_space<vmem>>
          %dma_start3A_342 = tpu.memref_squeeze %dma_start3A_341 : memref<1x128xi32, #tpu.memory_space<vmem>> -> memref<128xi32, #tpu.memory_space<vmem>>
          %dma_start3A_343 = tpu.memref_slice %arg3[%multiple_of3A] : memref<1000000xi32, #tpu.memory_space<hbm>> -> memref<128xi32, #tpu.memory_space<hbm>>
          %dma_start3A_344 = tpu.memref_slice %arg19[%rem3A_336] : memref<4x!tpu.dma_semaphore, #tpu.memory_space<semaphore_mem>> -> memref<1x!tpu.dma_semaphore, #tpu.memory_space<semaphore_mem>>
          %dma_start3A_345 = tpu.memref_squeeze %dma_start3A_344 : memref<1x!tpu.dma_semaphore, #tpu.memory_space<semaphore_mem>> -> memref<!tpu.dma_semaphore, #tpu.memory_space<semaphore_mem>>
          %dma_start3A_346 = arith.constant 0 : i32
          %dma_start3A_347 = tpu.memref_slice %arg8[%rem3A_336, %dma_start3A_346] : memref<4x128xi32, #tpu.memory_space<vmem>> -> memref<1x128xi32, #tpu.memory_space<vmem>>
          %dma_start3A_348 = tpu.memref_squeeze %dma_start3A_347 : memref<1x128xi32, #tpu.memory_space<vmem>> -> memref<128xi32, #tpu.memory_space<vmem>>
          %dma_start3A_349 = tpu.memref_slice %arg3[%multiple_of3A] : memref<1000000xi32, #tpu.memory_space<hbm>> -> memref<128xi32, #tpu.memory_space<hbm>>
          tpu.enqueue_dma source(%dma_start3A_349 : memref<128xi32, #tpu.memory_space<hbm>>) target(%dma_start3A_348 : memref<128xi32, #tpu.memory_space<vmem>>) target_semaphore(%dma_start3A_345 : memref<!tpu.dma_semaphore, #tpu.memory_space<semaphore_mem>>)
          %dma_start3A_350 = arith.constant 0 : i32
          %dma_start3A_351 = tpu.memref_slice %arg9[%rem3A_336, %dma_start3A_350] : memref<4x128xi32, #tpu.memory_space<vmem>> -> memref<1x128xi32, #tpu.memory_space<vmem>>
          %dma_start3A_352 = tpu.memref_squeeze %dma_start3A_351 : memref<1x128xi32, #tpu.memory_space<vmem>> -> memref<128xi32, #tpu.memory_space<vmem>>
          %dma_start3A_353 = tpu.memref_slice %arg4[%multiple_of3A] : memref<1000000xi32, #tpu.memory_space<hbm>> -> memref<128xi32, #tpu.memory_space<hbm>>
          %dma_start3A_354 = tpu.memref_slice %arg20[%rem3A_336] : memref<4x!tpu.dma_semaphore, #tpu.memory_space<semaphore_mem>> -> memref<1x!tpu.dma_semaphore, #tpu.memory_space<semaphore_mem>>
          %dma_start3A_355 = tpu.memref_squeeze %dma_start3A_354 : memref<1x!tpu.dma_semaphore, #tpu.memory_space<semaphore_mem>> -> memref<!tpu.dma_semaphore, #tpu.memory_space<semaphore_mem>>
          %dma_start3A_356 = arith.constant 0 : i32
          %dma_start3A_357 = tpu.memref_slice %arg9[%rem3A_336, %dma_start3A_356] : memref<4x128xi32, #tpu.memory_space<vmem>> -> memref<1x128xi32, #tpu.memory_space<vmem>>
          %dma_start3A_358 = tpu.memref_squeeze %dma_start3A_357 : memref<1x128xi32, #tpu.memory_space<vmem>> -> memref<128xi32, #tpu.memory_space<vmem>>
          %dma_start3A_359 = tpu.memref_slice %arg4[%multiple_of3A] : memref<1000000xi32, #tpu.memory_space<hbm>> -> memref<128xi32, #tpu.memory_space<hbm>>
          tpu.enqueue_dma source(%dma_start3A_359 : memref<128xi32, #tpu.memory_space<hbm>>) target(%dma_start3A_358 : memref<128xi32, #tpu.memory_space<vmem>>) target_semaphore(%dma_start3A_355 : memref<!tpu.dma_semaphore, #tpu.memory_space<semaphore_mem>>)
          %gt3A_360 = arith.constant 1 : i32
          %gt3A_361 = arith.cmpi sgt, %select_n3A_106, %gt3A_360 : i32
          %convert_element_type3A_362 = arith.extui %gt3A_361 : i1 to i32
          %cond3A_363 = arith.constant 0 : i32
          %cond3A_364 = arith.cmpi ne, %convert_element_type3A_362, %cond3A_363 : i32
          scf.if %cond3A_364 {
            %rem3A_365 = arith.constant 1 : i32
            %rem3A_366 = arith.constant 4 : i32
            %rem3A_367 = arith.remsi %rem3A_365, %rem3A_366 : i32
            %add3A_368 = arith.constant 128 : i32
            %add3A_369 = arith.addi %and3A_79, %add3A_368 : i32
            %min3A_370 = arith.constant 999872 : i32
            %min3A_371 = arith.minsi %add3A_369, %min3A_370 : i32
            %multiple_of3A_372 = tpu.assume_multiple %min3A_371, 8 : i32
            %dma_start3A_373 = arith.constant 0 : i32
            %dma_start3A_374 = tpu.memref_slice %arg8[%rem3A_367, %dma_start3A_373] : memref<4x128xi32, #tpu.memory_space<vmem>> -> memref<1x128xi32, #tpu.memory_space<vmem>>
            %dma_start3A_375 = tpu.memref_squeeze %dma_start3A_374 : memref<1x128xi32, #tpu.memory_space<vmem>> -> memref<128xi32, #tpu.memory_space<vmem>>
            %dma_start3A_376 = tpu.memref_slice %arg3[%multiple_of3A_372] : memref<1000000xi32, #tpu.memory_space<hbm>> -> memref<128xi32, #tpu.memory_space<hbm>>
            %dma_start3A_377 = tpu.memref_slice %arg19[%rem3A_367] : memref<4x!tpu.dma_semaphore, #tpu.memory_space<semaphore_mem>> -> memref<1x!tpu.dma_semaphore, #tpu.memory_space<semaphore_mem>>
            %dma_start3A_378 = tpu.memref_squeeze %dma_start3A_377 : memref<1x!tpu.dma_semaphore, #tpu.memory_space<semaphore_mem>> -> memref<!tpu.dma_semaphore, #tpu.memory_space<semaphore_mem>>
            %dma_start3A_379 = arith.constant 0 : i32
            %dma_start3A_380 = tpu.memref_slice %arg8[%rem3A_367, %dma_start3A_379] : memref<4x128xi32, #tpu.memory_space<vmem>> -> memref<1x128xi32, #tpu.memory_space<vmem>>
            %dma_start3A_381 = tpu.memref_squeeze %dma_start3A_380 : memref<1x128xi32, #tpu.memory_space<vmem>> -> memref<128xi32, #tpu.memory_space<vmem>>
            %dma_start3A_382 = tpu.memref_slice %arg3[%multiple_of3A_372] : memref<1000000xi32, #tpu.memory_space<hbm>> -> memref<128xi32, #tpu.memory_space<hbm>>
            tpu.enqueue_dma source(%dma_start3A_382 : memref<128xi32, #tpu.memory_space<hbm>>) target(%dma_start3A_381 : memref<128xi32, #tpu.memory_space<vmem>>) target_semaphore(%dma_start3A_378 : memref<!tpu.dma_semaphore, #tpu.memory_space<semaphore_mem>>)
            %dma_start3A_383 = arith.constant 0 : i32
            %dma_start3A_384 = tpu.memref_slice %arg9[%rem3A_367, %dma_start3A_383] : memref<4x128xi32, #tpu.memory_space<vmem>> -> memref<1x128xi32, #tpu.memory_space<vmem>>
            %dma_start3A_385 = tpu.memref_squeeze %dma_start3A_384 : memref<1x128xi32, #tpu.memory_space<vmem>> -> memref<128xi32, #tpu.memory_space<vmem>>
            %dma_start3A_386 = tpu.memref_slice %arg4[%multiple_of3A_372] : memref<1000000xi32, #tpu.memory_space<hbm>> -> memref<128xi32, #tpu.memory_space<hbm>>
            %dma_start3A_387 = tpu.memref_slice %arg20[%rem3A_367] : memref<4x!tpu.dma_semaphore, #tpu.memory_space<semaphore_mem>> -> memref<1x!tpu.dma_semaphore, #tpu.memory_space<semaphore_mem>>
            %dma_start3A_388 = tpu.memref_squeeze %dma_start3A_387 : memref<1x!tpu.dma_semaphore, #tpu.memory_space<semaphore_mem>> -> memref<!tpu.dma_semaphore, #tpu.memory_space<semaphore_mem>>
            %dma_start3A_389 = arith.constant 0 : i32
            %dma_start3A_390 = tpu.memref_slice %arg9[%rem3A_367, %dma_start3A_389] : memref<4x128xi32, #tpu.memory_space<vmem>> -> memref<1x128xi32, #tpu.memory_space<vmem>>
            %dma_start3A_391 = tpu.memref_squeeze %dma_start3A_390 : memref<1x128xi32, #tpu.memory_space<vmem>> -> memref<128xi32, #tpu.memory_space<vmem>>
            %dma_start3A_392 = tpu.memref_slice %arg4[%multiple_of3A_372] : memref<1000000xi32, #tpu.memory_space<hbm>> -> memref<128xi32, #tpu.memory_space<hbm>>
            tpu.enqueue_dma source(%dma_start3A_392 : memref<128xi32, #tpu.memory_space<hbm>>) target(%dma_start3A_391 : memref<128xi32, #tpu.memory_space<vmem>>) target_semaphore(%dma_start3A_388 : memref<!tpu.dma_semaphore, #tpu.memory_space<semaphore_mem>>)
          } else {
          }
        } else {
        }
        %add3A_113 = arith.constant 0 : i32
        %add3A_114 = arith.addi %add3A_63, %add3A_113 : i32
        %dma_start3A = arith.constant 0 : i32
        %dma_start3A_115 = arith.constant 0 : i32
        %dma_start3A_116 = tpu.memref_slice %arg14[%dma_start3A, %dma_start3A_115] : memref<128x64xf32, #tpu.memory_space<vmem>> -> memref<128x64xf32, #tpu.memory_space<vmem>>
        %dma_start3A_117 = arith.constant 0 : i32
        %dma_start3A_118 = tpu.memref_slice %arg17[%add3A_114, %dma_start3A_117] : memref<13312x64xf32, #tpu.memory_space<vmem_shared>> -> memref<128x64xf32, #tpu.memory_space<vmem_shared>>
        %dma_start3A_119 = arith.constant 0 : i32
        %dma_start3A_120 = tpu.memref_slice %arg17[%add3A_114, %dma_start3A_119] : memref<13312x64xf32, #tpu.memory_space<vmem_shared>> -> memref<128x64xf32, #tpu.memory_space<vmem_shared>>
        %dma_start3A_121 = arith.constant 0 : i32
        %dma_start3A_122 = arith.constant 0 : i32
        %dma_start3A_123 = tpu.memref_slice %arg14[%dma_start3A_121, %dma_start3A_122] : memref<128x64xf32, #tpu.memory_space<vmem>> -> memref<128x64xf32, #tpu.memory_space<vmem>>
        tpu.enqueue_dma source(%dma_start3A_123 : memref<128x64xf32, #tpu.memory_space<vmem>>) target(%dma_start3A_120 : memref<128x64xf32, #tpu.memory_space<vmem_shared>>) target_semaphore(%arg23 : memref<!tpu.dma_semaphore, #tpu.memory_space<semaphore_mem>>)
        %add3A_124 = arith.constant 0 : i32
        %add3A_125 = arith.addi %add3A_63, %add3A_124 : i32
        %dma_start3A_126 = arith.constant 0 : i32
        %dma_start3A_127 = arith.constant 0 : i32
        %dma_start3A_128 = tpu.memref_slice %arg15[%dma_start3A_126, %dma_start3A_127] : memref<128x16xf32, #tpu.memory_space<vmem>> -> memref<128x16xf32, #tpu.memory_space<vmem>>
        %dma_start3A_129 = arith.constant 0 : i32
        %dma_start3A_130 = tpu.memref_slice %arg18[%add3A_125, %dma_start3A_129] : memref<13312x16xf32, #tpu.memory_space<vmem_shared>> -> memref<128x16xf32, #tpu.memory_space<vmem_shared>>
        %dma_start3A_131 = arith.constant 0 : i32
        %dma_start3A_132 = tpu.memref_slice %arg18[%add3A_125, %dma_start3A_131] : memref<13312x16xf32, #tpu.memory_space<vmem_shared>> -> memref<128x16xf32, #tpu.memory_space<vmem_shared>>
        %dma_start3A_133 = arith.constant 0 : i32
        %dma_start3A_134 = arith.constant 0 : i32
        %dma_start3A_135 = tpu.memref_slice %arg15[%dma_start3A_133, %dma_start3A_134] : memref<128x16xf32, #tpu.memory_space<vmem>> -> memref<128x16xf32, #tpu.memory_space<vmem>>
        tpu.enqueue_dma source(%dma_start3A_135 : memref<128x16xf32, #tpu.memory_space<vmem>>) target(%dma_start3A_132 : memref<128x16xf32, #tpu.memory_space<vmem_shared>>) target_semaphore(%arg23 : memref<!tpu.dma_semaphore, #tpu.memory_space<semaphore_mem>>)
        %add3A_136 = arith.constant 128 : i32
        %add3A_137 = arith.addi %add3A_63, %add3A_136 : i32
        %dma_start3A_138 = arith.constant 0 : i32
        %dma_start3A_139 = arith.constant 0 : i32
        %dma_start3A_140 = tpu.memref_slice %arg14[%dma_start3A_138, %dma_start3A_139] : memref<128x64xf32, #tpu.memory_space<vmem>> -> memref<128x64xf32, #tpu.memory_space<vmem>>
        %dma_start3A_141 = arith.constant 0 : i32
        %dma_start3A_142 = tpu.memref_slice %arg17[%add3A_137, %dma_start3A_141] : memref<13312x64xf32, #tpu.memory_space<vmem_shared>> -> memref<128x64xf32, #tpu.memory_space<vmem_shared>>
        %dma_start3A_143 = arith.constant 0 : i32
        %dma_start3A_144 = tpu.memref_slice %arg17[%add3A_137, %dma_start3A_143] : memref<13312x64xf32, #tpu.memory_space<vmem_shared>> -> memref<128x64xf32, #tpu.memory_space<vmem_shared>>
        %dma_start3A_145 = arith.constant 0 : i32
        %dma_start3A_146 = arith.constant 0 : i32
        %dma_start3A_147 = tpu.memref_slice %arg14[%dma_start3A_145, %dma_start3A_146] : memref<128x64xf32, #tpu.memory_space<vmem>> -> memref<128x64xf32, #tpu.memory_space<vmem>>
        tpu.enqueue_dma source(%dma_start3A_147 : memref<128x64xf32, #tpu.memory_space<vmem>>) target(%dma_start3A_144 : memref<128x64xf32, #tpu.memory_space<vmem_shared>>) target_semaphore(%arg23 : memref<!tpu.dma_semaphore, #tpu.memory_space<semaphore_mem>>)
        %add3A_148 = arith.constant 128 : i32
        %add3A_149 = arith.addi %add3A_63, %add3A_148 : i32
        %dma_start3A_150 = arith.constant 0 : i32
        %dma_start3A_151 = arith.constant 0 : i32
        %dma_start3A_152 = tpu.memref_slice %arg15[%dma_start3A_150, %dma_start3A_151] : memref<128x16xf32, #tpu.memory_space<vmem>> -> memref<128x16xf32, #tpu.memory_space<vmem>>
        %dma_start3A_153 = arith.constant 0 : i32
        %dma_start3A_154 = tpu.memref_slice %arg18[%add3A_149, %dma_start3A_153] : memref<13312x16xf32, #tpu.memory_space<vmem_shared>> -> memref<128x16xf32, #tpu.memory_space<vmem_shared>>
        %dma_start3A_155 = arith.constant 0 : i32
        %dma_start3A_156 = tpu.memref_slice %arg18[%add3A_149, %dma_start3A_155] : memref<13312x16xf32, #tpu.memory_space<vmem_shared>> -> memref<128x16xf32, #tpu.memory_space<vmem_shared>>
        %dma_start3A_157 = arith.constant 0 : i32
        %dma_start3A_158 = arith.constant 0 : i32
        %dma_start3A_159 = tpu.memref_slice %arg15[%dma_start3A_157, %dma_start3A_158] : memref<128x16xf32, #tpu.memory_space<vmem>> -> memref<128x16xf32, #tpu.memory_space<vmem>>
        tpu.enqueue_dma source(%dma_start3A_159 : memref<128x16xf32, #tpu.memory_space<vmem>>) target(%dma_start3A_156 : memref<128x16xf32, #tpu.memory_space<vmem_shared>>) target_semaphore(%arg23 : memref<!tpu.dma_semaphore, #tpu.memory_space<semaphore_mem>>)
        %add3A_160 = arith.constant 256 : i32
        %add3A_161 = arith.addi %add3A_63, %add3A_160 : i32
        %dma_start3A_162 = arith.constant 0 : i32
        %dma_start3A_163 = arith.constant 0 : i32
        %dma_start3A_164 = tpu.memref_slice %arg14[%dma_start3A_162, %dma_start3A_163] : memref<128x64xf32, #tpu.memory_space<vmem>> -> memref<128x64xf32, #tpu.memory_space<vmem>>
        %dma_start3A_165 = arith.constant 0 : i32
        %dma_start3A_166 = tpu.memref_slice %arg17[%add3A_161, %dma_start3A_165] : memref<13312x64xf32, #tpu.memory_space<vmem_shared>> -> memref<128x64xf32, #tpu.memory_space<vmem_shared>>
        %dma_start3A_167 = arith.constant 0 : i32
        %dma_start3A_168 = tpu.memref_slice %arg17[%add3A_161, %dma_start3A_167] : memref<13312x64xf32, #tpu.memory_space<vmem_shared>> -> memref<128x64xf32, #tpu.memory_space<vmem_shared>>
        %dma_start3A_169 = arith.constant 0 : i32
        %dma_start3A_170 = arith.constant 0 : i32
        %dma_start3A_171 = tpu.memref_slice %arg14[%dma_start3A_169, %dma_start3A_170] : memref<128x64xf32, #tpu.memory_space<vmem>> -> memref<128x64xf32, #tpu.memory_space<vmem>>
        tpu.enqueue_dma source(%dma_start3A_171 : memref<128x64xf32, #tpu.memory_space<vmem>>) target(%dma_start3A_168 : memref<128x64xf32, #tpu.memory_space<vmem_shared>>) target_semaphore(%arg23 : memref<!tpu.dma_semaphore, #tpu.memory_space<semaphore_mem>>)
        %add3A_172 = arith.constant 256 : i32
        %add3A_173 = arith.addi %add3A_63, %add3A_172 : i32
        %dma_start3A_174 = arith.constant 0 : i32
        %dma_start3A_175 = arith.constant 0 : i32
        %dma_start3A_176 = tpu.memref_slice %arg15[%dma_start3A_174, %dma_start3A_175] : memref<128x16xf32, #tpu.memory_space<vmem>> -> memref<128x16xf32, #tpu.memory_space<vmem>>
        %dma_start3A_177 = arith.constant 0 : i32
        %dma_start3A_178 = tpu.memref_slice %arg18[%add3A_173, %dma_start3A_177] : memref<13312x16xf32, #tpu.memory_space<vmem_shared>> -> memref<128x16xf32, #tpu.memory_space<vmem_shared>>
        %dma_start3A_179 = arith.constant 0 : i32
        %dma_start3A_180 = tpu.memref_slice %arg18[%add3A_173, %dma_start3A_179] : memref<13312x16xf32, #tpu.memory_space<vmem_shared>> -> memref<128x16xf32, #tpu.memory_space<vmem_shared>>
        %dma_start3A_181 = arith.constant 0 : i32
        %dma_start3A_182 = arith.constant 0 : i32
        %dma_start3A_183 = tpu.memref_slice %arg15[%dma_start3A_181, %dma_start3A_182] : memref<128x16xf32, #tpu.memory_space<vmem>> -> memref<128x16xf32, #tpu.memory_space<vmem>>
        tpu.enqueue_dma source(%dma_start3A_183 : memref<128x16xf32, #tpu.memory_space<vmem>>) target(%dma_start3A_180 : memref<128x16xf32, #tpu.memory_space<vmem_shared>>) target_semaphore(%arg23 : memref<!tpu.dma_semaphore, #tpu.memory_space<semaphore_mem>>)
        %add3A_184 = arith.constant 384 : i32
        %add3A_185 = arith.addi %add3A_63, %add3A_184 : i32
        %dma_start3A_186 = arith.constant 0 : i32
        %dma_start3A_187 = arith.constant 0 : i32
        %dma_start3A_188 = tpu.memref_slice %arg14[%dma_start3A_186, %dma_start3A_187] : memref<128x64xf32, #tpu.memory_space<vmem>> -> memref<17x64xf32, #tpu.memory_space<vmem>>
        %dma_start3A_189 = arith.constant 0 : i32
        %dma_start3A_190 = tpu.memref_slice %arg17[%add3A_185, %dma_start3A_189] : memref<13312x64xf32, #tpu.memory_space<vmem_shared>> -> memref<17x64xf32, #tpu.memory_space<vmem_shared>>
        %dma_start3A_191 = arith.constant 0 : i32
        %dma_start3A_192 = tpu.memref_slice %arg17[%add3A_185, %dma_start3A_191] : memref<13312x64xf32, #tpu.memory_space<vmem_shared>> -> memref<17x64xf32, #tpu.memory_space<vmem_shared>>
        %dma_start3A_193 = arith.constant 0 : i32
        %dma_start3A_194 = arith.constant 0 : i32
        %dma_start3A_195 = tpu.memref_slice %arg14[%dma_start3A_193, %dma_start3A_194] : memref<128x64xf32, #tpu.memory_space<vmem>> -> memref<17x64xf32, #tpu.memory_space<vmem>>
        tpu.enqueue_dma source(%dma_start3A_195 : memref<17x64xf32, #tpu.memory_space<vmem>>) target(%dma_start3A_192 : memref<17x64xf32, #tpu.memory_space<vmem_shared>>) target_semaphore(%arg23 : memref<!tpu.dma_semaphore, #tpu.memory_space<semaphore_mem>>)
        %add3A_196 = arith.constant 384 : i32
        %add3A_197 = arith.addi %add3A_63, %add3A_196 : i32
        %dma_start3A_198 = arith.constant 0 : i32
        %dma_start3A_199 = arith.constant 0 : i32
        %dma_start3A_200 = tpu.memref_slice %arg15[%dma_start3A_198, %dma_start3A_199] : memref<128x16xf32, #tpu.memory_space<vmem>> -> memref<17x16xf32, #tpu.memory_space<vmem>>
        %dma_start3A_201 = arith.constant 0 : i32
        %dma_start3A_202 = tpu.memref_slice %arg18[%add3A_197, %dma_start3A_201] : memref<13312x16xf32, #tpu.memory_space<vmem_shared>> -> memref<17x16xf32, #tpu.memory_space<vmem_shared>>
        %dma_start3A_203 = arith.constant 0 : i32
        %dma_start3A_204 = tpu.memref_slice %arg18[%add3A_197, %dma_start3A_203] : memref<13312x16xf32, #tpu.memory_space<vmem_shared>> -> memref<17x16xf32, #tpu.memory_space<vmem_shared>>
        %dma_start3A_205 = arith.constant 0 : i32
        %dma_start3A_206 = arith.constant 0 : i32
        %dma_start3A_207 = tpu.memref_slice %arg15[%dma_start3A_205, %dma_start3A_206] : memref<128x16xf32, #tpu.memory_space<vmem>> -> memref<17x16xf32, #tpu.memory_space<vmem>>
        tpu.enqueue_dma source(%dma_start3A_207 : memref<17x16xf32, #tpu.memory_space<vmem>>) target(%dma_start3A_204 : memref<17x16xf32, #tpu.memory_space<vmem_shared>>) target_semaphore(%arg23 : memref<!tpu.dma_semaphore, #tpu.memory_space<semaphore_mem>>)
        %gt3A_208 = arith.constant 0 : i32
        %gt3A_209 = arith.cmpi sgt, %select_n3A_106, %gt3A_208 : i32
        %convert_element_type3A_210 = arith.extui %gt3A_209 : i1 to i32
        %cond3A_211 = arith.constant 0 : i32
        %cond3A_212 = arith.cmpi ne, %convert_element_type3A_210, %cond3A_211 : i32
        scf.if %cond3A_212 {
          %rem3A_334 = arith.constant 0 : i32
          %rem3A_335 = arith.constant 4 : i32
          %rem3A_336 = arith.remsi %rem3A_334, %rem3A_335 : i32
          %rem3A_337 = arith.constant 0 : i32
          %rem3A_338 = arith.constant 2 : i32
          %rem3A_339 = arith.remsi %rem3A_337, %rem3A_338 : i32
          %add3A_340 = arith.constant 0 : i32
          %add3A_341 = arith.addi %and3A_79, %add3A_340 : i32
          %min3A = arith.constant 999872 : i32
          %min3A_342 = arith.minsi %add3A_341, %min3A : i32
          %multiple_of3A = tpu.assume_multiple %min3A_342, 8 : i32
          %dma_wait3A_343 = arith.constant 0 : i32
          %dma_wait3A_344 = tpu.memref_slice %arg8[%rem3A_336, %dma_wait3A_343] : memref<4x128xi32, #tpu.memory_space<vmem>> -> memref<1x128xi32, #tpu.memory_space<vmem>>
          %dma_wait3A_345 = tpu.memref_squeeze %dma_wait3A_344 : memref<1x128xi32, #tpu.memory_space<vmem>> -> memref<128xi32, #tpu.memory_space<vmem>>
          %dma_wait3A_346 = tpu.memref_slice %arg3[%multiple_of3A] : memref<1000000xi32, #tpu.memory_space<hbm>> -> memref<128xi32, #tpu.memory_space<hbm>>
          %dma_wait3A_347 = tpu.memref_slice %arg19[%rem3A_336] : memref<4x!tpu.dma_semaphore, #tpu.memory_space<semaphore_mem>> -> memref<1x!tpu.dma_semaphore, #tpu.memory_space<semaphore_mem>>
          %dma_wait3A_348 = tpu.memref_squeeze %dma_wait3A_347 : memref<1x!tpu.dma_semaphore, #tpu.memory_space<semaphore_mem>> -> memref<!tpu.dma_semaphore, #tpu.memory_space<semaphore_mem>>
          %dma_wait3A_349 = arith.constant 0 : i32
          %dma_wait3A_350 = tpu.memref_slice %arg8[%rem3A_336, %dma_wait3A_349] : memref<4x128xi32, #tpu.memory_space<vmem>> -> memref<1x128xi32, #tpu.memory_space<vmem>>
          %dma_wait3A_351 = tpu.memref_squeeze %dma_wait3A_350 : memref<1x128xi32, #tpu.memory_space<vmem>> -> memref<128xi32, #tpu.memory_space<vmem>>
          %dma_wait3A_352 = tpu.memref_slice %arg3[%multiple_of3A] : memref<1000000xi32, #tpu.memory_space<hbm>> -> memref<128xi32, #tpu.memory_space<hbm>>
          tpu.wait_dma2 semaphore(%dma_wait3A_348 : memref<!tpu.dma_semaphore, #tpu.memory_space<semaphore_mem>>) src(%dma_wait3A_352 : memref<128xi32, #tpu.memory_space<hbm>>) dst(%dma_wait3A_351 : memref<128xi32, #tpu.memory_space<vmem>>)
          %dma_start3A_353 = arith.constant 0 : i32
          %dma_start3A_354 = arith.constant 0 : i32
          %dma_start3A_355 = tpu.memref_slice %arg11[%rem3A_339, %dma_start3A_353, %dma_start3A_354] : memref<2x128x64xf32, #tpu.memory_space<vmem>> -> memref<1x128x64xf32, #tpu.memory_space<vmem>>
          %dma_start3A_356 = tpu.memref_squeeze %dma_start3A_355 : memref<1x128x64xf32, #tpu.memory_space<vmem>> -> memref<128x64xf32, #tpu.memory_space<vmem>>
          %dma_start3A_357 = arith.constant 0 : i32
          %dma_start3A_358 = tpu.memref_slice %arg8[%rem3A_336, %dma_start3A_357] : memref<4x128xi32, #tpu.memory_space<vmem>> -> memref<1x128xi32, #tpu.memory_space<vmem>>
          %dma_start3A_359 = tpu.memref_squeeze %dma_start3A_358 : memref<1x128xi32, #tpu.memory_space<vmem>> -> memref<128xi32, #tpu.memory_space<vmem>>
          %dma_start3A_360 = arith.constant 0 : i32
          %dma_start3A_361 = arith.constant 0 : i32
          %dma_start3A_362 = tpu.memref_slice %arg2[%dma_start3A_360, %dma_start3A_361] : memref<1000000x64xf32, #tpu.memory_space<hbm>> -> memref<1000000x64xf32, #tpu.memory_space<hbm>>
          %dma_start3A_363 = tpu.memref_slice %arg21[%rem3A_339] : memref<2x!tpu.dma_semaphore, #tpu.memory_space<semaphore_mem>> -> memref<1x!tpu.dma_semaphore, #tpu.memory_space<semaphore_mem>>
          %dma_start3A_364 = tpu.memref_squeeze %dma_start3A_363 : memref<1x!tpu.dma_semaphore, #tpu.memory_space<semaphore_mem>> -> memref<!tpu.dma_semaphore, #tpu.memory_space<semaphore_mem>>
          tpu.enqueue_indirect_dma source(%dma_start3A_362 : memref<1000000x64xf32, #tpu.memory_space<hbm>>) target(%dma_start3A_356 : memref<128x64xf32, #tpu.memory_space<vmem>>) offsets(%dma_start3A_359 : memref<128xi32, #tpu.memory_space<vmem>>) semaphore(%dma_start3A_364 : memref<!tpu.dma_semaphore, #tpu.memory_space<semaphore_mem>>)
        } else {
        }
        %gt3A_213 = arith.constant 0 : i32
        %gt3A_214 = arith.cmpi sgt, %scan3A_54, %gt3A_213 : i32
        %convert_element_type3A_215 = arith.extui %gt3A_214 : i1 to i32
        %cond3A_216 = arith.constant 0 : i32
        %cond3A_217 = arith.cmpi ne, %convert_element_type3A_215, %cond3A_216 : i32
        scf.if %cond3A_217 {
          %sub3A_334 = arith.constant 32 : i32
          %sub3A_335 = arith.subi %add3A_58, %sub3A_334 : i32
          "tpu.region"() ({
            %run_scoped3A = tpu.sem_alloc : memref<!tpu.dma_semaphore, #tpu.memory_space<semaphore_mem>>
            %dma_start3A_345 = arith.constant 0 : i32
            %dma_start3A_346 = tpu.memref_slice %arg17[%add3A_70, %dma_start3A_345] : memref<13312x64xf32, #tpu.memory_space<vmem_shared>> -> memref<400x64xf32, #tpu.memory_space<vmem_shared>>
            %dma_start3A_347 = arith.constant 0 : i32
            %dma_start3A_348 = tpu.memref_slice %arg17[%add3A_70, %dma_start3A_347] : memref<13312x64xf32, #tpu.memory_space<vmem_shared>> -> memref<400x64xf32, #tpu.memory_space<vmem_shared>>
            tpu.enqueue_dma source(%dma_start3A_348 : memref<400x64xf32, #tpu.memory_space<vmem_shared>>) target(%arg12 : memref<400x64xf32, #tpu.memory_space<vmem>>) target_semaphore(%run_scoped3A : memref<!tpu.dma_semaphore, #tpu.memory_space<semaphore_mem>>)
            %dma_wait3A_349 = arith.constant 0 : i32
            %dma_wait3A_350 = tpu.memref_slice %arg17[%add3A_70, %dma_wait3A_349] : memref<13312x64xf32, #tpu.memory_space<vmem_shared>> -> memref<400x64xf32, #tpu.memory_space<vmem_shared>>
            %dma_wait3A_351 = arith.constant 0 : i32
            %dma_wait3A_352 = tpu.memref_slice %arg17[%add3A_70, %dma_wait3A_351] : memref<13312x64xf32, #tpu.memory_space<vmem_shared>> -> memref<400x64xf32, #tpu.memory_space<vmem_shared>>
            tpu.wait_dma2 semaphore(%run_scoped3A : memref<!tpu.dma_semaphore, #tpu.memory_space<semaphore_mem>>) src(%dma_wait3A_352 : memref<400x64xf32, #tpu.memory_space<vmem_shared>>) dst(%arg12 : memref<400x64xf32, #tpu.memory_space<vmem>>)
            tpu.yield
          }) : () -> ()
          "tpu.region"() ({
            %run_scoped3A = tpu.sem_alloc : memref<!tpu.dma_semaphore, #tpu.memory_space<semaphore_mem>>
            %dma_start3A_345 = arith.constant 0 : i32
            %dma_start3A_346 = tpu.memref_slice %arg18[%add3A_70, %dma_start3A_345] : memref<13312x16xf32, #tpu.memory_space<vmem_shared>> -> memref<400x16xf32, #tpu.memory_space<vmem_shared>>
            %dma_start3A_347 = arith.constant 0 : i32
            %dma_start3A_348 = tpu.memref_slice %arg18[%add3A_70, %dma_start3A_347] : memref<13312x16xf32, #tpu.memory_space<vmem_shared>> -> memref<400x16xf32, #tpu.memory_space<vmem_shared>>
            tpu.enqueue_dma source(%dma_start3A_348 : memref<400x16xf32, #tpu.memory_space<vmem_shared>>) target(%arg13 : memref<400x16xf32, #tpu.memory_space<vmem>>) target_semaphore(%run_scoped3A : memref<!tpu.dma_semaphore, #tpu.memory_space<semaphore_mem>>)
            %dma_wait3A_349 = arith.constant 0 : i32
            %dma_wait3A_350 = tpu.memref_slice %arg18[%add3A_70, %dma_wait3A_349] : memref<13312x16xf32, #tpu.memory_space<vmem_shared>> -> memref<400x16xf32, #tpu.memory_space<vmem_shared>>
            %dma_wait3A_351 = arith.constant 0 : i32
            %dma_wait3A_352 = tpu.memref_slice %arg18[%add3A_70, %dma_wait3A_351] : memref<13312x16xf32, #tpu.memory_space<vmem_shared>> -> memref<400x16xf32, #tpu.memory_space<vmem_shared>>
            tpu.wait_dma2 semaphore(%run_scoped3A : memref<!tpu.dma_semaphore, #tpu.memory_space<semaphore_mem>>) src(%dma_wait3A_352 : memref<400x16xf32, #tpu.memory_space<vmem_shared>>) dst(%arg13 : memref<400x16xf32, #tpu.memory_space<vmem>>)
            tpu.yield
          }) : () -> ()
          %scan3A_336 = arith.constant 0 : i32
          %scan3A_337 = arith.constant 0 : i32
          %scan3A_338 = arith.constant 400 : i32
          %scan3A_339 = arith.addi %scan3A_337, %scan3A_338 : i32
          %scan3A_340 = arith.constant 1 : i32
          %scan3A_341 = scf.for %scan3A_345 = %scan3A_337 to %scan3A_339 step %scan3A_340 iter_args(%scan3A_346 = %scan3A_336) -> (i32)  : i32 {
            %get3A_347 = arith.index_cast %scan3A_345 : i32 to index
            %get3A_348 = arith.constant 0 : index
            %get3A_349 = tpu.vector_load %arg13[%get3A_347, %get3A_348] {strides = array<i32>} : memref<400x16xf32, #tpu.memory_space<vmem>>, vector<1x16xf32>,
            %get3A_350 = vector.shape_cast %get3A_349 : vector<1x16xf32> to vector<16xf32>
            %max3A = arith.constant 1.000000e+00 : f32
            %max3A_351 = vector.broadcast %max3A : f32 to vector<16xf32>
            %max3A_352 = arith.maximumf %get3A_350, %max3A_351 : vector<16xf32>
            %div3A_353 = arith.constant 1.000000e+00 : f32
            %div3A_354 = vector.broadcast %div3A_353 : f32 to vector<16xf32>
            %div3A_355 = arith.divf %div3A_354, %max3A_352 : vector<16xf32>
            %get3A_356 = arith.index_cast %scan3A_345 : i32 to index
            %get3A_357 = arith.constant 0 : index
            %get3A_358 = tpu.vector_load %arg12[%get3A_356, %get3A_357] {strides = array<i32>} : memref<400x64xf32, #tpu.memory_space<vmem>>, vector<1x16xf32>,
            %get3A_359 = vector.shape_cast %get3A_358 : vector<1x16xf32> to vector<16xf32>
            %mul3A_360 = arith.mulf %get3A_359, %div3A_355 : vector<16xf32>
            %swap3A = arith.index_cast %scan3A_345 : i32 to index
            %swap3A_361 = arith.constant 0 : index
            %swap3A_362 = tpu.vector_load %arg12[%swap3A, %swap3A_361] {strides = array<i32>} : memref<400x64xf32, #tpu.memory_space<vmem>>, vector<1x16xf32>,
            %swap3A_363 = vector.shape_cast %swap3A_362 : vector<1x16xf32> to vector<16xf32>
            %swap3A_364 = vector.shape_cast %mul3A_360 : vector<16xf32> to vector<1x16xf32>
            tpu.vector_store %arg12[%swap3A, %swap3A_361], %swap3A_364 {strides = array<i32>} : memref<400x64xf32, #tpu.memory_space<vmem>>, vector<1x16xf32>,
            %get3A_365 = arith.index_cast %scan3A_345 : i32 to index
            %get3A_366 = arith.constant 16 : index
            %get3A_367 = tpu.vector_load %arg12[%get3A_365, %get3A_366] {strides = array<i32>} : memref<400x64xf32, #tpu.memory_space<vmem>>, vector<1x16xf32>,
            %get3A_368 = vector.shape_cast %get3A_367 : vector<1x16xf32> to vector<16xf32>
            %mul3A_369 = arith.mulf %get3A_368, %div3A_355 : vector<16xf32>
            %swap3A_370 = arith.index_cast %scan3A_345 : i32 to index
            %swap3A_371 = arith.constant 16 : index
            %swap3A_372 = tpu.vector_load %arg12[%swap3A_370, %swap3A_371] {strides = array<i32>} : memref<400x64xf32, #tpu.memory_space<vmem>>, vector<1x16xf32>,
            %swap3A_373 = vector.shape_cast %swap3A_372 : vector<1x16xf32> to vector<16xf32>
            %swap3A_374 = vector.shape_cast %mul3A_369 : vector<16xf32> to vector<1x16xf32>
            tpu.vector_store %arg12[%swap3A_370, %swap3A_371], %swap3A_374 {strides = array<i32>} : memref<400x64xf32, #tpu.memory_space<vmem>>, vector<1x16xf32>,
            %get3A_375 = arith.index_cast %scan3A_345 : i32 to index
            %get3A_376 = arith.constant 32 : index
            %get3A_377 = tpu.vector_load %arg12[%get3A_375, %get3A_376] {strides = array<i32>} : memref<400x64xf32, #tpu.memory_space<vmem>>, vector<1x16xf32>,
            %get3A_378 = vector.shape_cast %get3A_377 : vector<1x16xf32> to vector<16xf32>
            %mul3A_379 = arith.mulf %get3A_378, %div3A_355 : vector<16xf32>
            %swap3A_380 = arith.index_cast %scan3A_345 : i32 to index
            %swap3A_381 = arith.constant 32 : index
            %swap3A_382 = tpu.vector_load %arg12[%swap3A_380, %swap3A_381] {strides = array<i32>} : memref<400x64xf32, #tpu.memory_space<vmem>>, vector<1x16xf32>,
            %swap3A_383 = vector.shape_cast %swap3A_382 : vector<1x16xf32> to vector<16xf32>
            %swap3A_384 = vector.shape_cast %mul3A_379 : vector<16xf32> to vector<1x16xf32>
            tpu.vector_store %arg12[%swap3A_380, %swap3A_381], %swap3A_384 {strides = array<i32>} : memref<400x64xf32, #tpu.memory_space<vmem>>, vector<1x16xf32>,
            %get3A_385 = arith.index_cast %scan3A_345 : i32 to index
            %get3A_386 = arith.constant 48 : index
            %get3A_387 = tpu.vector_load %arg12[%get3A_385, %get3A_386] {strides = array<i32>} : memref<400x64xf32, #tpu.memory_space<vmem>>, vector<1x16xf32>,
            %get3A_388 = vector.shape_cast %get3A_387 : vector<1x16xf32> to vector<16xf32>
            %mul3A_389 = arith.mulf %get3A_388, %div3A_355 : vector<16xf32>
            %swap3A_390 = arith.index_cast %scan3A_345 : i32 to index
            %swap3A_391 = arith.constant 48 : index
            %swap3A_392 = tpu.vector_load %arg12[%swap3A_390, %swap3A_391] {strides = array<i32>} : memref<400x64xf32, #tpu.memory_space<vmem>>, vector<1x16xf32>,
            %swap3A_393 = vector.shape_cast %swap3A_392 : vector<1x16xf32> to vector<16xf32>
            %swap3A_394 = vector.shape_cast %mul3A_389 : vector<16xf32> to vector<1x16xf32>
            tpu.vector_store %arg12[%swap3A_390, %swap3A_391], %swap3A_394 {strides = array<i32>} : memref<400x64xf32, #tpu.memory_space<vmem>>, vector<1x16xf32>,
            %scan3A_395 = arith.constant 0 : i32
            scf.yield %scan3A_395 : i32
          }
          %scan3A_342 = arith.constant 400 : i32
          %mul3A_343 = arith.constant 400 : i32
          %mul3A_344 = arith.muli %sub3A_335, %mul3A_343 : i32
          "tpu.region"() ({
            %run_scoped3A = tpu.sem_alloc : memref<!tpu.dma_semaphore, #tpu.memory_space<semaphore_mem>>
            %dma_start3A_345 = arith.constant 0 : i32
            %dma_start3A_346 = arith.constant 0 : i32
            %dma_start3A_347 = tpu.memref_slice %arg12[%dma_start3A_345, %dma_start3A_346] : memref<400x64xf32, #tpu.memory_space<vmem>> -> memref<400x64xf32, #tpu.memory_space<vmem>>
            %dma_start3A_348 = arith.constant 0 : i32
            %dma_start3A_349 = tpu.memref_slice %arg6[%mul3A_344, %dma_start3A_348] : memref<250000x64xf32, #tpu.memory_space<hbm>> -> memref<400x64xf32, #tpu.memory_space<hbm>>
            %dma_start3A_350 = arith.constant 0 : i32
            %dma_start3A_351 = tpu.memref_slice %arg6[%mul3A_344, %dma_start3A_350] : memref<250000x64xf32, #tpu.memory_space<hbm>> -> memref<400x64xf32, #tpu.memory_space<hbm>>
            %dma_start3A_352 = arith.constant 0 : i32
            %dma_start3A_353 = arith.constant 0 : i32
            %dma_start3A_354 = tpu.memref_slice %arg12[%dma_start3A_352, %dma_start3A_353] : memref<400x64xf32, #tpu.memory_space<vmem>> -> memref<400x64xf32, #tpu.memory_space<vmem>>
            tpu.enqueue_dma source(%dma_start3A_354 : memref<400x64xf32, #tpu.memory_space<vmem>>) target(%dma_start3A_351 : memref<400x64xf32, #tpu.memory_space<hbm>>) target_semaphore(%run_scoped3A : memref<!tpu.dma_semaphore, #tpu.memory_space<semaphore_mem>>)
            %dma_wait3A_355 = arith.constant 0 : i32
            %dma_wait3A_356 = arith.constant 0 : i32
            %dma_wait3A_357 = tpu.memref_slice %arg12[%dma_wait3A_355, %dma_wait3A_356] : memref<400x64xf32, #tpu.memory_space<vmem>> -> memref<400x64xf32, #tpu.memory_space<vmem>>
            %dma_wait3A_358 = arith.constant 0 : i32
            %dma_wait3A_359 = tpu.memref_slice %arg6[%mul3A_344, %dma_wait3A_358] : memref<250000x64xf32, #tpu.memory_space<hbm>> -> memref<400x64xf32, #tpu.memory_space<hbm>>
            %dma_wait3A_360 = arith.constant 0 : i32
            %dma_wait3A_361 = tpu.memref_slice %arg6[%mul3A_344, %dma_wait3A_360] : memref<250000x64xf32, #tpu.memory_space<hbm>> -> memref<400x64xf32, #tpu.memory_space<hbm>>
            %dma_wait3A_362 = arith.constant 0 : i32
            %dma_wait3A_363 = arith.constant 0 : i32
            %dma_wait3A_364 = tpu.memref_slice %arg12[%dma_wait3A_362, %dma_wait3A_363] : memref<400x64xf32, #tpu.memory_space<vmem>> -> memref<400x64xf32, #tpu.memory_space<vmem>>
            tpu.wait_dma2 semaphore(%run_scoped3A : memref<!tpu.dma_semaphore, #tpu.memory_space<semaphore_mem>>) src(%dma_wait3A_364 : memref<400x64xf32, #tpu.memory_space<vmem>>) dst(%dma_wait3A_361 : memref<400x64xf32, #tpu.memory_space<hbm>>)
            tpu.yield
          }) : () -> ()
        } else {
        }
        %add3A_218 = arith.constant 0 : i32
        %add3A_219 = arith.addi %add3A_63, %add3A_218 : i32
        %dma_wait3A = arith.constant 0 : i32
        %dma_wait3A_220 = arith.constant 0 : i32
        %dma_wait3A_221 = tpu.memref_slice %arg14[%dma_wait3A, %dma_wait3A_220] : memref<128x64xf32, #tpu.memory_space<vmem>> -> memref<128x64xf32, #tpu.memory_space<vmem>>
        %dma_wait3A_222 = arith.constant 0 : i32
        %dma_wait3A_223 = tpu.memref_slice %arg17[%add3A_219, %dma_wait3A_222] : memref<13312x64xf32, #tpu.memory_space<vmem_shared>> -> memref<128x64xf32, #tpu.memory_space<vmem_shared>>
        %dma_wait3A_224 = arith.constant 0 : i32
        %dma_wait3A_225 = tpu.memref_slice %arg17[%add3A_219, %dma_wait3A_224] : memref<13312x64xf32, #tpu.memory_space<vmem_shared>> -> memref<128x64xf32, #tpu.memory_space<vmem_shared>>
        %dma_wait3A_226 = arith.constant 0 : i32
        %dma_wait3A_227 = arith.constant 0 : i32
        %dma_wait3A_228 = tpu.memref_slice %arg14[%dma_wait3A_226, %dma_wait3A_227] : memref<128x64xf32, #tpu.memory_space<vmem>> -> memref<128x64xf32, #tpu.memory_space<vmem>>
        tpu.wait_dma2 semaphore(%arg23 : memref<!tpu.dma_semaphore, #tpu.memory_space<semaphore_mem>>) src(%dma_wait3A_228 : memref<128x64xf32, #tpu.memory_space<vmem>>) dst(%dma_wait3A_225 : memref<128x64xf32, #tpu.memory_space<vmem_shared>>)
        %add3A_229 = arith.constant 0 : i32
        %add3A_230 = arith.addi %add3A_63, %add3A_229 : i32
        %dma_wait3A_231 = arith.constant 0 : i32
        %dma_wait3A_232 = arith.constant 0 : i32
        %dma_wait3A_233 = tpu.memref_slice %arg15[%dma_wait3A_231, %dma_wait3A_232] : memref<128x16xf32, #tpu.memory_space<vmem>> -> memref<128x16xf32, #tpu.memory_space<vmem>>
        %dma_wait3A_234 = arith.constant 0 : i32
        %dma_wait3A_235 = tpu.memref_slice %arg18[%add3A_230, %dma_wait3A_234] : memref<13312x16xf32, #tpu.memory_space<vmem_shared>> -> memref<128x16xf32, #tpu.memory_space<vmem_shared>>
        %dma_wait3A_236 = arith.constant 0 : i32
        %dma_wait3A_237 = tpu.memref_slice %arg18[%add3A_230, %dma_wait3A_236] : memref<13312x16xf32, #tpu.memory_space<vmem_shared>> -> memref<128x16xf32, #tpu.memory_space<vmem_shared>>
        %dma_wait3A_238 = arith.constant 0 : i32
        %dma_wait3A_239 = arith.constant 0 : i32
        %dma_wait3A_240 = tpu.memref_slice %arg15[%dma_wait3A_238, %dma_wait3A_239] : memref<128x16xf32, #tpu.memory_space<vmem>> -> memref<128x16xf32, #tpu.memory_space<vmem>>
        tpu.wait_dma2 semaphore(%arg23 : memref<!tpu.dma_semaphore, #tpu.memory_space<semaphore_mem>>) src(%dma_wait3A_240 : memref<128x16xf32, #tpu.memory_space<vmem>>) dst(%dma_wait3A_237 : memref<128x16xf32, #tpu.memory_space<vmem_shared>>)
        %add3A_241 = arith.constant 128 : i32
        %add3A_242 = arith.addi %add3A_63, %add3A_241 : i32
        %dma_wait3A_243 = arith.constant 0 : i32
        %dma_wait3A_244 = arith.constant 0 : i32
        %dma_wait3A_245 = tpu.memref_slice %arg14[%dma_wait3A_243, %dma_wait3A_244] : memref<128x64xf32, #tpu.memory_space<vmem>> -> memref<128x64xf32, #tpu.memory_space<vmem>>
        %dma_wait3A_246 = arith.constant 0 : i32
        %dma_wait3A_247 = tpu.memref_slice %arg17[%add3A_242, %dma_wait3A_246] : memref<13312x64xf32, #tpu.memory_space<vmem_shared>> -> memref<128x64xf32, #tpu.memory_space<vmem_shared>>
        %dma_wait3A_248 = arith.constant 0 : i32
        %dma_wait3A_249 = tpu.memref_slice %arg17[%add3A_242, %dma_wait3A_248] : memref<13312x64xf32, #tpu.memory_space<vmem_shared>> -> memref<128x64xf32, #tpu.memory_space<vmem_shared>>
        %dma_wait3A_250 = arith.constant 0 : i32
        %dma_wait3A_251 = arith.constant 0 : i32
        %dma_wait3A_252 = tpu.memref_slice %arg14[%dma_wait3A_250, %dma_wait3A_251] : memref<128x64xf32, #tpu.memory_space<vmem>> -> memref<128x64xf32, #tpu.memory_space<vmem>>
        tpu.wait_dma2 semaphore(%arg23 : memref<!tpu.dma_semaphore, #tpu.memory_space<semaphore_mem>>) src(%dma_wait3A_252 : memref<128x64xf32, #tpu.memory_space<vmem>>) dst(%dma_wait3A_249 : memref<128x64xf32, #tpu.memory_space<vmem_shared>>)
        %add3A_253 = arith.constant 128 : i32
        %add3A_254 = arith.addi %add3A_63, %add3A_253 : i32
        %dma_wait3A_255 = arith.constant 0 : i32
        %dma_wait3A_256 = arith.constant 0 : i32
        %dma_wait3A_257 = tpu.memref_slice %arg15[%dma_wait3A_255, %dma_wait3A_256] : memref<128x16xf32, #tpu.memory_space<vmem>> -> memref<128x16xf32, #tpu.memory_space<vmem>>
        %dma_wait3A_258 = arith.constant 0 : i32
        %dma_wait3A_259 = tpu.memref_slice %arg18[%add3A_254, %dma_wait3A_258] : memref<13312x16xf32, #tpu.memory_space<vmem_shared>> -> memref<128x16xf32, #tpu.memory_space<vmem_shared>>
        %dma_wait3A_260 = arith.constant 0 : i32
        %dma_wait3A_261 = tpu.memref_slice %arg18[%add3A_254, %dma_wait3A_260] : memref<13312x16xf32, #tpu.memory_space<vmem_shared>> -> memref<128x16xf32, #tpu.memory_space<vmem_shared>>
        %dma_wait3A_262 = arith.constant 0 : i32
        %dma_wait3A_263 = arith.constant 0 : i32
        %dma_wait3A_264 = tpu.memref_slice %arg15[%dma_wait3A_262, %dma_wait3A_263] : memref<128x16xf32, #tpu.memory_space<vmem>> -> memref<128x16xf32, #tpu.memory_space<vmem>>
        tpu.wait_dma2 semaphore(%arg23 : memref<!tpu.dma_semaphore, #tpu.memory_space<semaphore_mem>>) src(%dma_wait3A_264 : memref<128x16xf32, #tpu.memory_space<vmem>>) dst(%dma_wait3A_261 : memref<128x16xf32, #tpu.memory_space<vmem_shared>>)
        %add3A_265 = arith.constant 256 : i32
        %add3A_266 = arith.addi %add3A_63, %add3A_265 : i32
        %dma_wait3A_267 = arith.constant 0 : i32
        %dma_wait3A_268 = arith.constant 0 : i32
        %dma_wait3A_269 = tpu.memref_slice %arg14[%dma_wait3A_267, %dma_wait3A_268] : memref<128x64xf32, #tpu.memory_space<vmem>> -> memref<128x64xf32, #tpu.memory_space<vmem>>
        %dma_wait3A_270 = arith.constant 0 : i32
        %dma_wait3A_271 = tpu.memref_slice %arg17[%add3A_266, %dma_wait3A_270] : memref<13312x64xf32, #tpu.memory_space<vmem_shared>> -> memref<128x64xf32, #tpu.memory_space<vmem_shared>>
        %dma_wait3A_272 = arith.constant 0 : i32
        %dma_wait3A_273 = tpu.memref_slice %arg17[%add3A_266, %dma_wait3A_272] : memref<13312x64xf32, #tpu.memory_space<vmem_shared>> -> memref<128x64xf32, #tpu.memory_space<vmem_shared>>
        %dma_wait3A_274 = arith.constant 0 : i32
        %dma_wait3A_275 = arith.constant 0 : i32
        %dma_wait3A_276 = tpu.memref_slice %arg14[%dma_wait3A_274, %dma_wait3A_275] : memref<128x64xf32, #tpu.memory_space<vmem>> -> memref<128x64xf32, #tpu.memory_space<vmem>>
        tpu.wait_dma2 semaphore(%arg23 : memref<!tpu.dma_semaphore, #tpu.memory_space<semaphore_mem>>) src(%dma_wait3A_276 : memref<128x64xf32, #tpu.memory_space<vmem>>) dst(%dma_wait3A_273 : memref<128x64xf32, #tpu.memory_space<vmem_shared>>)
        %add3A_277 = arith.constant 256 : i32
        %add3A_278 = arith.addi %add3A_63, %add3A_277 : i32
        %dma_wait3A_279 = arith.constant 0 : i32
        %dma_wait3A_280 = arith.constant 0 : i32
        %dma_wait3A_281 = tpu.memref_slice %arg15[%dma_wait3A_279, %dma_wait3A_280] : memref<128x16xf32, #tpu.memory_space<vmem>> -> memref<128x16xf32, #tpu.memory_space<vmem>>
        %dma_wait3A_282 = arith.constant 0 : i32
        %dma_wait3A_283 = tpu.memref_slice %arg18[%add3A_278, %dma_wait3A_282] : memref<13312x16xf32, #tpu.memory_space<vmem_shared>> -> memref<128x16xf32, #tpu.memory_space<vmem_shared>>
        %dma_wait3A_284 = arith.constant 0 : i32
        %dma_wait3A_285 = tpu.memref_slice %arg18[%add3A_278, %dma_wait3A_284] : memref<13312x16xf32, #tpu.memory_space<vmem_shared>> -> memref<128x16xf32, #tpu.memory_space<vmem_shared>>
        %dma_wait3A_286 = arith.constant 0 : i32
        %dma_wait3A_287 = arith.constant 0 : i32
        %dma_wait3A_288 = tpu.memref_slice %arg15[%dma_wait3A_286, %dma_wait3A_287] : memref<128x16xf32, #tpu.memory_space<vmem>> -> memref<128x16xf32, #tpu.memory_space<vmem>>
        tpu.wait_dma2 semaphore(%arg23 : memref<!tpu.dma_semaphore, #tpu.memory_space<semaphore_mem>>) src(%dma_wait3A_288 : memref<128x16xf32, #tpu.memory_space<vmem>>) dst(%dma_wait3A_285 : memref<128x16xf32, #tpu.memory_space<vmem_shared>>)
        %add3A_289 = arith.constant 384 : i32
        %add3A_290 = arith.addi %add3A_63, %add3A_289 : i32
        %dma_wait3A_291 = arith.constant 0 : i32
        %dma_wait3A_292 = arith.constant 0 : i32
        %dma_wait3A_293 = tpu.memref_slice %arg14[%dma_wait3A_291, %dma_wait3A_292] : memref<128x64xf32, #tpu.memory_space<vmem>> -> memref<17x64xf32, #tpu.memory_space<vmem>>
        %dma_wait3A_294 = arith.constant 0 : i32
        %dma_wait3A_295 = tpu.memref_slice %arg17[%add3A_290, %dma_wait3A_294] : memref<13312x64xf32, #tpu.memory_space<vmem_shared>> -> memref<17x64xf32, #tpu.memory_space<vmem_shared>>
        %dma_wait3A_296 = arith.constant 0 : i32
        %dma_wait3A_297 = tpu.memref_slice %arg17[%add3A_290, %dma_wait3A_296] : memref<13312x64xf32, #tpu.memory_space<vmem_shared>> -> memref<17x64xf32, #tpu.memory_space<vmem_shared>>
        %dma_wait3A_298 = arith.constant 0 : i32
        %dma_wait3A_299 = arith.constant 0 : i32
        %dma_wait3A_300 = tpu.memref_slice %arg14[%dma_wait3A_298, %dma_wait3A_299] : memref<128x64xf32, #tpu.memory_space<vmem>> -> memref<17x64xf32, #tpu.memory_space<vmem>>
        tpu.wait_dma2 semaphore(%arg23 : memref<!tpu.dma_semaphore, #tpu.memory_space<semaphore_mem>>) src(%dma_wait3A_300 : memref<17x64xf32, #tpu.memory_space<vmem>>) dst(%dma_wait3A_297 : memref<17x64xf32, #tpu.memory_space<vmem_shared>>)
        %add3A_301 = arith.constant 384 : i32
        %add3A_302 = arith.addi %add3A_63, %add3A_301 : i32
        %dma_wait3A_303 = arith.constant 0 : i32
        %dma_wait3A_304 = arith.constant 0 : i32
        %dma_wait3A_305 = tpu.memref_slice %arg15[%dma_wait3A_303, %dma_wait3A_304] : memref<128x16xf32, #tpu.memory_space<vmem>> -> memref<17x16xf32, #tpu.memory_space<vmem>>
        %dma_wait3A_306 = arith.constant 0 : i32
        %dma_wait3A_307 = tpu.memref_slice %arg18[%add3A_302, %dma_wait3A_306] : memref<13312x16xf32, #tpu.memory_space<vmem_shared>> -> memref<17x16xf32, #tpu.memory_space<vmem_shared>>
        %dma_wait3A_308 = arith.constant 0 : i32
        %dma_wait3A_309 = tpu.memref_slice %arg18[%add3A_302, %dma_wait3A_308] : memref<13312x16xf32, #tpu.memory_space<vmem_shared>> -> memref<17x16xf32, #tpu.memory_space<vmem_shared>>
        %dma_wait3A_310 = arith.constant 0 : i32
        %dma_wait3A_311 = arith.constant 0 : i32
        %dma_wait3A_312 = tpu.memref_slice %arg15[%dma_wait3A_310, %dma_wait3A_311] : memref<128x16xf32, #tpu.memory_space<vmem>> -> memref<17x16xf32, #tpu.memory_space<vmem>>
        tpu.wait_dma2 semaphore(%arg23 : memref<!tpu.dma_semaphore, #tpu.memory_space<semaphore_mem>>) src(%dma_wait3A_312 : memref<17x16xf32, #tpu.memory_space<vmem>>) dst(%dma_wait3A_309 : memref<17x16xf32, #tpu.memory_space<vmem_shared>>)
        %while3A = arith.constant 0 : i32
        %while3A_313 = arith.constant 0 : i32
        %while3A_314 = arith.subi %select_n3A_106, %while3A : i32
        %while3A_315 = arith.addi %while3A, %while3A_314 : i32
        %while3A_316 = arith.constant 1 : i32
        %while3A_317 = arith.divsi %while3A_314, %while3A_316 : i32
        %while3A_318 = arith.muli %while3A_317, %while3A_316 : i32
        %while3A_319 = arith.addi %while3A, %while3A_318 : i32
        %while3A_320 = arith.constant 1 : i32
        %while3A_321 = scf.for %while3A_334 = %while3A to %while3A_319 step %while3A_320 iter_args(%while3A_335 = %while3A_313) -> (i32)  : i32 {
          %rem3A_336 = arith.constant 4 : i32
          %rem3A_337 = arith.remsi %while3A_334, %rem3A_336 : i32
          %rem3A_338 = arith.constant 2 : i32
          %rem3A_339 = arith.remsi %while3A_334, %rem3A_338 : i32
          %mul3A_340 = arith.constant 128 : i32
          %mul3A_341 = arith.muli %while3A_334, %mul3A_340 : i32
          %add3A_342 = arith.addi %and3A_79, %mul3A_341 : i32
          %min3A = arith.constant 999872 : i32
          %min3A_343 = arith.minsi %add3A_342, %min3A : i32
          %multiple_of3A = tpu.assume_multiple %min3A_343, 8 : i32
          %mul3A_344 = arith.constant 128 : i32
          %mul3A_345 = arith.muli %while3A_334, %mul3A_344 : i32
          %add3A_346 = arith.addi %and3A_79, %mul3A_345 : i32
          %sub3A_347 = arith.subi %add3A_346, %multiple_of3A : i32
          %add3A_348 = arith.constant 1 : i32
          %add3A_349 = arith.addi %while3A_334, %add3A_348 : i32
          %lt3A_350 = arith.cmpi slt, %add3A_349, %select_n3A_106 : i32
          %convert_element_type3A_351 = arith.extui %lt3A_350 : i1 to i32
          %cond3A_352 = arith.constant 0 : i32
          %cond3A_353 = arith.cmpi ne, %convert_element_type3A_351, %cond3A_352 : i32
          scf.if %cond3A_353 {
            %add3A_643 = arith.constant 1 : i32
            %add3A_644 = arith.addi %while3A_334, %add3A_643 : i32
            %rem3A_645 = arith.constant 4 : i32
            %rem3A_646 = arith.remsi %add3A_644, %rem3A_645 : i32
            %rem3A_647 = arith.constant 2 : i32
            %rem3A_648 = arith.remsi %add3A_644, %rem3A_647 : i32
            %mul3A_649 = arith.constant 128 : i32
            %mul3A_650 = arith.muli %add3A_644, %mul3A_649 : i32
            %add3A_651 = arith.addi %and3A_79, %mul3A_650 : i32
            %min3A_652 = arith.constant 999872 : i32
            %min3A_653 = arith.minsi %add3A_651, %min3A_652 : i32
            %multiple_of3A_654 = tpu.assume_multiple %min3A_653, 8 : i32
            %ge3A_655 = arith.constant 2 : i32
            %ge3A_656 = arith.cmpi sge, %add3A_644, %ge3A_655 : i32
            %convert_element_type3A_657 = arith.extui %ge3A_656 : i1 to i32
            %cond3A_658 = arith.constant 0 : i32
            %cond3A_659 = arith.cmpi ne, %convert_element_type3A_657, %cond3A_658 : i32
            scf.if %cond3A_659 {
              %sub3A_682 = arith.constant 2 : i32
              %sub3A_683 = arith.subi %add3A_644, %sub3A_682 : i32
              %rem3A_684 = arith.constant 4 : i32
              %rem3A_685 = arith.remsi %sub3A_683, %rem3A_684 : i32
              %rem3A_686 = arith.constant 2 : i32
              %rem3A_687 = arith.remsi %sub3A_683, %rem3A_686 : i32
              %dma_wait3A_688 = arith.constant 0 : i32
              %dma_wait3A_689 = arith.constant 0 : i32
              %dma_wait3A_690 = tpu.memref_slice %arg11[%rem3A_687, %dma_wait3A_688, %dma_wait3A_689] : memref<2x128x64xf32, #tpu.memory_space<vmem>> -> memref<1x128x64xf32, #tpu.memory_space<vmem>>
              %dma_wait3A_691 = tpu.memref_squeeze %dma_wait3A_690 : memref<1x128x64xf32, #tpu.memory_space<vmem>> -> memref<128x64xf32, #tpu.memory_space<vmem>>
              %dma_wait3A_692 = arith.constant 0 : i32
              %dma_wait3A_693 = tpu.memref_slice %arg10[%rem3A_685, %dma_wait3A_692] : memref<4x128xi32, #tpu.memory_space<vmem>> -> memref<1x128xi32, #tpu.memory_space<vmem>>
              %dma_wait3A_694 = tpu.memref_squeeze %dma_wait3A_693 : memref<1x128xi32, #tpu.memory_space<vmem>> -> memref<128xi32, #tpu.memory_space<vmem>>
              %dma_wait3A_695 = arith.constant 0 : i32
              %dma_wait3A_696 = arith.constant 0 : i32
              %dma_wait3A_697 = tpu.memref_slice %arg17[%dma_wait3A_695, %dma_wait3A_696] : memref<13312x64xf32, #tpu.memory_space<vmem_shared>> -> memref<13312x64xf32, #tpu.memory_space<vmem_shared>>
              %dma_wait3A_698 = tpu.memref_slice %arg22[%rem3A_687] : memref<2x!tpu.dma_semaphore, #tpu.memory_space<semaphore_mem>> -> memref<1x!tpu.dma_semaphore, #tpu.memory_space<semaphore_mem>>
              %dma_wait3A_699 = tpu.memref_squeeze %dma_wait3A_698 : memref<1x!tpu.dma_semaphore, #tpu.memory_space<semaphore_mem>> -> memref<!tpu.dma_semaphore, #tpu.memory_space<semaphore_mem>>
              tpu.wait_indirect_dma semaphore(%dma_wait3A_699 : memref<!tpu.dma_semaphore, #tpu.memory_space<semaphore_mem>>) src(%dma_wait3A_691 : memref<128x64xf32, #tpu.memory_space<vmem>>) dst(%dma_wait3A_697 : memref<13312x64xf32, #tpu.memory_space<vmem_shared>>)
              %dma_wait3A_700 = arith.constant 0 : i32
              %dma_wait3A_701 = arith.constant 0 : i32
              %dma_wait3A_702 = tpu.memref_slice %arg16[%dma_wait3A_700, %dma_wait3A_701] : memref<128x16xf32, #tpu.memory_space<vmem>> -> memref<128x16xf32, #tpu.memory_space<vmem>>
              %dma_wait3A_703 = arith.constant 0 : i32
              %dma_wait3A_704 = tpu.memref_slice %arg10[%rem3A_685, %dma_wait3A_703] : memref<4x128xi32, #tpu.memory_space<vmem>> -> memref<1x128xi32, #tpu.memory_space<vmem>>
              %dma_wait3A_705 = tpu.memref_squeeze %dma_wait3A_704 : memref<1x128xi32, #tpu.memory_space<vmem>> -> memref<128xi32, #tpu.memory_space<vmem>>
              %dma_wait3A_706 = arith.constant 0 : i32
              %dma_wait3A_707 = arith.constant 0 : i32
              %dma_wait3A_708 = tpu.memref_slice %arg18[%dma_wait3A_706, %dma_wait3A_707] : memref<13312x16xf32, #tpu.memory_space<vmem_shared>> -> memref<13312x16xf32, #tpu.memory_space<vmem_shared>>
              %dma_wait3A_709 = tpu.memref_slice %arg22[%rem3A_687] : memref<2x!tpu.dma_semaphore, #tpu.memory_space<semaphore_mem>> -> memref<1x!tpu.dma_semaphore, #tpu.memory_space<semaphore_mem>>
              %dma_wait3A_710 = tpu.memref_squeeze %dma_wait3A_709 : memref<1x!tpu.dma_semaphore, #tpu.memory_space<semaphore_mem>> -> memref<!tpu.dma_semaphore, #tpu.memory_space<semaphore_mem>>
              tpu.wait_indirect_dma semaphore(%dma_wait3A_710 : memref<!tpu.dma_semaphore, #tpu.memory_space<semaphore_mem>>) src(%dma_wait3A_702 : memref<128x16xf32, #tpu.memory_space<vmem>>) dst(%dma_wait3A_708 : memref<13312x16xf32, #tpu.memory_space<vmem_shared>>)
            } else {
            }
            %dma_wait3A_660 = arith.constant 0 : i32
            %dma_wait3A_661 = tpu.memref_slice %arg8[%rem3A_646, %dma_wait3A_660] : memref<4x128xi32, #tpu.memory_space<vmem>> -> memref<1x128xi32, #tpu.memory_space<vmem>>
            %dma_wait3A_662 = tpu.memref_squeeze %dma_wait3A_661 : memref<1x128xi32, #tpu.memory_space<vmem>> -> memref<128xi32, #tpu.memory_space<vmem>>
            %dma_wait3A_663 = tpu.memref_slice %arg3[%multiple_of3A_654] : memref<1000000xi32, #tpu.memory_space<hbm>> -> memref<128xi32, #tpu.memory_space<hbm>>
            %dma_wait3A_664 = tpu.memref_slice %arg19[%rem3A_646] : memref<4x!tpu.dma_semaphore, #tpu.memory_space<semaphore_mem>> -> memref<1x!tpu.dma_semaphore, #tpu.memory_space<semaphore_mem>>
            %dma_wait3A_665 = tpu.memref_squeeze %dma_wait3A_664 : memref<1x!tpu.dma_semaphore, #tpu.memory_space<semaphore_mem>> -> memref<!tpu.dma_semaphore, #tpu.memory_space<semaphore_mem>>
            %dma_wait3A_666 = arith.constant 0 : i32
            %dma_wait3A_667 = tpu.memref_slice %arg8[%rem3A_646, %dma_wait3A_666] : memref<4x128xi32, #tpu.memory_space<vmem>> -> memref<1x128xi32, #tpu.memory_space<vmem>>
            %dma_wait3A_668 = tpu.memref_squeeze %dma_wait3A_667 : memref<1x128xi32, #tpu.memory_space<vmem>> -> memref<128xi32, #tpu.memory_space<vmem>>
            %dma_wait3A_669 = tpu.memref_slice %arg3[%multiple_of3A_654] : memref<1000000xi32, #tpu.memory_space<hbm>> -> memref<128xi32, #tpu.memory_space<hbm>>
            tpu.wait_dma2 semaphore(%dma_wait3A_665 : memref<!tpu.dma_semaphore, #tpu.memory_space<semaphore_mem>>) src(%dma_wait3A_669 : memref<128xi32, #tpu.memory_space<hbm>>) dst(%dma_wait3A_668 : memref<128xi32, #tpu.memory_space<vmem>>)
            %dma_start3A_670 = arith.constant 0 : i32
            %dma_start3A_671 = arith.constant 0 : i32
            %dma_start3A_672 = tpu.memref_slice %arg11[%rem3A_648, %dma_start3A_670, %dma_start3A_671] : memref<2x128x64xf32, #tpu.memory_space<vmem>> -> memref<1x128x64xf32, #tpu.memory_space<vmem>>
            %dma_start3A_673 = tpu.memref_squeeze %dma_start3A_672 : memref<1x128x64xf32, #tpu.memory_space<vmem>> -> memref<128x64xf32, #tpu.memory_space<vmem>>
            %dma_start3A_674 = arith.constant 0 : i32
            %dma_start3A_675 = tpu.memref_slice %arg8[%rem3A_646, %dma_start3A_674] : memref<4x128xi32, #tpu.memory_space<vmem>> -> memref<1x128xi32, #tpu.memory_space<vmem>>
            %dma_start3A_676 = tpu.memref_squeeze %dma_start3A_675 : memref<1x128xi32, #tpu.memory_space<vmem>> -> memref<128xi32, #tpu.memory_space<vmem>>
            %dma_start3A_677 = arith.constant 0 : i32
            %dma_start3A_678 = arith.constant 0 : i32
            %dma_start3A_679 = tpu.memref_slice %arg2[%dma_start3A_677, %dma_start3A_678] : memref<1000000x64xf32, #tpu.memory_space<hbm>> -> memref<1000000x64xf32, #tpu.memory_space<hbm>>
            %dma_start3A_680 = tpu.memref_slice %arg21[%rem3A_648] : memref<2x!tpu.dma_semaphore, #tpu.memory_space<semaphore_mem>> -> memref<1x!tpu.dma_semaphore, #tpu.memory_space<semaphore_mem>>
            %dma_start3A_681 = tpu.memref_squeeze %dma_start3A_680 : memref<1x!tpu.dma_semaphore, #tpu.memory_space<semaphore_mem>> -> memref<!tpu.dma_semaphore, #tpu.memory_space<semaphore_mem>>
            tpu.enqueue_indirect_dma source(%dma_start3A_679 : memref<1000000x64xf32, #tpu.memory_space<hbm>>) target(%dma_start3A_673 : memref<128x64xf32, #tpu.memory_space<vmem>>) offsets(%dma_start3A_676 : memref<128xi32, #tpu.memory_space<vmem>>) semaphore(%dma_start3A_681 : memref<!tpu.dma_semaphore, #tpu.memory_space<semaphore_mem>>)
          } else {
          }
          %add3A_354 = arith.constant 2 : i32
          %add3A_355 = arith.addi %while3A_334, %add3A_354 : i32
          %lt3A_356 = arith.cmpi slt, %add3A_355, %select_n3A_106 : i32
          %convert_element_type3A_357 = arith.extui %lt3A_356 : i1 to i32
          %cond3A_358 = arith.constant 0 : i32
          %cond3A_359 = arith.cmpi ne, %convert_element_type3A_357, %cond3A_358 : i32
          scf.if %cond3A_359 {
            %add3A_643 = arith.constant 2 : i32
            %add3A_644 = arith.addi %while3A_334, %add3A_643 : i32
            %rem3A_645 = arith.constant 4 : i32
            %rem3A_646 = arith.remsi %add3A_644, %rem3A_645 : i32
            %mul3A_647 = arith.constant 128 : i32
            %mul3A_648 = arith.muli %add3A_644, %mul3A_647 : i32
            %add3A_649 = arith.addi %and3A_79, %mul3A_648 : i32
            %min3A_650 = arith.constant 999872 : i32
            %min3A_651 = arith.minsi %add3A_649, %min3A_650 : i32
            %multiple_of3A_652 = tpu.assume_multiple %min3A_651, 8 : i32
            %dma_start3A_653 = arith.constant 0 : i32
            %dma_start3A_654 = tpu.memref_slice %arg8[%rem3A_646, %dma_start3A_653] : memref<4x128xi32, #tpu.memory_space<vmem>> -> memref<1x128xi32, #tpu.memory_space<vmem>>
            %dma_start3A_655 = tpu.memref_squeeze %dma_start3A_654 : memref<1x128xi32, #tpu.memory_space<vmem>> -> memref<128xi32, #tpu.memory_space<vmem>>
            %dma_start3A_656 = tpu.memref_slice %arg3[%multiple_of3A_652] : memref<1000000xi32, #tpu.memory_space<hbm>> -> memref<128xi32, #tpu.memory_space<hbm>>
            %dma_start3A_657 = tpu.memref_slice %arg19[%rem3A_646] : memref<4x!tpu.dma_semaphore, #tpu.memory_space<semaphore_mem>> -> memref<1x!tpu.dma_semaphore, #tpu.memory_space<semaphore_mem>>
            %dma_start3A_658 = tpu.memref_squeeze %dma_start3A_657 : memref<1x!tpu.dma_semaphore, #tpu.memory_space<semaphore_mem>> -> memref<!tpu.dma_semaphore, #tpu.memory_space<semaphore_mem>>
            %dma_start3A_659 = arith.constant 0 : i32
            %dma_start3A_660 = tpu.memref_slice %arg8[%rem3A_646, %dma_start3A_659] : memref<4x128xi32, #tpu.memory_space<vmem>> -> memref<1x128xi32, #tpu.memory_space<vmem>>
            %dma_start3A_661 = tpu.memref_squeeze %dma_start3A_660 : memref<1x128xi32, #tpu.memory_space<vmem>> -> memref<128xi32, #tpu.memory_space<vmem>>
            %dma_start3A_662 = tpu.memref_slice %arg3[%multiple_of3A_652] : memref<1000000xi32, #tpu.memory_space<hbm>> -> memref<128xi32, #tpu.memory_space<hbm>>
            tpu.enqueue_dma source(%dma_start3A_662 : memref<128xi32, #tpu.memory_space<hbm>>) target(%dma_start3A_661 : memref<128xi32, #tpu.memory_space<vmem>>) target_semaphore(%dma_start3A_658 : memref<!tpu.dma_semaphore, #tpu.memory_space<semaphore_mem>>)
            %dma_start3A_663 = arith.constant 0 : i32
            %dma_start3A_664 = tpu.memref_slice %arg9[%rem3A_646, %dma_start3A_663] : memref<4x128xi32, #tpu.memory_space<vmem>> -> memref<1x128xi32, #tpu.memory_space<vmem>>
            %dma_start3A_665 = tpu.memref_squeeze %dma_start3A_664 : memref<1x128xi32, #tpu.memory_space<vmem>> -> memref<128xi32, #tpu.memory_space<vmem>>
            %dma_start3A_666 = tpu.memref_slice %arg4[%multiple_of3A_652] : memref<1000000xi32, #tpu.memory_space<hbm>> -> memref<128xi32, #tpu.memory_space<hbm>>
            %dma_start3A_667 = tpu.memref_slice %arg20[%rem3A_646] : memref<4x!tpu.dma_semaphore, #tpu.memory_space<semaphore_mem>> -> memref<1x!tpu.dma_semaphore, #tpu.memory_space<semaphore_mem>>
            %dma_start3A_668 = tpu.memref_squeeze %dma_start3A_667 : memref<1x!tpu.dma_semaphore, #tpu.memory_space<semaphore_mem>> -> memref<!tpu.dma_semaphore, #tpu.memory_space<semaphore_mem>>
            %dma_start3A_669 = arith.constant 0 : i32
            %dma_start3A_670 = tpu.memref_slice %arg9[%rem3A_646, %dma_start3A_669] : memref<4x128xi32, #tpu.memory_space<vmem>> -> memref<1x128xi32, #tpu.memory_space<vmem>>
            %dma_start3A_671 = tpu.memref_squeeze %dma_start3A_670 : memref<1x128xi32, #tpu.memory_space<vmem>> -> memref<128xi32, #tpu.memory_space<vmem>>
            %dma_start3A_672 = tpu.memref_slice %arg4[%multiple_of3A_652] : memref<1000000xi32, #tpu.memory_space<hbm>> -> memref<128xi32, #tpu.memory_space<hbm>>
            tpu.enqueue_dma source(%dma_start3A_672 : memref<128xi32, #tpu.memory_space<hbm>>) target(%dma_start3A_671 : memref<128xi32, #tpu.memory_space<vmem>>) target_semaphore(%dma_start3A_668 : memref<!tpu.dma_semaphore, #tpu.memory_space<semaphore_mem>>)
          } else {
          }
          %dma_wait3A_360 = arith.constant 0 : i32
          %dma_wait3A_361 = tpu.memref_slice %arg9[%rem3A_337, %dma_wait3A_360] : memref<4x128xi32, #tpu.memory_space<vmem>> -> memref<1x128xi32, #tpu.memory_space<vmem>>
          %dma_wait3A_362 = tpu.memref_squeeze %dma_wait3A_361 : memref<1x128xi32, #tpu.memory_space<vmem>> -> memref<128xi32, #tpu.memory_space<vmem>>
          %dma_wait3A_363 = tpu.memref_slice %arg4[%multiple_of3A] : memref<1000000xi32, #tpu.memory_space<hbm>> -> memref<128xi32, #tpu.memory_space<hbm>>
          %dma_wait3A_364 = tpu.memref_slice %arg20[%rem3A_337] : memref<4x!tpu.dma_semaphore, #tpu.memory_space<semaphore_mem>> -> memref<1x!tpu.dma_semaphore, #tpu.memory_space<semaphore_mem>>
          %dma_wait3A_365 = tpu.memref_squeeze %dma_wait3A_364 : memref<1x!tpu.dma_semaphore, #tpu.memory_space<semaphore_mem>> -> memref<!tpu.dma_semaphore, #tpu.memory_space<semaphore_mem>>
          %dma_wait3A_366 = arith.constant 0 : i32
          %dma_wait3A_367 = tpu.memref_slice %arg9[%rem3A_337, %dma_wait3A_366] : memref<4x128xi32, #tpu.memory_space<vmem>> -> memref<1x128xi32, #tpu.memory_space<vmem>>
          %dma_wait3A_368 = tpu.memref_squeeze %dma_wait3A_367 : memref<1x128xi32, #tpu.memory_space<vmem>> -> memref<128xi32, #tpu.memory_space<vmem>>
          %dma_wait3A_369 = tpu.memref_slice %arg4[%multiple_of3A] : memref<1000000xi32, #tpu.memory_space<hbm>> -> memref<128xi32, #tpu.memory_space<hbm>>
          tpu.wait_dma2 semaphore(%dma_wait3A_365 : memref<!tpu.dma_semaphore, #tpu.memory_space<semaphore_mem>>) src(%dma_wait3A_369 : memref<128xi32, #tpu.memory_space<hbm>>) dst(%dma_wait3A_368 : memref<128xi32, #tpu.memory_space<vmem>>)
          %get3A_370 = arith.index_cast %rem3A_337 : i32 to index
          %get3A_371 = arith.constant 0 : index
          %get3A_372 = tpu.vector_load %arg9[%get3A_370, %get3A_371] {strides = array<i32>} : memref<4x128xi32, #tpu.memory_space<vmem>>, vector<1x16xi32>,
          %get3A_373 = vector.shape_cast %get3A_372 : vector<1x16xi32> to vector<16xi32>
          %sub3A_374 = vector.broadcast %mul3A_108 : i32 to vector<16xi32>
          %sub3A_375 = arith.subi %get3A_373, %sub3A_374 : vector<16xi32>
          %iota3A = tpu.iota {dimensions = array<i32: 0>} : vector<16xi32>
          %add3A_376 = arith.constant 0 : i32
          %add3A_377 = vector.broadcast %add3A_376 : i32 to vector<16xi32>
          %add3A_378 = arith.addi %iota3A, %add3A_377 : vector<16xi32>
          %ge3A = arith.constant 0 : i32
          %ge3A_379 = vector.broadcast %ge3A : i32 to vector<16xi32>
          %ge3A_380 = arith.cmpi sge, %sub3A_375, %ge3A_379 : vector<16xi32>
          %lt3A_381 = arith.constant 400 : i32
          %lt3A_382 = vector.broadcast %lt3A_381 : i32 to vector<16xi32>
          %lt3A_383 = arith.cmpi slt, %sub3A_375, %lt3A_382 : vector<16xi32>
          %and3A_384 = arith.andi %ge3A_380, %lt3A_383 : vector<16xi1>
          %ge3A_385 = vector.broadcast %sub3A_347 : i32 to vector<16xi32>
          %ge3A_386 = arith.cmpi sge, %add3A_378, %ge3A_385 : vector<16xi32>
          %and3A_387 = arith.andi %and3A_384, %ge3A_386 : vector<16xi1>
          %jit3A_388 = arith.constant 400 : i32
          %broadcast_in_dim3A_389 = vector.broadcast %jit3A_388 : i32 to vector<16xi32>
          %select_n3A_390 = arith.select %and3A_387, %sub3A_375, %broadcast_in_dim3A_389 : vector<16xi1>, vector<16xi32>
          %add3A_391 = vector.broadcast %add3A_63 : i32 to vector<16xi32>
          %add3A_392 = arith.addi %select_n3A_390, %add3A_391 : vector<16xi32>
          %swap3A = arith.index_cast %rem3A_337 : i32 to index
          %swap3A_393 = arith.constant 0 : index
          %swap3A_394 = tpu.vector_load %arg10[%swap3A, %swap3A_393] {strides = array<i32>} : memref<4x128xi32, #tpu.memory_space<vmem>>, vector<1x16xi32>,
          %swap3A_395 = vector.shape_cast %swap3A_394 : vector<1x16xi32> to vector<16xi32>
          %swap3A_396 = vector.shape_cast %add3A_392 : vector<16xi32> to vector<1x16xi32>
          tpu.vector_store %arg10[%swap3A, %swap3A_393], %swap3A_396 {strides = array<i32>} : memref<4x128xi32, #tpu.memory_space<vmem>>, vector<1x16xi32>,
          %get3A_397 = arith.index_cast %rem3A_337 : i32 to index
          %get3A_398 = arith.constant 16 : index
          %get3A_399 = tpu.vector_load %arg9[%get3A_397, %get3A_398] {strides = array<i32>} : memref<4x128xi32, #tpu.memory_space<vmem>>, vector<1x16xi32>,
          %get3A_400 = vector.shape_cast %get3A_399 : vector<1x16xi32> to vector<16xi32>
          %sub3A_401 = vector.broadcast %mul3A_108 : i32 to vector<16xi32>
          %sub3A_402 = arith.subi %get3A_400, %sub3A_401 : vector<16xi32>
          %iota3A_403 = tpu.iota {dimensions = array<i32: 0>} : vector<16xi32>
          %add3A_404 = arith.constant 16 : i32
          %add3A_405 = vector.broadcast %add3A_404 : i32 to vector<16xi32>
          %add3A_406 = arith.addi %iota3A_403, %add3A_405 : vector<16xi32>
          %ge3A_407 = arith.constant 0 : i32
          %ge3A_408 = vector.broadcast %ge3A_407 : i32 to vector<16xi32>
          %ge3A_409 = arith.cmpi sge, %sub3A_402, %ge3A_408 : vector<16xi32>
          %lt3A_410 = arith.constant 400 : i32
          %lt3A_411 = vector.broadcast %lt3A_410 : i32 to vector<16xi32>
          %lt3A_412 = arith.cmpi slt, %sub3A_402, %lt3A_411 : vector<16xi32>
          %and3A_413 = arith.andi %ge3A_409, %lt3A_412 : vector<16xi1>
          %ge3A_414 = vector.broadcast %sub3A_347 : i32 to vector<16xi32>
          %ge3A_415 = arith.cmpi sge, %add3A_406, %ge3A_414 : vector<16xi32>
          %and3A_416 = arith.andi %and3A_413, %ge3A_415 : vector<16xi1>
          %jit3A_417 = arith.constant 400 : i32
          %broadcast_in_dim3A_418 = vector.broadcast %jit3A_417 : i32 to vector<16xi32>
          %select_n3A_419 = arith.select %and3A_416, %sub3A_402, %broadcast_in_dim3A_418 : vector<16xi1>, vector<16xi32>
          %add3A_420 = vector.broadcast %add3A_63 : i32 to vector<16xi32>
          %add3A_421 = arith.addi %select_n3A_419, %add3A_420 : vector<16xi32>
          %swap3A_422 = arith.index_cast %rem3A_337 : i32 to index
          %swap3A_423 = arith.constant 16 : index
          %swap3A_424 = tpu.vector_load %arg10[%swap3A_422, %swap3A_423] {strides = array<i32>} : memref<4x128xi32, #tpu.memory_space<vmem>>, vector<1x16xi32>,
          %swap3A_425 = vector.shape_cast %swap3A_424 : vector<1x16xi32> to vector<16xi32>
          %swap3A_426 = vector.shape_cast %add3A_421 : vector<16xi32> to vector<1x16xi32>
          tpu.vector_store %arg10[%swap3A_422, %swap3A_423], %swap3A_426 {strides = array<i32>} : memref<4x128xi32, #tpu.memory_space<vmem>>, vector<1x16xi32>,
          %get3A_427 = arith.index_cast %rem3A_337 : i32 to index
          %get3A_428 = arith.constant 32 : index
          %get3A_429 = tpu.vector_load %arg9[%get3A_427, %get3A_428] {strides = array<i32>} : memref<4x128xi32, #tpu.memory_space<vmem>>, vector<1x16xi32>,
          %get3A_430 = vector.shape_cast %get3A_429 : vector<1x16xi32> to vector<16xi32>
          %sub3A_431 = vector.broadcast %mul3A_108 : i32 to vector<16xi32>
          %sub3A_432 = arith.subi %get3A_430, %sub3A_431 : vector<16xi32>
          %iota3A_433 = tpu.iota {dimensions = array<i32: 0>} : vector<16xi32>
          %add3A_434 = arith.constant 32 : i32
          %add3A_435 = vector.broadcast %add3A_434 : i32 to vector<16xi32>
          %add3A_436 = arith.addi %iota3A_433, %add3A_435 : vector<16xi32>
          %ge3A_437 = arith.constant 0 : i32
          %ge3A_438 = vector.broadcast %ge3A_437 : i32 to vector<16xi32>
          %ge3A_439 = arith.cmpi sge, %sub3A_432, %ge3A_438 : vector<16xi32>
          %lt3A_440 = arith.constant 400 : i32
          %lt3A_441 = vector.broadcast %lt3A_440 : i32 to vector<16xi32>
          %lt3A_442 = arith.cmpi slt, %sub3A_432, %lt3A_441 : vector<16xi32>
          %and3A_443 = arith.andi %ge3A_439, %lt3A_442 : vector<16xi1>
          %ge3A_444 = vector.broadcast %sub3A_347 : i32 to vector<16xi32>
          %ge3A_445 = arith.cmpi sge, %add3A_436, %ge3A_444 : vector<16xi32>
          %and3A_446 = arith.andi %and3A_443, %ge3A_445 : vector<16xi1>
          %jit3A_447 = arith.constant 400 : i32
          %broadcast_in_dim3A_448 = vector.broadcast %jit3A_447 : i32 to vector<16xi32>
          %select_n3A_449 = arith.select %and3A_446, %sub3A_432, %broadcast_in_dim3A_448 : vector<16xi1>, vector<16xi32>
          %add3A_450 = vector.broadcast %add3A_63 : i32 to vector<16xi32>
          %add3A_451 = arith.addi %select_n3A_449, %add3A_450 : vector<16xi32>
          %swap3A_452 = arith.index_cast %rem3A_337 : i32 to index
          %swap3A_453 = arith.constant 32 : index
          %swap3A_454 = tpu.vector_load %arg10[%swap3A_452, %swap3A_453] {strides = array<i32>} : memref<4x128xi32, #tpu.memory_space<vmem>>, vector<1x16xi32>,
          %swap3A_455 = vector.shape_cast %swap3A_454 : vector<1x16xi32> to vector<16xi32>
          %swap3A_456 = vector.shape_cast %add3A_451 : vector<16xi32> to vector<1x16xi32>
          tpu.vector_store %arg10[%swap3A_452, %swap3A_453], %swap3A_456 {strides = array<i32>} : memref<4x128xi32, #tpu.memory_space<vmem>>, vector<1x16xi32>,
          %get3A_457 = arith.index_cast %rem3A_337 : i32 to index
          %get3A_458 = arith.constant 48 : index
          %get3A_459 = tpu.vector_load %arg9[%get3A_457, %get3A_458] {strides = array<i32>} : memref<4x128xi32, #tpu.memory_space<vmem>>, vector<1x16xi32>,
          %get3A_460 = vector.shape_cast %get3A_459 : vector<1x16xi32> to vector<16xi32>
          %sub3A_461 = vector.broadcast %mul3A_108 : i32 to vector<16xi32>
          %sub3A_462 = arith.subi %get3A_460, %sub3A_461 : vector<16xi32>
          %iota3A_463 = tpu.iota {dimensions = array<i32: 0>} : vector<16xi32>
          %add3A_464 = arith.constant 48 : i32
          %add3A_465 = vector.broadcast %add3A_464 : i32 to vector<16xi32>
          %add3A_466 = arith.addi %iota3A_463, %add3A_465 : vector<16xi32>
          %ge3A_467 = arith.constant 0 : i32
          %ge3A_468 = vector.broadcast %ge3A_467 : i32 to vector<16xi32>
          %ge3A_469 = arith.cmpi sge, %sub3A_462, %ge3A_468 : vector<16xi32>
          %lt3A_470 = arith.constant 400 : i32
          %lt3A_471 = vector.broadcast %lt3A_470 : i32 to vector<16xi32>
          %lt3A_472 = arith.cmpi slt, %sub3A_462, %lt3A_471 : vector<16xi32>
          %and3A_473 = arith.andi %ge3A_469, %lt3A_472 : vector<16xi1>
          %ge3A_474 = vector.broadcast %sub3A_347 : i32 to vector<16xi32>
          %ge3A_475 = arith.cmpi sge, %add3A_466, %ge3A_474 : vector<16xi32>
          %and3A_476 = arith.andi %and3A_473, %ge3A_475 : vector<16xi1>
          %jit3A_477 = arith.constant 400 : i32
          %broadcast_in_dim3A_478 = vector.broadcast %jit3A_477 : i32 to vector<16xi32>
          %select_n3A_479 = arith.select %and3A_476, %sub3A_462, %broadcast_in_dim3A_478 : vector<16xi1>, vector<16xi32>
          %add3A_480 = vector.broadcast %add3A_63 : i32 to vector<16xi32>
          %add3A_481 = arith.addi %select_n3A_479, %add3A_480 : vector<16xi32>
          %swap3A_482 = arith.index_cast %rem3A_337 : i32 to index
          %swap3A_483 = arith.constant 48 : index
          %swap3A_484 = tpu.vector_load %arg10[%swap3A_482, %swap3A_483] {strides = array<i32>} : memref<4x128xi32, #tpu.memory_space<vmem>>, vector<1x16xi32>,
          %swap3A_485 = vector.shape_cast %swap3A_484 : vector<1x16xi32> to vector<16xi32>
          %swap3A_486 = vector.shape_cast %add3A_481 : vector<16xi32> to vector<1x16xi32>
          tpu.vector_store %arg10[%swap3A_482, %swap3A_483], %swap3A_486 {strides = array<i32>} : memref<4x128xi32, #tpu.memory_space<vmem>>, vector<1x16xi32>,
          %get3A_487 = arith.index_cast %rem3A_337 : i32 to index
          %get3A_488 = arith.constant 64 : index
          %get3A_489 = tpu.vector_load %arg9[%get3A_487, %get3A_488] {strides = array<i32>} : memref<4x128xi32, #tpu.memory_space<vmem>>, vector<1x16xi32>,
          %get3A_490 = vector.shape_cast %get3A_489 : vector<1x16xi32> to vector<16xi32>
          %sub3A_491 = vector.broadcast %mul3A_108 : i32 to vector<16xi32>
          %sub3A_492 = arith.subi %get3A_490, %sub3A_491 : vector<16xi32>
          %iota3A_493 = tpu.iota {dimensions = array<i32: 0>} : vector<16xi32>
          %add3A_494 = arith.constant 64 : i32
          %add3A_495 = vector.broadcast %add3A_494 : i32 to vector<16xi32>
          %add3A_496 = arith.addi %iota3A_493, %add3A_495 : vector<16xi32>
          %ge3A_497 = arith.constant 0 : i32
          %ge3A_498 = vector.broadcast %ge3A_497 : i32 to vector<16xi32>
          %ge3A_499 = arith.cmpi sge, %sub3A_492, %ge3A_498 : vector<16xi32>
          %lt3A_500 = arith.constant 400 : i32
          %lt3A_501 = vector.broadcast %lt3A_500 : i32 to vector<16xi32>
          %lt3A_502 = arith.cmpi slt, %sub3A_492, %lt3A_501 : vector<16xi32>
          %and3A_503 = arith.andi %ge3A_499, %lt3A_502 : vector<16xi1>
          %ge3A_504 = vector.broadcast %sub3A_347 : i32 to vector<16xi32>
          %ge3A_505 = arith.cmpi sge, %add3A_496, %ge3A_504 : vector<16xi32>
          %and3A_506 = arith.andi %and3A_503, %ge3A_505 : vector<16xi1>
          %jit3A_507 = arith.constant 400 : i32
          %broadcast_in_dim3A_508 = vector.broadcast %jit3A_507 : i32 to vector<16xi32>
          %select_n3A_509 = arith.select %and3A_506, %sub3A_492, %broadcast_in_dim3A_508 : vector<16xi1>, vector<16xi32>
          %add3A_510 = vector.broadcast %add3A_63 : i32 to vector<16xi32>
          %add3A_511 = arith.addi %select_n3A_509, %add3A_510 : vector<16xi32>
          %swap3A_512 = arith.index_cast %rem3A_337 : i32 to index
          %swap3A_513 = arith.constant 64 : index
          %swap3A_514 = tpu.vector_load %arg10[%swap3A_512, %swap3A_513] {strides = array<i32>} : memref<4x128xi32, #tpu.memory_space<vmem>>, vector<1x16xi32>,
          %swap3A_515 = vector.shape_cast %swap3A_514 : vector<1x16xi32> to vector<16xi32>
          %swap3A_516 = vector.shape_cast %add3A_511 : vector<16xi32> to vector<1x16xi32>
          tpu.vector_store %arg10[%swap3A_512, %swap3A_513], %swap3A_516 {strides = array<i32>} : memref<4x128xi32, #tpu.memory_space<vmem>>, vector<1x16xi32>,
          %get3A_517 = arith.index_cast %rem3A_337 : i32 to index
          %get3A_518 = arith.constant 80 : index
          %get3A_519 = tpu.vector_load %arg9[%get3A_517, %get3A_518] {strides = array<i32>} : memref<4x128xi32, #tpu.memory_space<vmem>>, vector<1x16xi32>,
          %get3A_520 = vector.shape_cast %get3A_519 : vector<1x16xi32> to vector<16xi32>
          %sub3A_521 = vector.broadcast %mul3A_108 : i32 to vector<16xi32>
          %sub3A_522 = arith.subi %get3A_520, %sub3A_521 : vector<16xi32>
          %iota3A_523 = tpu.iota {dimensions = array<i32: 0>} : vector<16xi32>
          %add3A_524 = arith.constant 80 : i32
          %add3A_525 = vector.broadcast %add3A_524 : i32 to vector<16xi32>
          %add3A_526 = arith.addi %iota3A_523, %add3A_525 : vector<16xi32>
          %ge3A_527 = arith.constant 0 : i32
          %ge3A_528 = vector.broadcast %ge3A_527 : i32 to vector<16xi32>
          %ge3A_529 = arith.cmpi sge, %sub3A_522, %ge3A_528 : vector<16xi32>
          %lt3A_530 = arith.constant 400 : i32
          %lt3A_531 = vector.broadcast %lt3A_530 : i32 to vector<16xi32>
          %lt3A_532 = arith.cmpi slt, %sub3A_522, %lt3A_531 : vector<16xi32>
          %and3A_533 = arith.andi %ge3A_529, %lt3A_532 : vector<16xi1>
          %ge3A_534 = vector.broadcast %sub3A_347 : i32 to vector<16xi32>
          %ge3A_535 = arith.cmpi sge, %add3A_526, %ge3A_534 : vector<16xi32>
          %and3A_536 = arith.andi %and3A_533, %ge3A_535 : vector<16xi1>
          %jit3A_537 = arith.constant 400 : i32
          %broadcast_in_dim3A_538 = vector.broadcast %jit3A_537 : i32 to vector<16xi32>
          %select_n3A_539 = arith.select %and3A_536, %sub3A_522, %broadcast_in_dim3A_538 : vector<16xi1>, vector<16xi32>
          %add3A_540 = vector.broadcast %add3A_63 : i32 to vector<16xi32>
          %add3A_541 = arith.addi %select_n3A_539, %add3A_540 : vector<16xi32>
          %swap3A_542 = arith.index_cast %rem3A_337 : i32 to index
          %swap3A_543 = arith.constant 80 : index
          %swap3A_544 = tpu.vector_load %arg10[%swap3A_542, %swap3A_543] {strides = array<i32>} : memref<4x128xi32, #tpu.memory_space<vmem>>, vector<1x16xi32>,
          %swap3A_545 = vector.shape_cast %swap3A_544 : vector<1x16xi32> to vector<16xi32>
          %swap3A_546 = vector.shape_cast %add3A_541 : vector<16xi32> to vector<1x16xi32>
          tpu.vector_store %arg10[%swap3A_542, %swap3A_543], %swap3A_546 {strides = array<i32>} : memref<4x128xi32, #tpu.memory_space<vmem>>, vector<1x16xi32>,
          %get3A_547 = arith.index_cast %rem3A_337 : i32 to index
          %get3A_548 = arith.constant 96 : index
          %get3A_549 = tpu.vector_load %arg9[%get3A_547, %get3A_548] {strides = array<i32>} : memref<4x128xi32, #tpu.memory_space<vmem>>, vector<1x16xi32>,
          %get3A_550 = vector.shape_cast %get3A_549 : vector<1x16xi32> to vector<16xi32>
          %sub3A_551 = vector.broadcast %mul3A_108 : i32 to vector<16xi32>
          %sub3A_552 = arith.subi %get3A_550, %sub3A_551 : vector<16xi32>
          %iota3A_553 = tpu.iota {dimensions = array<i32: 0>} : vector<16xi32>
          %add3A_554 = arith.constant 96 : i32
          %add3A_555 = vector.broadcast %add3A_554 : i32 to vector<16xi32>
          %add3A_556 = arith.addi %iota3A_553, %add3A_555 : vector<16xi32>
          %ge3A_557 = arith.constant 0 : i32
          %ge3A_558 = vector.broadcast %ge3A_557 : i32 to vector<16xi32>
          %ge3A_559 = arith.cmpi sge, %sub3A_552, %ge3A_558 : vector<16xi32>
          %lt3A_560 = arith.constant 400 : i32
          %lt3A_561 = vector.broadcast %lt3A_560 : i32 to vector<16xi32>
          %lt3A_562 = arith.cmpi slt, %sub3A_552, %lt3A_561 : vector<16xi32>
          %and3A_563 = arith.andi %ge3A_559, %lt3A_562 : vector<16xi1>
          %ge3A_564 = vector.broadcast %sub3A_347 : i32 to vector<16xi32>
          %ge3A_565 = arith.cmpi sge, %add3A_556, %ge3A_564 : vector<16xi32>
          %and3A_566 = arith.andi %and3A_563, %ge3A_565 : vector<16xi1>
          %jit3A_567 = arith.constant 400 : i32
          %broadcast_in_dim3A_568 = vector.broadcast %jit3A_567 : i32 to vector<16xi32>
          %select_n3A_569 = arith.select %and3A_566, %sub3A_552, %broadcast_in_dim3A_568 : vector<16xi1>, vector<16xi32>
          %add3A_570 = vector.broadcast %add3A_63 : i32 to vector<16xi32>
          %add3A_571 = arith.addi %select_n3A_569, %add3A_570 : vector<16xi32>
          %swap3A_572 = arith.index_cast %rem3A_337 : i32 to index
          %swap3A_573 = arith.constant 96 : index
          %swap3A_574 = tpu.vector_load %arg10[%swap3A_572, %swap3A_573] {strides = array<i32>} : memref<4x128xi32, #tpu.memory_space<vmem>>, vector<1x16xi32>,
          %swap3A_575 = vector.shape_cast %swap3A_574 : vector<1x16xi32> to vector<16xi32>
          %swap3A_576 = vector.shape_cast %add3A_571 : vector<16xi32> to vector<1x16xi32>
          tpu.vector_store %arg10[%swap3A_572, %swap3A_573], %swap3A_576 {strides = array<i32>} : memref<4x128xi32, #tpu.memory_space<vmem>>, vector<1x16xi32>,
          %get3A_577 = arith.index_cast %rem3A_337 : i32 to index
          %get3A_578 = arith.constant 112 : index
          %get3A_579 = tpu.vector_load %arg9[%get3A_577, %get3A_578] {strides = array<i32>} : memref<4x128xi32, #tpu.memory_space<vmem>>, vector<1x16xi32>,
          %get3A_580 = vector.shape_cast %get3A_579 : vector<1x16xi32> to vector<16xi32>
          %sub3A_581 = vector.broadcast %mul3A_108 : i32 to vector<16xi32>
          %sub3A_582 = arith.subi %get3A_580, %sub3A_581 : vector<16xi32>
          %iota3A_583 = tpu.iota {dimensions = array<i32: 0>} : vector<16xi32>
          %add3A_584 = arith.constant 112 : i32
          %add3A_585 = vector.broadcast %add3A_584 : i32 to vector<16xi32>
          %add3A_586 = arith.addi %iota3A_583, %add3A_585 : vector<16xi32>
          %ge3A_587 = arith.constant 0 : i32
          %ge3A_588 = vector.broadcast %ge3A_587 : i32 to vector<16xi32>
          %ge3A_589 = arith.cmpi sge, %sub3A_582, %ge3A_588 : vector<16xi32>
          %lt3A_590 = arith.constant 400 : i32
          %lt3A_591 = vector.broadcast %lt3A_590 : i32 to vector<16xi32>
          %lt3A_592 = arith.cmpi slt, %sub3A_582, %lt3A_591 : vector<16xi32>
          %and3A_593 = arith.andi %ge3A_589, %lt3A_592 : vector<16xi1>
          %ge3A_594 = vector.broadcast %sub3A_347 : i32 to vector<16xi32>
          %ge3A_595 = arith.cmpi sge, %add3A_586, %ge3A_594 : vector<16xi32>
          %and3A_596 = arith.andi %and3A_593, %ge3A_595 : vector<16xi1>
          %jit3A_597 = arith.constant 400 : i32
          %broadcast_in_dim3A_598 = vector.broadcast %jit3A_597 : i32 to vector<16xi32>
          %select_n3A_599 = arith.select %and3A_596, %sub3A_582, %broadcast_in_dim3A_598 : vector<16xi1>, vector<16xi32>
          %add3A_600 = vector.broadcast %add3A_63 : i32 to vector<16xi32>
          %add3A_601 = arith.addi %select_n3A_599, %add3A_600 : vector<16xi32>
          %swap3A_602 = arith.index_cast %rem3A_337 : i32 to index
          %swap3A_603 = arith.constant 112 : index
          %swap3A_604 = tpu.vector_load %arg10[%swap3A_602, %swap3A_603] {strides = array<i32>} : memref<4x128xi32, #tpu.memory_space<vmem>>, vector<1x16xi32>,
          %swap3A_605 = vector.shape_cast %swap3A_604 : vector<1x16xi32> to vector<16xi32>
          %swap3A_606 = vector.shape_cast %add3A_601 : vector<16xi32> to vector<1x16xi32>
          tpu.vector_store %arg10[%swap3A_602, %swap3A_603], %swap3A_606 {strides = array<i32>} : memref<4x128xi32, #tpu.memory_space<vmem>>, vector<1x16xi32>,
          %dma_wait3A_607 = arith.constant 0 : i32
          %dma_wait3A_608 = arith.constant 0 : i32
          %dma_wait3A_609 = tpu.memref_slice %arg11[%rem3A_339, %dma_wait3A_607, %dma_wait3A_608] : memref<2x128x64xf32, #tpu.memory_space<vmem>> -> memref<1x128x64xf32, #tpu.memory_space<vmem>>
          %dma_wait3A_610 = tpu.memref_squeeze %dma_wait3A_609 : memref<1x128x64xf32, #tpu.memory_space<vmem>> -> memref<128x64xf32, #tpu.memory_space<vmem>>
          %dma_wait3A_611 = arith.constant 0 : i32
          %dma_wait3A_612 = tpu.memref_slice %arg8[%rem3A_337, %dma_wait3A_611] : memref<4x128xi32, #tpu.memory_space<vmem>> -> memref<1x128xi32, #tpu.memory_space<vmem>>
          %dma_wait3A_613 = tpu.memref_squeeze %dma_wait3A_612 : memref<1x128xi32, #tpu.memory_space<vmem>> -> memref<128xi32, #tpu.memory_space<vmem>>
          %dma_wait3A_614 = arith.constant 0 : i32
          %dma_wait3A_615 = arith.constant 0 : i32
          %dma_wait3A_616 = tpu.memref_slice %arg2[%dma_wait3A_614, %dma_wait3A_615] : memref<1000000x64xf32, #tpu.memory_space<hbm>> -> memref<1000000x64xf32, #tpu.memory_space<hbm>>
          %dma_wait3A_617 = tpu.memref_slice %arg21[%rem3A_339] : memref<2x!tpu.dma_semaphore, #tpu.memory_space<semaphore_mem>> -> memref<1x!tpu.dma_semaphore, #tpu.memory_space<semaphore_mem>>
          %dma_wait3A_618 = tpu.memref_squeeze %dma_wait3A_617 : memref<1x!tpu.dma_semaphore, #tpu.memory_space<semaphore_mem>> -> memref<!tpu.dma_semaphore, #tpu.memory_space<semaphore_mem>>
          tpu.wait_indirect_dma semaphore(%dma_wait3A_618 : memref<!tpu.dma_semaphore, #tpu.memory_space<semaphore_mem>>) src(%dma_wait3A_616 : memref<1000000x64xf32, #tpu.memory_space<hbm>>) dst(%dma_wait3A_610 : memref<128x64xf32, #tpu.memory_space<vmem>>)
          %dma_start3A_619 = arith.constant 0 : i32
          %dma_start3A_620 = arith.constant 0 : i32
          %dma_start3A_621 = tpu.memref_slice %arg11[%rem3A_339, %dma_start3A_619, %dma_start3A_620] : memref<2x128x64xf32, #tpu.memory_space<vmem>> -> memref<1x128x64xf32, #tpu.memory_space<vmem>>
          %dma_start3A_622 = tpu.memref_squeeze %dma_start3A_621 : memref<1x128x64xf32, #tpu.memory_space<vmem>> -> memref<128x64xf32, #tpu.memory_space<vmem>>
          %dma_start3A_623 = arith.constant 0 : i32
          %dma_start3A_624 = tpu.memref_slice %arg10[%rem3A_337, %dma_start3A_623] : memref<4x128xi32, #tpu.memory_space<vmem>> -> memref<1x128xi32, #tpu.memory_space<vmem>>
          %dma_start3A_625 = tpu.memref_squeeze %dma_start3A_624 : memref<1x128xi32, #tpu.memory_space<vmem>> -> memref<128xi32, #tpu.memory_space<vmem>>
          %dma_start3A_626 = arith.constant 0 : i32
          %dma_start3A_627 = arith.constant 0 : i32
          %dma_start3A_628 = tpu.memref_slice %arg17[%dma_start3A_626, %dma_start3A_627] : memref<13312x64xf32, #tpu.memory_space<vmem_shared>> -> memref<13312x64xf32, #tpu.memory_space<vmem_shared>>
          %dma_start3A_629 = tpu.memref_slice %arg22[%rem3A_339] : memref<2x!tpu.dma_semaphore, #tpu.memory_space<semaphore_mem>> -> memref<1x!tpu.dma_semaphore, #tpu.memory_space<semaphore_mem>>
          %dma_start3A_630 = tpu.memref_squeeze %dma_start3A_629 : memref<1x!tpu.dma_semaphore, #tpu.memory_space<semaphore_mem>> -> memref<!tpu.dma_semaphore, #tpu.memory_space<semaphore_mem>>
          tpu.enqueue_indirect_dma source(%dma_start3A_622 : memref<128x64xf32, #tpu.memory_space<vmem>>) target(%dma_start3A_628 : memref<13312x64xf32, #tpu.memory_space<vmem_shared>>) offsets(%dma_start3A_625 : memref<128xi32, #tpu.memory_space<vmem>>) semaphore(%dma_start3A_630 : memref<!tpu.dma_semaphore, #tpu.memory_space<semaphore_mem>>) {add = true}
          %dma_start3A_631 = arith.constant 0 : i32
          %dma_start3A_632 = arith.constant 0 : i32
          %dma_start3A_633 = tpu.memref_slice %arg16[%dma_start3A_631, %dma_start3A_632] : memref<128x16xf32, #tpu.memory_space<vmem>> -> memref<128x16xf32, #tpu.memory_space<vmem>>
          %dma_start3A_634 = arith.constant 0 : i32
          %dma_start3A_635 = tpu.memref_slice %arg10[%rem3A_337, %dma_start3A_634] : memref<4x128xi32, #tpu.memory_space<vmem>> -> memref<1x128xi32, #tpu.memory_space<vmem>>
          %dma_start3A_636 = tpu.memref_squeeze %dma_start3A_635 : memref<1x128xi32, #tpu.memory_space<vmem>> -> memref<128xi32, #tpu.memory_space<vmem>>
          %dma_start3A_637 = arith.constant 0 : i32
          %dma_start3A_638 = arith.constant 0 : i32
          %dma_start3A_639 = tpu.memref_slice %arg18[%dma_start3A_637, %dma_start3A_638] : memref<13312x16xf32, #tpu.memory_space<vmem_shared>> -> memref<13312x16xf32, #tpu.memory_space<vmem_shared>>
          %dma_start3A_640 = tpu.memref_slice %arg22[%rem3A_339] : memref<2x!tpu.dma_semaphore, #tpu.memory_space<semaphore_mem>> -> memref<1x!tpu.dma_semaphore, #tpu.memory_space<semaphore_mem>>
          %dma_start3A_641 = tpu.memref_squeeze %dma_start3A_640 : memref<1x!tpu.dma_semaphore, #tpu.memory_space<semaphore_mem>> -> memref<!tpu.dma_semaphore, #tpu.memory_space<semaphore_mem>>
          tpu.enqueue_indirect_dma source(%dma_start3A_633 : memref<128x16xf32, #tpu.memory_space<vmem>>) target(%dma_start3A_639 : memref<13312x16xf32, #tpu.memory_space<vmem_shared>>) offsets(%dma_start3A_636 : memref<128xi32, #tpu.memory_space<vmem>>) semaphore(%dma_start3A_641 : memref<!tpu.dma_semaphore, #tpu.memory_space<semaphore_mem>>) {add = true}
          %while3A_642 = arith.constant 0 : i32
          scf.yield %while3A_642 : i32
        }
        %while3A_322 = arith.constant 1 : i32
        %while3A_323 = scf.for %while3A_334 = %while3A_319 to %while3A_315 step %while3A_322 iter_args(%while3A_335 = %while3A_321) -> (i32)  : i32 {
          %rem3A_336 = arith.constant 4 : i32
          %rem3A_337 = arith.remsi %while3A_334, %rem3A_336 : i32
          %rem3A_338 = arith.constant 2 : i32
          %rem3A_339 = arith.remsi %while3A_334, %rem3A_338 : i32
          %mul3A_340 = arith.constant 128 : i32
          %mul3A_341 = arith.muli %while3A_334, %mul3A_340 : i32
          %add3A_342 = arith.addi %and3A_79, %mul3A_341 : i32
          %min3A = arith.constant 999872 : i32
          %min3A_343 = arith.minsi %add3A_342, %min3A : i32
          %multiple_of3A = tpu.assume_multiple %min3A_343, 8 : i32
          %mul3A_344 = arith.constant 128 : i32
          %mul3A_345 = arith.muli %while3A_334, %mul3A_344 : i32
          %add3A_346 = arith.addi %and3A_79, %mul3A_345 : i32
          %sub3A_347 = arith.subi %add3A_346, %multiple_of3A : i32
          %add3A_348 = arith.constant 1 : i32
          %add3A_349 = arith.addi %while3A_334, %add3A_348 : i32
          %lt3A_350 = arith.cmpi slt, %add3A_349, %select_n3A_106 : i32
          %convert_element_type3A_351 = arith.extui %lt3A_350 : i1 to i32
          %cond3A_352 = arith.constant 0 : i32
          %cond3A_353 = arith.cmpi ne, %convert_element_type3A_351, %cond3A_352 : i32
          scf.if %cond3A_353 {
            %add3A_643 = arith.constant 1 : i32
            %add3A_644 = arith.addi %while3A_334, %add3A_643 : i32
            %rem3A_645 = arith.constant 4 : i32
            %rem3A_646 = arith.remsi %add3A_644, %rem3A_645 : i32
            %rem3A_647 = arith.constant 2 : i32
            %rem3A_648 = arith.remsi %add3A_644, %rem3A_647 : i32
            %mul3A_649 = arith.constant 128 : i32
            %mul3A_650 = arith.muli %add3A_644, %mul3A_649 : i32
            %add3A_651 = arith.addi %and3A_79, %mul3A_650 : i32
            %min3A_652 = arith.constant 999872 : i32
            %min3A_653 = arith.minsi %add3A_651, %min3A_652 : i32
            %multiple_of3A_654 = tpu.assume_multiple %min3A_653, 8 : i32
            %ge3A_655 = arith.constant 2 : i32
            %ge3A_656 = arith.cmpi sge, %add3A_644, %ge3A_655 : i32
            %convert_element_type3A_657 = arith.extui %ge3A_656 : i1 to i32
            %cond3A_658 = arith.constant 0 : i32
            %cond3A_659 = arith.cmpi ne, %convert_element_type3A_657, %cond3A_658 : i32
            scf.if %cond3A_659 {
              %sub3A_682 = arith.constant 2 : i32
              %sub3A_683 = arith.subi %add3A_644, %sub3A_682 : i32
              %rem3A_684 = arith.constant 4 : i32
              %rem3A_685 = arith.remsi %sub3A_683, %rem3A_684 : i32
              %rem3A_686 = arith.constant 2 : i32
              %rem3A_687 = arith.remsi %sub3A_683, %rem3A_686 : i32
              %dma_wait3A_688 = arith.constant 0 : i32
              %dma_wait3A_689 = arith.constant 0 : i32
              %dma_wait3A_690 = tpu.memref_slice %arg11[%rem3A_687, %dma_wait3A_688, %dma_wait3A_689] : memref<2x128x64xf32, #tpu.memory_space<vmem>> -> memref<1x128x64xf32, #tpu.memory_space<vmem>>
              %dma_wait3A_691 = tpu.memref_squeeze %dma_wait3A_690 : memref<1x128x64xf32, #tpu.memory_space<vmem>> -> memref<128x64xf32, #tpu.memory_space<vmem>>
              %dma_wait3A_692 = arith.constant 0 : i32
              %dma_wait3A_693 = tpu.memref_slice %arg10[%rem3A_685, %dma_wait3A_692] : memref<4x128xi32, #tpu.memory_space<vmem>> -> memref<1x128xi32, #tpu.memory_space<vmem>>
              %dma_wait3A_694 = tpu.memref_squeeze %dma_wait3A_693 : memref<1x128xi32, #tpu.memory_space<vmem>> -> memref<128xi32, #tpu.memory_space<vmem>>
              %dma_wait3A_695 = arith.constant 0 : i32
              %dma_wait3A_696 = arith.constant 0 : i32
              %dma_wait3A_697 = tpu.memref_slice %arg17[%dma_wait3A_695, %dma_wait3A_696] : memref<13312x64xf32, #tpu.memory_space<vmem_shared>> -> memref<13312x64xf32, #tpu.memory_space<vmem_shared>>
              %dma_wait3A_698 = tpu.memref_slice %arg22[%rem3A_687] : memref<2x!tpu.dma_semaphore, #tpu.memory_space<semaphore_mem>> -> memref<1x!tpu.dma_semaphore, #tpu.memory_space<semaphore_mem>>
              %dma_wait3A_699 = tpu.memref_squeeze %dma_wait3A_698 : memref<1x!tpu.dma_semaphore, #tpu.memory_space<semaphore_mem>> -> memref<!tpu.dma_semaphore, #tpu.memory_space<semaphore_mem>>
              tpu.wait_indirect_dma semaphore(%dma_wait3A_699 : memref<!tpu.dma_semaphore, #tpu.memory_space<semaphore_mem>>) src(%dma_wait3A_691 : memref<128x64xf32, #tpu.memory_space<vmem>>) dst(%dma_wait3A_697 : memref<13312x64xf32, #tpu.memory_space<vmem_shared>>)
              %dma_wait3A_700 = arith.constant 0 : i32
              %dma_wait3A_701 = arith.constant 0 : i32
              %dma_wait3A_702 = tpu.memref_slice %arg16[%dma_wait3A_700, %dma_wait3A_701] : memref<128x16xf32, #tpu.memory_space<vmem>> -> memref<128x16xf32, #tpu.memory_space<vmem>>
              %dma_wait3A_703 = arith.constant 0 : i32
              %dma_wait3A_704 = tpu.memref_slice %arg10[%rem3A_685, %dma_wait3A_703] : memref<4x128xi32, #tpu.memory_space<vmem>> -> memref<1x128xi32, #tpu.memory_space<vmem>>
              %dma_wait3A_705 = tpu.memref_squeeze %dma_wait3A_704 : memref<1x128xi32, #tpu.memory_space<vmem>> -> memref<128xi32, #tpu.memory_space<vmem>>
              %dma_wait3A_706 = arith.constant 0 : i32
              %dma_wait3A_707 = arith.constant 0 : i32
              %dma_wait3A_708 = tpu.memref_slice %arg18[%dma_wait3A_706, %dma_wait3A_707] : memref<13312x16xf32, #tpu.memory_space<vmem_shared>> -> memref<13312x16xf32, #tpu.memory_space<vmem_shared>>
              %dma_wait3A_709 = tpu.memref_slice %arg22[%rem3A_687] : memref<2x!tpu.dma_semaphore, #tpu.memory_space<semaphore_mem>> -> memref<1x!tpu.dma_semaphore, #tpu.memory_space<semaphore_mem>>
              %dma_wait3A_710 = tpu.memref_squeeze %dma_wait3A_709 : memref<1x!tpu.dma_semaphore, #tpu.memory_space<semaphore_mem>> -> memref<!tpu.dma_semaphore, #tpu.memory_space<semaphore_mem>>
              tpu.wait_indirect_dma semaphore(%dma_wait3A_710 : memref<!tpu.dma_semaphore, #tpu.memory_space<semaphore_mem>>) src(%dma_wait3A_702 : memref<128x16xf32, #tpu.memory_space<vmem>>) dst(%dma_wait3A_708 : memref<13312x16xf32, #tpu.memory_space<vmem_shared>>)
            } else {
            }
            %dma_wait3A_660 = arith.constant 0 : i32
            %dma_wait3A_661 = tpu.memref_slice %arg8[%rem3A_646, %dma_wait3A_660] : memref<4x128xi32, #tpu.memory_space<vmem>> -> memref<1x128xi32, #tpu.memory_space<vmem>>
            %dma_wait3A_662 = tpu.memref_squeeze %dma_wait3A_661 : memref<1x128xi32, #tpu.memory_space<vmem>> -> memref<128xi32, #tpu.memory_space<vmem>>
            %dma_wait3A_663 = tpu.memref_slice %arg3[%multiple_of3A_654] : memref<1000000xi32, #tpu.memory_space<hbm>> -> memref<128xi32, #tpu.memory_space<hbm>>
            %dma_wait3A_664 = tpu.memref_slice %arg19[%rem3A_646] : memref<4x!tpu.dma_semaphore, #tpu.memory_space<semaphore_mem>> -> memref<1x!tpu.dma_semaphore, #tpu.memory_space<semaphore_mem>>
            %dma_wait3A_665 = tpu.memref_squeeze %dma_wait3A_664 : memref<1x!tpu.dma_semaphore, #tpu.memory_space<semaphore_mem>> -> memref<!tpu.dma_semaphore, #tpu.memory_space<semaphore_mem>>
            %dma_wait3A_666 = arith.constant 0 : i32
            %dma_wait3A_667 = tpu.memref_slice %arg8[%rem3A_646, %dma_wait3A_666] : memref<4x128xi32, #tpu.memory_space<vmem>> -> memref<1x128xi32, #tpu.memory_space<vmem>>
            %dma_wait3A_668 = tpu.memref_squeeze %dma_wait3A_667 : memref<1x128xi32, #tpu.memory_space<vmem>> -> memref<128xi32, #tpu.memory_space<vmem>>
            %dma_wait3A_669 = tpu.memref_slice %arg3[%multiple_of3A_654] : memref<1000000xi32, #tpu.memory_space<hbm>> -> memref<128xi32, #tpu.memory_space<hbm>>
            tpu.wait_dma2 semaphore(%dma_wait3A_665 : memref<!tpu.dma_semaphore, #tpu.memory_space<semaphore_mem>>) src(%dma_wait3A_669 : memref<128xi32, #tpu.memory_space<hbm>>) dst(%dma_wait3A_668 : memref<128xi32, #tpu.memory_space<vmem>>)
            %dma_start3A_670 = arith.constant 0 : i32
            %dma_start3A_671 = arith.constant 0 : i32
            %dma_start3A_672 = tpu.memref_slice %arg11[%rem3A_648, %dma_start3A_670, %dma_start3A_671] : memref<2x128x64xf32, #tpu.memory_space<vmem>> -> memref<1x128x64xf32, #tpu.memory_space<vmem>>
            %dma_start3A_673 = tpu.memref_squeeze %dma_start3A_672 : memref<1x128x64xf32, #tpu.memory_space<vmem>> -> memref<128x64xf32, #tpu.memory_space<vmem>>
            %dma_start3A_674 = arith.constant 0 : i32
            %dma_start3A_675 = tpu.memref_slice %arg8[%rem3A_646, %dma_start3A_674] : memref<4x128xi32, #tpu.memory_space<vmem>> -> memref<1x128xi32, #tpu.memory_space<vmem>>
            %dma_start3A_676 = tpu.memref_squeeze %dma_start3A_675 : memref<1x128xi32, #tpu.memory_space<vmem>> -> memref<128xi32, #tpu.memory_space<vmem>>
            %dma_start3A_677 = arith.constant 0 : i32
            %dma_start3A_678 = arith.constant 0 : i32
            %dma_start3A_679 = tpu.memref_slice %arg2[%dma_start3A_677, %dma_start3A_678] : memref<1000000x64xf32, #tpu.memory_space<hbm>> -> memref<1000000x64xf32, #tpu.memory_space<hbm>>
            %dma_start3A_680 = tpu.memref_slice %arg21[%rem3A_648] : memref<2x!tpu.dma_semaphore, #tpu.memory_space<semaphore_mem>> -> memref<1x!tpu.dma_semaphore, #tpu.memory_space<semaphore_mem>>
            %dma_start3A_681 = tpu.memref_squeeze %dma_start3A_680 : memref<1x!tpu.dma_semaphore, #tpu.memory_space<semaphore_mem>> -> memref<!tpu.dma_semaphore, #tpu.memory_space<semaphore_mem>>
            tpu.enqueue_indirect_dma source(%dma_start3A_679 : memref<1000000x64xf32, #tpu.memory_space<hbm>>) target(%dma_start3A_673 : memref<128x64xf32, #tpu.memory_space<vmem>>) offsets(%dma_start3A_676 : memref<128xi32, #tpu.memory_space<vmem>>) semaphore(%dma_start3A_681 : memref<!tpu.dma_semaphore, #tpu.memory_space<semaphore_mem>>)
          } else {
          }
          %add3A_354 = arith.constant 2 : i32
          %add3A_355 = arith.addi %while3A_334, %add3A_354 : i32
          %lt3A_356 = arith.cmpi slt, %add3A_355, %select_n3A_106 : i32
          %convert_element_type3A_357 = arith.extui %lt3A_356 : i1 to i32
          %cond3A_358 = arith.constant 0 : i32
          %cond3A_359 = arith.cmpi ne, %convert_element_type3A_357, %cond3A_358 : i32
          scf.if %cond3A_359 {
            %add3A_643 = arith.constant 2 : i32
            %add3A_644 = arith.addi %while3A_334, %add3A_643 : i32
            %rem3A_645 = arith.constant 4 : i32
            %rem3A_646 = arith.remsi %add3A_644, %rem3A_645 : i32
            %mul3A_647 = arith.constant 128 : i32
            %mul3A_648 = arith.muli %add3A_644, %mul3A_647 : i32
            %add3A_649 = arith.addi %and3A_79, %mul3A_648 : i32
            %min3A_650 = arith.constant 999872 : i32
            %min3A_651 = arith.minsi %add3A_649, %min3A_650 : i32
            %multiple_of3A_652 = tpu.assume_multiple %min3A_651, 8 : i32
            %dma_start3A_653 = arith.constant 0 : i32
            %dma_start3A_654 = tpu.memref_slice %arg8[%rem3A_646, %dma_start3A_653] : memref<4x128xi32, #tpu.memory_space<vmem>> -> memref<1x128xi32, #tpu.memory_space<vmem>>
            %dma_start3A_655 = tpu.memref_squeeze %dma_start3A_654 : memref<1x128xi32, #tpu.memory_space<vmem>> -> memref<128xi32, #tpu.memory_space<vmem>>
            %dma_start3A_656 = tpu.memref_slice %arg3[%multiple_of3A_652] : memref<1000000xi32, #tpu.memory_space<hbm>> -> memref<128xi32, #tpu.memory_space<hbm>>
            %dma_start3A_657 = tpu.memref_slice %arg19[%rem3A_646] : memref<4x!tpu.dma_semaphore, #tpu.memory_space<semaphore_mem>> -> memref<1x!tpu.dma_semaphore, #tpu.memory_space<semaphore_mem>>
            %dma_start3A_658 = tpu.memref_squeeze %dma_start3A_657 : memref<1x!tpu.dma_semaphore, #tpu.memory_space<semaphore_mem>> -> memref<!tpu.dma_semaphore, #tpu.memory_space<semaphore_mem>>
            %dma_start3A_659 = arith.constant 0 : i32
            %dma_start3A_660 = tpu.memref_slice %arg8[%rem3A_646, %dma_start3A_659] : memref<4x128xi32, #tpu.memory_space<vmem>> -> memref<1x128xi32, #tpu.memory_space<vmem>>
            %dma_start3A_661 = tpu.memref_squeeze %dma_start3A_660 : memref<1x128xi32, #tpu.memory_space<vmem>> -> memref<128xi32, #tpu.memory_space<vmem>>
            %dma_start3A_662 = tpu.memref_slice %arg3[%multiple_of3A_652] : memref<1000000xi32, #tpu.memory_space<hbm>> -> memref<128xi32, #tpu.memory_space<hbm>>
            tpu.enqueue_dma source(%dma_start3A_662 : memref<128xi32, #tpu.memory_space<hbm>>) target(%dma_start3A_661 : memref<128xi32, #tpu.memory_space<vmem>>) target_semaphore(%dma_start3A_658 : memref<!tpu.dma_semaphore, #tpu.memory_space<semaphore_mem>>)
            %dma_start3A_663 = arith.constant 0 : i32
            %dma_start3A_664 = tpu.memref_slice %arg9[%rem3A_646, %dma_start3A_663] : memref<4x128xi32, #tpu.memory_space<vmem>> -> memref<1x128xi32, #tpu.memory_space<vmem>>
            %dma_start3A_665 = tpu.memref_squeeze %dma_start3A_664 : memref<1x128xi32, #tpu.memory_space<vmem>> -> memref<128xi32, #tpu.memory_space<vmem>>
            %dma_start3A_666 = tpu.memref_slice %arg4[%multiple_of3A_652] : memref<1000000xi32, #tpu.memory_space<hbm>> -> memref<128xi32, #tpu.memory_space<hbm>>
            %dma_start3A_667 = tpu.memref_slice %arg20[%rem3A_646] : memref<4x!tpu.dma_semaphore, #tpu.memory_space<semaphore_mem>> -> memref<1x!tpu.dma_semaphore, #tpu.memory_space<semaphore_mem>>
            %dma_start3A_668 = tpu.memref_squeeze %dma_start3A_667 : memref<1x!tpu.dma_semaphore, #tpu.memory_space<semaphore_mem>> -> memref<!tpu.dma_semaphore, #tpu.memory_space<semaphore_mem>>
            %dma_start3A_669 = arith.constant 0 : i32
            %dma_start3A_670 = tpu.memref_slice %arg9[%rem3A_646, %dma_start3A_669] : memref<4x128xi32, #tpu.memory_space<vmem>> -> memref<1x128xi32, #tpu.memory_space<vmem>>
            %dma_start3A_671 = tpu.memref_squeeze %dma_start3A_670 : memref<1x128xi32, #tpu.memory_space<vmem>> -> memref<128xi32, #tpu.memory_space<vmem>>
            %dma_start3A_672 = tpu.memref_slice %arg4[%multiple_of3A_652] : memref<1000000xi32, #tpu.memory_space<hbm>> -> memref<128xi32, #tpu.memory_space<hbm>>
            tpu.enqueue_dma source(%dma_start3A_672 : memref<128xi32, #tpu.memory_space<hbm>>) target(%dma_start3A_671 : memref<128xi32, #tpu.memory_space<vmem>>) target_semaphore(%dma_start3A_668 : memref<!tpu.dma_semaphore, #tpu.memory_space<semaphore_mem>>)
          } else {
          }
          %dma_wait3A_360 = arith.constant 0 : i32
          %dma_wait3A_361 = tpu.memref_slice %arg9[%rem3A_337, %dma_wait3A_360] : memref<4x128xi32, #tpu.memory_space<vmem>> -> memref<1x128xi32, #tpu.memory_space<vmem>>
          %dma_wait3A_362 = tpu.memref_squeeze %dma_wait3A_361 : memref<1x128xi32, #tpu.memory_space<vmem>> -> memref<128xi32, #tpu.memory_space<vmem>>
          %dma_wait3A_363 = tpu.memref_slice %arg4[%multiple_of3A] : memref<1000000xi32, #tpu.memory_space<hbm>> -> memref<128xi32, #tpu.memory_space<hbm>>
          %dma_wait3A_364 = tpu.memref_slice %arg20[%rem3A_337] : memref<4x!tpu.dma_semaphore, #tpu.memory_space<semaphore_mem>> -> memref<1x!tpu.dma_semaphore, #tpu.memory_space<semaphore_mem>>
          %dma_wait3A_365 = tpu.memref_squeeze %dma_wait3A_364 : memref<1x!tpu.dma_semaphore, #tpu.memory_space<semaphore_mem>> -> memref<!tpu.dma_semaphore, #tpu.memory_space<semaphore_mem>>
          %dma_wait3A_366 = arith.constant 0 : i32
          %dma_wait3A_367 = tpu.memref_slice %arg9[%rem3A_337, %dma_wait3A_366] : memref<4x128xi32, #tpu.memory_space<vmem>> -> memref<1x128xi32, #tpu.memory_space<vmem>>
          %dma_wait3A_368 = tpu.memref_squeeze %dma_wait3A_367 : memref<1x128xi32, #tpu.memory_space<vmem>> -> memref<128xi32, #tpu.memory_space<vmem>>
          %dma_wait3A_369 = tpu.memref_slice %arg4[%multiple_of3A] : memref<1000000xi32, #tpu.memory_space<hbm>> -> memref<128xi32, #tpu.memory_space<hbm>>
          tpu.wait_dma2 semaphore(%dma_wait3A_365 : memref<!tpu.dma_semaphore, #tpu.memory_space<semaphore_mem>>) src(%dma_wait3A_369 : memref<128xi32, #tpu.memory_space<hbm>>) dst(%dma_wait3A_368 : memref<128xi32, #tpu.memory_space<vmem>>)
          %get3A_370 = arith.index_cast %rem3A_337 : i32 to index
          %get3A_371 = arith.constant 0 : index
          %get3A_372 = tpu.vector_load %arg9[%get3A_370, %get3A_371] {strides = array<i32>} : memref<4x128xi32, #tpu.memory_space<vmem>>, vector<1x16xi32>,
          %get3A_373 = vector.shape_cast %get3A_372 : vector<1x16xi32> to vector<16xi32>
          %sub3A_374 = vector.broadcast %mul3A_108 : i32 to vector<16xi32>
          %sub3A_375 = arith.subi %get3A_373, %sub3A_374 : vector<16xi32>
          %iota3A = tpu.iota {dimensions = array<i32: 0>} : vector<16xi32>
          %add3A_376 = arith.constant 0 : i32
          %add3A_377 = vector.broadcast %add3A_376 : i32 to vector<16xi32>
          %add3A_378 = arith.addi %iota3A, %add3A_377 : vector<16xi32>
          %ge3A = arith.constant 0 : i32
          %ge3A_379 = vector.broadcast %ge3A : i32 to vector<16xi32>
          %ge3A_380 = arith.cmpi sge, %sub3A_375, %ge3A_379 : vector<16xi32>
          %lt3A_381 = arith.constant 400 : i32
          %lt3A_382 = vector.broadcast %lt3A_381 : i32 to vector<16xi32>
          %lt3A_383 = arith.cmpi slt, %sub3A_375, %lt3A_382 : vector<16xi32>
          %and3A_384 = arith.andi %ge3A_380, %lt3A_383 : vector<16xi1>
          %ge3A_385 = vector.broadcast %sub3A_347 : i32 to vector<16xi32>
          %ge3A_386 = arith.cmpi sge, %add3A_378, %ge3A_385 : vector<16xi32>
          %and3A_387 = arith.andi %and3A_384, %ge3A_386 : vector<16xi1>
          %jit3A_388 = arith.constant 400 : i32
          %broadcast_in_dim3A_389 = vector.broadcast %jit3A_388 : i32 to vector<16xi32>
          %select_n3A_390 = arith.select %and3A_387, %sub3A_375, %broadcast_in_dim3A_389 : vector<16xi1>, vector<16xi32>
          %add3A_391 = vector.broadcast %add3A_63 : i32 to vector<16xi32>
          %add3A_392 = arith.addi %select_n3A_390, %add3A_391 : vector<16xi32>
          %swap3A = arith.index_cast %rem3A_337 : i32 to index
          %swap3A_393 = arith.constant 0 : index
          %swap3A_394 = tpu.vector_load %arg10[%swap3A, %swap3A_393] {strides = array<i32>} : memref<4x128xi32, #tpu.memory_space<vmem>>, vector<1x16xi32>,
          %swap3A_395 = vector.shape_cast %swap3A_394 : vector<1x16xi32> to vector<16xi32>
          %swap3A_396 = vector.shape_cast %add3A_392 : vector<16xi32> to vector<1x16xi32>
          tpu.vector_store %arg10[%swap3A, %swap3A_393], %swap3A_396 {strides = array<i32>} : memref<4x128xi32, #tpu.memory_space<vmem>>, vector<1x16xi32>,
          %get3A_397 = arith.index_cast %rem3A_337 : i32 to index
          %get3A_398 = arith.constant 16 : index
          %get3A_399 = tpu.vector_load %arg9[%get3A_397, %get3A_398] {strides = array<i32>} : memref<4x128xi32, #tpu.memory_space<vmem>>, vector<1x16xi32>,
          %get3A_400 = vector.shape_cast %get3A_399 : vector<1x16xi32> to vector<16xi32>
          %sub3A_401 = vector.broadcast %mul3A_108 : i32 to vector<16xi32>
          %sub3A_402 = arith.subi %get3A_400, %sub3A_401 : vector<16xi32>
          %iota3A_403 = tpu.iota {dimensions = array<i32: 0>} : vector<16xi32>
          %add3A_404 = arith.constant 16 : i32
          %add3A_405 = vector.broadcast %add3A_404 : i32 to vector<16xi32>
          %add3A_406 = arith.addi %iota3A_403, %add3A_405 : vector<16xi32>
          %ge3A_407 = arith.constant 0 : i32
          %ge3A_408 = vector.broadcast %ge3A_407 : i32 to vector<16xi32>
          %ge3A_409 = arith.cmpi sge, %sub3A_402, %ge3A_408 : vector<16xi32>
          %lt3A_410 = arith.constant 400 : i32
          %lt3A_411 = vector.broadcast %lt3A_410 : i32 to vector<16xi32>
          %lt3A_412 = arith.cmpi slt, %sub3A_402, %lt3A_411 : vector<16xi32>
          %and3A_413 = arith.andi %ge3A_409, %lt3A_412 : vector<16xi1>
          %ge3A_414 = vector.broadcast %sub3A_347 : i32 to vector<16xi32>
          %ge3A_415 = arith.cmpi sge, %add3A_406, %ge3A_414 : vector<16xi32>
          %and3A_416 = arith.andi %and3A_413, %ge3A_415 : vector<16xi1>
          %jit3A_417 = arith.constant 400 : i32
          %broadcast_in_dim3A_418 = vector.broadcast %jit3A_417 : i32 to vector<16xi32>
          %select_n3A_419 = arith.select %and3A_416, %sub3A_402, %broadcast_in_dim3A_418 : vector<16xi1>, vector<16xi32>
          %add3A_420 = vector.broadcast %add3A_63 : i32 to vector<16xi32>
          %add3A_421 = arith.addi %select_n3A_419, %add3A_420 : vector<16xi32>
          %swap3A_422 = arith.index_cast %rem3A_337 : i32 to index
          %swap3A_423 = arith.constant 16 : index
          %swap3A_424 = tpu.vector_load %arg10[%swap3A_422, %swap3A_423] {strides = array<i32>} : memref<4x128xi32, #tpu.memory_space<vmem>>, vector<1x16xi32>,
          %swap3A_425 = vector.shape_cast %swap3A_424 : vector<1x16xi32> to vector<16xi32>
          %swap3A_426 = vector.shape_cast %add3A_421 : vector<16xi32> to vector<1x16xi32>
          tpu.vector_store %arg10[%swap3A_422, %swap3A_423], %swap3A_426 {strides = array<i32>} : memref<4x128xi32, #tpu.memory_space<vmem>>, vector<1x16xi32>,
          %get3A_427 = arith.index_cast %rem3A_337 : i32 to index
          %get3A_428 = arith.constant 32 : index
          %get3A_429 = tpu.vector_load %arg9[%get3A_427, %get3A_428] {strides = array<i32>} : memref<4x128xi32, #tpu.memory_space<vmem>>, vector<1x16xi32>,
          %get3A_430 = vector.shape_cast %get3A_429 : vector<1x16xi32> to vector<16xi32>
          %sub3A_431 = vector.broadcast %mul3A_108 : i32 to vector<16xi32>
          %sub3A_432 = arith.subi %get3A_430, %sub3A_431 : vector<16xi32>
          %iota3A_433 = tpu.iota {dimensions = array<i32: 0>} : vector<16xi32>
          %add3A_434 = arith.constant 32 : i32
          %add3A_435 = vector.broadcast %add3A_434 : i32 to vector<16xi32>
          %add3A_436 = arith.addi %iota3A_433, %add3A_435 : vector<16xi32>
          %ge3A_437 = arith.constant 0 : i32
          %ge3A_438 = vector.broadcast %ge3A_437 : i32 to vector<16xi32>
          %ge3A_439 = arith.cmpi sge, %sub3A_432, %ge3A_438 : vector<16xi32>
          %lt3A_440 = arith.constant 400 : i32
          %lt3A_441 = vector.broadcast %lt3A_440 : i32 to vector<16xi32>
          %lt3A_442 = arith.cmpi slt, %sub3A_432, %lt3A_441 : vector<16xi32>
          %and3A_443 = arith.andi %ge3A_439, %lt3A_442 : vector<16xi1>
          %ge3A_444 = vector.broadcast %sub3A_347 : i32 to vector<16xi32>
          %ge3A_445 = arith.cmpi sge, %add3A_436, %ge3A_444 : vector<16xi32>
          %and3A_446 = arith.andi %and3A_443, %ge3A_445 : vector<16xi1>
          %jit3A_447 = arith.constant 400 : i32
          %broadcast_in_dim3A_448 = vector.broadcast %jit3A_447 : i32 to vector<16xi32>
          %select_n3A_449 = arith.select %and3A_446, %sub3A_432, %broadcast_in_dim3A_448 : vector<16xi1>, vector<16xi32>
          %add3A_450 = vector.broadcast %add3A_63 : i32 to vector<16xi32>
          %add3A_451 = arith.addi %select_n3A_449, %add3A_450 : vector<16xi32>
          %swap3A_452 = arith.index_cast %rem3A_337 : i32 to index
          %swap3A_453 = arith.constant 32 : index
          %swap3A_454 = tpu.vector_load %arg10[%swap3A_452, %swap3A_453] {strides = array<i32>} : memref<4x128xi32, #tpu.memory_space<vmem>>, vector<1x16xi32>,
          %swap3A_455 = vector.shape_cast %swap3A_454 : vector<1x16xi32> to vector<16xi32>
          %swap3A_456 = vector.shape_cast %add3A_451 : vector<16xi32> to vector<1x16xi32>
          tpu.vector_store %arg10[%swap3A_452, %swap3A_453], %swap3A_456 {strides = array<i32>} : memref<4x128xi32, #tpu.memory_space<vmem>>, vector<1x16xi32>,
          %get3A_457 = arith.index_cast %rem3A_337 : i32 to index
          %get3A_458 = arith.constant 48 : index
          %get3A_459 = tpu.vector_load %arg9[%get3A_457, %get3A_458] {strides = array<i32>} : memref<4x128xi32, #tpu.memory_space<vmem>>, vector<1x16xi32>,
          %get3A_460 = vector.shape_cast %get3A_459 : vector<1x16xi32> to vector<16xi32>
          %sub3A_461 = vector.broadcast %mul3A_108 : i32 to vector<16xi32>
          %sub3A_462 = arith.subi %get3A_460, %sub3A_461 : vector<16xi32>
          %iota3A_463 = tpu.iota {dimensions = array<i32: 0>} : vector<16xi32>
          %add3A_464 = arith.constant 48 : i32
          %add3A_465 = vector.broadcast %add3A_464 : i32 to vector<16xi32>
          %add3A_466 = arith.addi %iota3A_463, %add3A_465 : vector<16xi32>
          %ge3A_467 = arith.constant 0 : i32
          %ge3A_468 = vector.broadcast %ge3A_467 : i32 to vector<16xi32>
          %ge3A_469 = arith.cmpi sge, %sub3A_462, %ge3A_468 : vector<16xi32>
          %lt3A_470 = arith.constant 400 : i32
          %lt3A_471 = vector.broadcast %lt3A_470 : i32 to vector<16xi32>
          %lt3A_472 = arith.cmpi slt, %sub3A_462, %lt3A_471 : vector<16xi32>
          %and3A_473 = arith.andi %ge3A_469, %lt3A_472 : vector<16xi1>
          %ge3A_474 = vector.broadcast %sub3A_347 : i32 to vector<16xi32>
          %ge3A_475 = arith.cmpi sge, %add3A_466, %ge3A_474 : vector<16xi32>
          %and3A_476 = arith.andi %and3A_473, %ge3A_475 : vector<16xi1>
          %jit3A_477 = arith.constant 400 : i32
          %broadcast_in_dim3A_478 = vector.broadcast %jit3A_477 : i32 to vector<16xi32>
          %select_n3A_479 = arith.select %and3A_476, %sub3A_462, %broadcast_in_dim3A_478 : vector<16xi1>, vector<16xi32>
          %add3A_480 = vector.broadcast %add3A_63 : i32 to vector<16xi32>
          %add3A_481 = arith.addi %select_n3A_479, %add3A_480 : vector<16xi32>
          %swap3A_482 = arith.index_cast %rem3A_337 : i32 to index
          %swap3A_483 = arith.constant 48 : index
          %swap3A_484 = tpu.vector_load %arg10[%swap3A_482, %swap3A_483] {strides = array<i32>} : memref<4x128xi32, #tpu.memory_space<vmem>>, vector<1x16xi32>,
          %swap3A_485 = vector.shape_cast %swap3A_484 : vector<1x16xi32> to vector<16xi32>
          %swap3A_486 = vector.shape_cast %add3A_481 : vector<16xi32> to vector<1x16xi32>
          tpu.vector_store %arg10[%swap3A_482, %swap3A_483], %swap3A_486 {strides = array<i32>} : memref<4x128xi32, #tpu.memory_space<vmem>>, vector<1x16xi32>,
          %get3A_487 = arith.index_cast %rem3A_337 : i32 to index
          %get3A_488 = arith.constant 64 : index
          %get3A_489 = tpu.vector_load %arg9[%get3A_487, %get3A_488] {strides = array<i32>} : memref<4x128xi32, #tpu.memory_space<vmem>>, vector<1x16xi32>,
          %get3A_490 = vector.shape_cast %get3A_489 : vector<1x16xi32> to vector<16xi32>
          %sub3A_491 = vector.broadcast %mul3A_108 : i32 to vector<16xi32>
          %sub3A_492 = arith.subi %get3A_490, %sub3A_491 : vector<16xi32>
          %iota3A_493 = tpu.iota {dimensions = array<i32: 0>} : vector<16xi32>
          %add3A_494 = arith.constant 64 : i32
          %add3A_495 = vector.broadcast %add3A_494 : i32 to vector<16xi32>
          %add3A_496 = arith.addi %iota3A_493, %add3A_495 : vector<16xi32>
          %ge3A_497 = arith.constant 0 : i32
          %ge3A_498 = vector.broadcast %ge3A_497 : i32 to vector<16xi32>
          %ge3A_499 = arith.cmpi sge, %sub3A_492, %ge3A_498 : vector<16xi32>
          %lt3A_500 = arith.constant 400 : i32
          %lt3A_501 = vector.broadcast %lt3A_500 : i32 to vector<16xi32>
          %lt3A_502 = arith.cmpi slt, %sub3A_492, %lt3A_501 : vector<16xi32>
          %and3A_503 = arith.andi %ge3A_499, %lt3A_502 : vector<16xi1>
          %ge3A_504 = vector.broadcast %sub3A_347 : i32 to vector<16xi32>
          %ge3A_505 = arith.cmpi sge, %add3A_496, %ge3A_504 : vector<16xi32>
          %and3A_506 = arith.andi %and3A_503, %ge3A_505 : vector<16xi1>
          %jit3A_507 = arith.constant 400 : i32
          %broadcast_in_dim3A_508 = vector.broadcast %jit3A_507 : i32 to vector<16xi32>
          %select_n3A_509 = arith.select %and3A_506, %sub3A_492, %broadcast_in_dim3A_508 : vector<16xi1>, vector<16xi32>
          %add3A_510 = vector.broadcast %add3A_63 : i32 to vector<16xi32>
          %add3A_511 = arith.addi %select_n3A_509, %add3A_510 : vector<16xi32>
          %swap3A_512 = arith.index_cast %rem3A_337 : i32 to index
          %swap3A_513 = arith.constant 64 : index
          %swap3A_514 = tpu.vector_load %arg10[%swap3A_512, %swap3A_513] {strides = array<i32>} : memref<4x128xi32, #tpu.memory_space<vmem>>, vector<1x16xi32>,
          %swap3A_515 = vector.shape_cast %swap3A_514 : vector<1x16xi32> to vector<16xi32>
          %swap3A_516 = vector.shape_cast %add3A_511 : vector<16xi32> to vector<1x16xi32>
          tpu.vector_store %arg10[%swap3A_512, %swap3A_513], %swap3A_516 {strides = array<i32>} : memref<4x128xi32, #tpu.memory_space<vmem>>, vector<1x16xi32>,
          %get3A_517 = arith.index_cast %rem3A_337 : i32 to index
          %get3A_518 = arith.constant 80 : index
          %get3A_519 = tpu.vector_load %arg9[%get3A_517, %get3A_518] {strides = array<i32>} : memref<4x128xi32, #tpu.memory_space<vmem>>, vector<1x16xi32>,
          %get3A_520 = vector.shape_cast %get3A_519 : vector<1x16xi32> to vector<16xi32>
          %sub3A_521 = vector.broadcast %mul3A_108 : i32 to vector<16xi32>
          %sub3A_522 = arith.subi %get3A_520, %sub3A_521 : vector<16xi32>
          %iota3A_523 = tpu.iota {dimensions = array<i32: 0>} : vector<16xi32>
          %add3A_524 = arith.constant 80 : i32
          %add3A_525 = vector.broadcast %add3A_524 : i32 to vector<16xi32>
          %add3A_526 = arith.addi %iota3A_523, %add3A_525 : vector<16xi32>
          %ge3A_527 = arith.constant 0 : i32
          %ge3A_528 = vector.broadcast %ge3A_527 : i32 to vector<16xi32>
          %ge3A_529 = arith.cmpi sge, %sub3A_522, %ge3A_528 : vector<16xi32>
          %lt3A_530 = arith.constant 400 : i32
          %lt3A_531 = vector.broadcast %lt3A_530 : i32 to vector<16xi32>
          %lt3A_532 = arith.cmpi slt, %sub3A_522, %lt3A_531 : vector<16xi32>
          %and3A_533 = arith.andi %ge3A_529, %lt3A_532 : vector<16xi1>
          %ge3A_534 = vector.broadcast %sub3A_347 : i32 to vector<16xi32>
          %ge3A_535 = arith.cmpi sge, %add3A_526, %ge3A_534 : vector<16xi32>
          %and3A_536 = arith.andi %and3A_533, %ge3A_535 : vector<16xi1>
          %jit3A_537 = arith.constant 400 : i32
          %broadcast_in_dim3A_538 = vector.broadcast %jit3A_537 : i32 to vector<16xi32>
          %select_n3A_539 = arith.select %and3A_536, %sub3A_522, %broadcast_in_dim3A_538 : vector<16xi1>, vector<16xi32>
          %add3A_540 = vector.broadcast %add3A_63 : i32 to vector<16xi32>
          %add3A_541 = arith.addi %select_n3A_539, %add3A_540 : vector<16xi32>
          %swap3A_542 = arith.index_cast %rem3A_337 : i32 to index
          %swap3A_543 = arith.constant 80 : index
          %swap3A_544 = tpu.vector_load %arg10[%swap3A_542, %swap3A_543] {strides = array<i32>} : memref<4x128xi32, #tpu.memory_space<vmem>>, vector<1x16xi32>,
          %swap3A_545 = vector.shape_cast %swap3A_544 : vector<1x16xi32> to vector<16xi32>
          %swap3A_546 = vector.shape_cast %add3A_541 : vector<16xi32> to vector<1x16xi32>
          tpu.vector_store %arg10[%swap3A_542, %swap3A_543], %swap3A_546 {strides = array<i32>} : memref<4x128xi32, #tpu.memory_space<vmem>>, vector<1x16xi32>,
          %get3A_547 = arith.index_cast %rem3A_337 : i32 to index
          %get3A_548 = arith.constant 96 : index
          %get3A_549 = tpu.vector_load %arg9[%get3A_547, %get3A_548] {strides = array<i32>} : memref<4x128xi32, #tpu.memory_space<vmem>>, vector<1x16xi32>,
          %get3A_550 = vector.shape_cast %get3A_549 : vector<1x16xi32> to vector<16xi32>
          %sub3A_551 = vector.broadcast %mul3A_108 : i32 to vector<16xi32>
          %sub3A_552 = arith.subi %get3A_550, %sub3A_551 : vector<16xi32>
          %iota3A_553 = tpu.iota {dimensions = array<i32: 0>} : vector<16xi32>
          %add3A_554 = arith.constant 96 : i32
          %add3A_555 = vector.broadcast %add3A_554 : i32 to vector<16xi32>
          %add3A_556 = arith.addi %iota3A_553, %add3A_555 : vector<16xi32>
          %ge3A_557 = arith.constant 0 : i32
          %ge3A_558 = vector.broadcast %ge3A_557 : i32 to vector<16xi32>
          %ge3A_559 = arith.cmpi sge, %sub3A_552, %ge3A_558 : vector<16xi32>
          %lt3A_560 = arith.constant 400 : i32
          %lt3A_561 = vector.broadcast %lt3A_560 : i32 to vector<16xi32>
          %lt3A_562 = arith.cmpi slt, %sub3A_552, %lt3A_561 : vector<16xi32>
          %and3A_563 = arith.andi %ge3A_559, %lt3A_562 : vector<16xi1>
          %ge3A_564 = vector.broadcast %sub3A_347 : i32 to vector<16xi32>
          %ge3A_565 = arith.cmpi sge, %add3A_556, %ge3A_564 : vector<16xi32>
          %and3A_566 = arith.andi %and3A_563, %ge3A_565 : vector<16xi1>
          %jit3A_567 = arith.constant 400 : i32
          %broadcast_in_dim3A_568 = vector.broadcast %jit3A_567 : i32 to vector<16xi32>
          %select_n3A_569 = arith.select %and3A_566, %sub3A_552, %broadcast_in_dim3A_568 : vector<16xi1>, vector<16xi32>
          %add3A_570 = vector.broadcast %add3A_63 : i32 to vector<16xi32>
          %add3A_571 = arith.addi %select_n3A_569, %add3A_570 : vector<16xi32>
          %swap3A_572 = arith.index_cast %rem3A_337 : i32 to index
          %swap3A_573 = arith.constant 96 : index
          %swap3A_574 = tpu.vector_load %arg10[%swap3A_572, %swap3A_573] {strides = array<i32>} : memref<4x128xi32, #tpu.memory_space<vmem>>, vector<1x16xi32>,
          %swap3A_575 = vector.shape_cast %swap3A_574 : vector<1x16xi32> to vector<16xi32>
          %swap3A_576 = vector.shape_cast %add3A_571 : vector<16xi32> to vector<1x16xi32>
          tpu.vector_store %arg10[%swap3A_572, %swap3A_573], %swap3A_576 {strides = array<i32>} : memref<4x128xi32, #tpu.memory_space<vmem>>, vector<1x16xi32>,
          %get3A_577 = arith.index_cast %rem3A_337 : i32 to index
          %get3A_578 = arith.constant 112 : index
          %get3A_579 = tpu.vector_load %arg9[%get3A_577, %get3A_578] {strides = array<i32>} : memref<4x128xi32, #tpu.memory_space<vmem>>, vector<1x16xi32>,
          %get3A_580 = vector.shape_cast %get3A_579 : vector<1x16xi32> to vector<16xi32>
          %sub3A_581 = vector.broadcast %mul3A_108 : i32 to vector<16xi32>
          %sub3A_582 = arith.subi %get3A_580, %sub3A_581 : vector<16xi32>
          %iota3A_583 = tpu.iota {dimensions = array<i32: 0>} : vector<16xi32>
          %add3A_584 = arith.constant 112 : i32
          %add3A_585 = vector.broadcast %add3A_584 : i32 to vector<16xi32>
          %add3A_586 = arith.addi %iota3A_583, %add3A_585 : vector<16xi32>
          %ge3A_587 = arith.constant 0 : i32
          %ge3A_588 = vector.broadcast %ge3A_587 : i32 to vector<16xi32>
          %ge3A_589 = arith.cmpi sge, %sub3A_582, %ge3A_588 : vector<16xi32>
          %lt3A_590 = arith.constant 400 : i32
          %lt3A_591 = vector.broadcast %lt3A_590 : i32 to vector<16xi32>
          %lt3A_592 = arith.cmpi slt, %sub3A_582, %lt3A_591 : vector<16xi32>
          %and3A_593 = arith.andi %ge3A_589, %lt3A_592 : vector<16xi1>
          %ge3A_594 = vector.broadcast %sub3A_347 : i32 to vector<16xi32>
          %ge3A_595 = arith.cmpi sge, %add3A_586, %ge3A_594 : vector<16xi32>
          %and3A_596 = arith.andi %and3A_593, %ge3A_595 : vector<16xi1>
          %jit3A_597 = arith.constant 400 : i32
          %broadcast_in_dim3A_598 = vector.broadcast %jit3A_597 : i32 to vector<16xi32>
          %select_n3A_599 = arith.select %and3A_596, %sub3A_582, %broadcast_in_dim3A_598 : vector<16xi1>, vector<16xi32>
          %add3A_600 = vector.broadcast %add3A_63 : i32 to vector<16xi32>
          %add3A_601 = arith.addi %select_n3A_599, %add3A_600 : vector<16xi32>
          %swap3A_602 = arith.index_cast %rem3A_337 : i32 to index
          %swap3A_603 = arith.constant 112 : index
          %swap3A_604 = tpu.vector_load %arg10[%swap3A_602, %swap3A_603] {strides = array<i32>} : memref<4x128xi32, #tpu.memory_space<vmem>>, vector<1x16xi32>,
          %swap3A_605 = vector.shape_cast %swap3A_604 : vector<1x16xi32> to vector<16xi32>
          %swap3A_606 = vector.shape_cast %add3A_601 : vector<16xi32> to vector<1x16xi32>
          tpu.vector_store %arg10[%swap3A_602, %swap3A_603], %swap3A_606 {strides = array<i32>} : memref<4x128xi32, #tpu.memory_space<vmem>>, vector<1x16xi32>,
          %dma_wait3A_607 = arith.constant 0 : i32
          %dma_wait3A_608 = arith.constant 0 : i32
          %dma_wait3A_609 = tpu.memref_slice %arg11[%rem3A_339, %dma_wait3A_607, %dma_wait3A_608] : memref<2x128x64xf32, #tpu.memory_space<vmem>> -> memref<1x128x64xf32, #tpu.memory_space<vmem>>
          %dma_wait3A_610 = tpu.memref_squeeze %dma_wait3A_609 : memref<1x128x64xf32, #tpu.memory_space<vmem>> -> memref<128x64xf32, #tpu.memory_space<vmem>>
          %dma_wait3A_611 = arith.constant 0 : i32
          %dma_wait3A_612 = tpu.memref_slice %arg8[%rem3A_337, %dma_wait3A_611] : memref<4x128xi32, #tpu.memory_space<vmem>> -> memref<1x128xi32, #tpu.memory_space<vmem>>
          %dma_wait3A_613 = tpu.memref_squeeze %dma_wait3A_612 : memref<1x128xi32, #tpu.memory_space<vmem>> -> memref<128xi32, #tpu.memory_space<vmem>>
          %dma_wait3A_614 = arith.constant 0 : i32
          %dma_wait3A_615 = arith.constant 0 : i32
          %dma_wait3A_616 = tpu.memref_slice %arg2[%dma_wait3A_614, %dma_wait3A_615] : memref<1000000x64xf32, #tpu.memory_space<hbm>> -> memref<1000000x64xf32, #tpu.memory_space<hbm>>
          %dma_wait3A_617 = tpu.memref_slice %arg21[%rem3A_339] : memref<2x!tpu.dma_semaphore, #tpu.memory_space<semaphore_mem>> -> memref<1x!tpu.dma_semaphore, #tpu.memory_space<semaphore_mem>>
          %dma_wait3A_618 = tpu.memref_squeeze %dma_wait3A_617 : memref<1x!tpu.dma_semaphore, #tpu.memory_space<semaphore_mem>> -> memref<!tpu.dma_semaphore, #tpu.memory_space<semaphore_mem>>
          tpu.wait_indirect_dma semaphore(%dma_wait3A_618 : memref<!tpu.dma_semaphore, #tpu.memory_space<semaphore_mem>>) src(%dma_wait3A_616 : memref<1000000x64xf32, #tpu.memory_space<hbm>>) dst(%dma_wait3A_610 : memref<128x64xf32, #tpu.memory_space<vmem>>)
          %dma_start3A_619 = arith.constant 0 : i32
          %dma_start3A_620 = arith.constant 0 : i32
          %dma_start3A_621 = tpu.memref_slice %arg11[%rem3A_339, %dma_start3A_619, %dma_start3A_620] : memref<2x128x64xf32, #tpu.memory_space<vmem>> -> memref<1x128x64xf32, #tpu.memory_space<vmem>>
          %dma_start3A_622 = tpu.memref_squeeze %dma_start3A_621 : memref<1x128x64xf32, #tpu.memory_space<vmem>> -> memref<128x64xf32, #tpu.memory_space<vmem>>
          %dma_start3A_623 = arith.constant 0 : i32
          %dma_start3A_624 = tpu.memref_slice %arg10[%rem3A_337, %dma_start3A_623] : memref<4x128xi32, #tpu.memory_space<vmem>> -> memref<1x128xi32, #tpu.memory_space<vmem>>
          %dma_start3A_625 = tpu.memref_squeeze %dma_start3A_624 : memref<1x128xi32, #tpu.memory_space<vmem>> -> memref<128xi32, #tpu.memory_space<vmem>>
          %dma_start3A_626 = arith.constant 0 : i32
          %dma_start3A_627 = arith.constant 0 : i32
          %dma_start3A_628 = tpu.memref_slice %arg17[%dma_start3A_626, %dma_start3A_627] : memref<13312x64xf32, #tpu.memory_space<vmem_shared>> -> memref<13312x64xf32, #tpu.memory_space<vmem_shared>>
          %dma_start3A_629 = tpu.memref_slice %arg22[%rem3A_339] : memref<2x!tpu.dma_semaphore, #tpu.memory_space<semaphore_mem>> -> memref<1x!tpu.dma_semaphore, #tpu.memory_space<semaphore_mem>>
          %dma_start3A_630 = tpu.memref_squeeze %dma_start3A_629 : memref<1x!tpu.dma_semaphore, #tpu.memory_space<semaphore_mem>> -> memref<!tpu.dma_semaphore, #tpu.memory_space<semaphore_mem>>
          tpu.enqueue_indirect_dma source(%dma_start3A_622 : memref<128x64xf32, #tpu.memory_space<vmem>>) target(%dma_start3A_628 : memref<13312x64xf32, #tpu.memory_space<vmem_shared>>) offsets(%dma_start3A_625 : memref<128xi32, #tpu.memory_space<vmem>>) semaphore(%dma_start3A_630 : memref<!tpu.dma_semaphore, #tpu.memory_space<semaphore_mem>>) {add = true}
          %dma_start3A_631 = arith.constant 0 : i32
          %dma_start3A_632 = arith.constant 0 : i32
          %dma_start3A_633 = tpu.memref_slice %arg16[%dma_start3A_631, %dma_start3A_632] : memref<128x16xf32, #tpu.memory_space<vmem>> -> memref<128x16xf32, #tpu.memory_space<vmem>>
          %dma_start3A_634 = arith.constant 0 : i32
          %dma_start3A_635 = tpu.memref_slice %arg10[%rem3A_337, %dma_start3A_634] : memref<4x128xi32, #tpu.memory_space<vmem>> -> memref<1x128xi32, #tpu.memory_space<vmem>>
          %dma_start3A_636 = tpu.memref_squeeze %dma_start3A_635 : memref<1x128xi32, #tpu.memory_space<vmem>> -> memref<128xi32, #tpu.memory_space<vmem>>
          %dma_start3A_637 = arith.constant 0 : i32
          %dma_start3A_638 = arith.constant 0 : i32
          %dma_start3A_639 = tpu.memref_slice %arg18[%dma_start3A_637, %dma_start3A_638] : memref<13312x16xf32, #tpu.memory_space<vmem_shared>> -> memref<13312x16xf32, #tpu.memory_space<vmem_shared>>
          %dma_start3A_640 = tpu.memref_slice %arg22[%rem3A_339] : memref<2x!tpu.dma_semaphore, #tpu.memory_space<semaphore_mem>> -> memref<1x!tpu.dma_semaphore, #tpu.memory_space<semaphore_mem>>
          %dma_start3A_641 = tpu.memref_squeeze %dma_start3A_640 : memref<1x!tpu.dma_semaphore, #tpu.memory_space<semaphore_mem>> -> memref<!tpu.dma_semaphore, #tpu.memory_space<semaphore_mem>>
          tpu.enqueue_indirect_dma source(%dma_start3A_633 : memref<128x16xf32, #tpu.memory_space<vmem>>) target(%dma_start3A_639 : memref<13312x16xf32, #tpu.memory_space<vmem_shared>>) offsets(%dma_start3A_636 : memref<128xi32, #tpu.memory_space<vmem>>) semaphore(%dma_start3A_641 : memref<!tpu.dma_semaphore, #tpu.memory_space<semaphore_mem>>) {add = true}
          %while3A_642 = arith.constant 0 : i32
          scf.yield %while3A_642 : i32
        }
        %gt3A_324 = arith.constant 1 : i32
        %gt3A_325 = arith.cmpi sgt, %select_n3A_106, %gt3A_324 : i32
        %convert_element_type3A_326 = arith.extui %gt3A_325 : i1 to i32
        %cond3A_327 = arith.constant 0 : i32
        %cond3A_328 = arith.cmpi ne, %convert_element_type3A_326, %cond3A_327 : i32
        scf.if %cond3A_328 {
          %sub3A_334 = arith.constant 2 : i32
          %sub3A_335 = arith.subi %select_n3A_106, %sub3A_334 : i32
          %rem3A_336 = arith.constant 4 : i32
          %rem3A_337 = arith.remsi %sub3A_335, %rem3A_336 : i32
          %rem3A_338 = arith.constant 2 : i32
          %rem3A_339 = arith.remsi %sub3A_335, %rem3A_338 : i32
          %dma_wait3A_340 = arith.constant 0 : i32
          %dma_wait3A_341 = arith.constant 0 : i32
          %dma_wait3A_342 = tpu.memref_slice %arg11[%rem3A_339, %dma_wait3A_340, %dma_wait3A_341] : memref<2x128x64xf32, #tpu.memory_space<vmem>> -> memref<1x128x64xf32, #tpu.memory_space<vmem>>
          %dma_wait3A_343 = tpu.memref_squeeze %dma_wait3A_342 : memref<1x128x64xf32, #tpu.memory_space<vmem>> -> memref<128x64xf32, #tpu.memory_space<vmem>>
          %dma_wait3A_344 = arith.constant 0 : i32
          %dma_wait3A_345 = tpu.memref_slice %arg10[%rem3A_337, %dma_wait3A_344] : memref<4x128xi32, #tpu.memory_space<vmem>> -> memref<1x128xi32, #tpu.memory_space<vmem>>
          %dma_wait3A_346 = tpu.memref_squeeze %dma_wait3A_345 : memref<1x128xi32, #tpu.memory_space<vmem>> -> memref<128xi32, #tpu.memory_space<vmem>>
          %dma_wait3A_347 = arith.constant 0 : i32
          %dma_wait3A_348 = arith.constant 0 : i32
          %dma_wait3A_349 = tpu.memref_slice %arg17[%dma_wait3A_347, %dma_wait3A_348] : memref<13312x64xf32, #tpu.memory_space<vmem_shared>> -> memref<13312x64xf32, #tpu.memory_space<vmem_shared>>
          %dma_wait3A_350 = tpu.memref_slice %arg22[%rem3A_339] : memref<2x!tpu.dma_semaphore, #tpu.memory_space<semaphore_mem>> -> memref<1x!tpu.dma_semaphore, #tpu.memory_space<semaphore_mem>>
          %dma_wait3A_351 = tpu.memref_squeeze %dma_wait3A_350 : memref<1x!tpu.dma_semaphore, #tpu.memory_space<semaphore_mem>> -> memref<!tpu.dma_semaphore, #tpu.memory_space<semaphore_mem>>
          tpu.wait_indirect_dma semaphore(%dma_wait3A_351 : memref<!tpu.dma_semaphore, #tpu.memory_space<semaphore_mem>>) src(%dma_wait3A_343 : memref<128x64xf32, #tpu.memory_space<vmem>>) dst(%dma_wait3A_349 : memref<13312x64xf32, #tpu.memory_space<vmem_shared>>)
          %dma_wait3A_352 = arith.constant 0 : i32
          %dma_wait3A_353 = arith.constant 0 : i32
          %dma_wait3A_354 = tpu.memref_slice %arg16[%dma_wait3A_352, %dma_wait3A_353] : memref<128x16xf32, #tpu.memory_space<vmem>> -> memref<128x16xf32, #tpu.memory_space<vmem>>
          %dma_wait3A_355 = arith.constant 0 : i32
          %dma_wait3A_356 = tpu.memref_slice %arg10[%rem3A_337, %dma_wait3A_355] : memref<4x128xi32, #tpu.memory_space<vmem>> -> memref<1x128xi32, #tpu.memory_space<vmem>>
          %dma_wait3A_357 = tpu.memref_squeeze %dma_wait3A_356 : memref<1x128xi32, #tpu.memory_space<vmem>> -> memref<128xi32, #tpu.memory_space<vmem>>
          %dma_wait3A_358 = arith.constant 0 : i32
          %dma_wait3A_359 = arith.constant 0 : i32
          %dma_wait3A_360 = tpu.memref_slice %arg18[%dma_wait3A_358, %dma_wait3A_359] : memref<13312x16xf32, #tpu.memory_space<vmem_shared>> -> memref<13312x16xf32, #tpu.memory_space<vmem_shared>>
          %dma_wait3A_361 = tpu.memref_slice %arg22[%rem3A_339] : memref<2x!tpu.dma_semaphore, #tpu.memory_space<semaphore_mem>> -> memref<1x!tpu.dma_semaphore, #tpu.memory_space<semaphore_mem>>
          %dma_wait3A_362 = tpu.memref_squeeze %dma_wait3A_361 : memref<1x!tpu.dma_semaphore, #tpu.memory_space<semaphore_mem>> -> memref<!tpu.dma_semaphore, #tpu.memory_space<semaphore_mem>>
          tpu.wait_indirect_dma semaphore(%dma_wait3A_362 : memref<!tpu.dma_semaphore, #tpu.memory_space<semaphore_mem>>) src(%dma_wait3A_354 : memref<128x16xf32, #tpu.memory_space<vmem>>) dst(%dma_wait3A_360 : memref<13312x16xf32, #tpu.memory_space<vmem_shared>>)
        } else {
        }
        %gt3A_329 = arith.constant 0 : i32
        %gt3A_330 = arith.cmpi sgt, %select_n3A_106, %gt3A_329 : i32
        %convert_element_type3A_331 = arith.extui %gt3A_330 : i1 to i32
        %cond3A_332 = arith.constant 0 : i32
        %cond3A_333 = arith.cmpi ne, %convert_element_type3A_331, %cond3A_332 : i32
        scf.if %cond3A_333 {
          %sub3A_334 = arith.constant 1 : i32
          %sub3A_335 = arith.subi %select_n3A_106, %sub3A_334 : i32
          %rem3A_336 = arith.constant 4 : i32
          %rem3A_337 = arith.remsi %sub3A_335, %rem3A_336 : i32
          %rem3A_338 = arith.constant 2 : i32
          %rem3A_339 = arith.remsi %sub3A_335, %rem3A_338 : i32
          %dma_wait3A_340 = arith.constant 0 : i32
          %dma_wait3A_341 = arith.constant 0 : i32
          %dma_wait3A_342 = tpu.memref_slice %arg11[%rem3A_339, %dma_wait3A_340, %dma_wait3A_341] : memref<2x128x64xf32, #tpu.memory_space<vmem>> -> memref<1x128x64xf32, #tpu.memory_space<vmem>>
          %dma_wait3A_343 = tpu.memref_squeeze %dma_wait3A_342 : memref<1x128x64xf32, #tpu.memory_space<vmem>> -> memref<128x64xf32, #tpu.memory_space<vmem>>
          %dma_wait3A_344 = arith.constant 0 : i32
          %dma_wait3A_345 = tpu.memref_slice %arg10[%rem3A_337, %dma_wait3A_344] : memref<4x128xi32, #tpu.memory_space<vmem>> -> memref<1x128xi32, #tpu.memory_space<vmem>>
          %dma_wait3A_346 = tpu.memref_squeeze %dma_wait3A_345 : memref<1x128xi32, #tpu.memory_space<vmem>> -> memref<128xi32, #tpu.memory_space<vmem>>
          %dma_wait3A_347 = arith.constant 0 : i32
          %dma_wait3A_348 = arith.constant 0 : i32
          %dma_wait3A_349 = tpu.memref_slice %arg17[%dma_wait3A_347, %dma_wait3A_348] : memref<13312x64xf32, #tpu.memory_space<vmem_shared>> -> memref<13312x64xf32, #tpu.memory_space<vmem_shared>>
          %dma_wait3A_350 = tpu.memref_slice %arg22[%rem3A_339] : memref<2x!tpu.dma_semaphore, #tpu.memory_space<semaphore_mem>> -> memref<1x!tpu.dma_semaphore, #tpu.memory_space<semaphore_mem>>
          %dma_wait3A_351 = tpu.memref_squeeze %dma_wait3A_350 : memref<1x!tpu.dma_semaphore, #tpu.memory_space<semaphore_mem>> -> memref<!tpu.dma_semaphore, #tpu.memory_space<semaphore_mem>>
          tpu.wait_indirect_dma semaphore(%dma_wait3A_351 : memref<!tpu.dma_semaphore, #tpu.memory_space<semaphore_mem>>) src(%dma_wait3A_343 : memref<128x64xf32, #tpu.memory_space<vmem>>) dst(%dma_wait3A_349 : memref<13312x64xf32, #tpu.memory_space<vmem_shared>>)
          %dma_wait3A_352 = arith.constant 0 : i32
          %dma_wait3A_353 = arith.constant 0 : i32
          %dma_wait3A_354 = tpu.memref_slice %arg16[%dma_wait3A_352, %dma_wait3A_353] : memref<128x16xf32, #tpu.memory_space<vmem>> -> memref<128x16xf32, #tpu.memory_space<vmem>>
          %dma_wait3A_355 = arith.constant 0 : i32
          %dma_wait3A_356 = tpu.memref_slice %arg10[%rem3A_337, %dma_wait3A_355] : memref<4x128xi32, #tpu.memory_space<vmem>> -> memref<1x128xi32, #tpu.memory_space<vmem>>
          %dma_wait3A_357 = tpu.memref_squeeze %dma_wait3A_356 : memref<1x128xi32, #tpu.memory_space<vmem>> -> memref<128xi32, #tpu.memory_space<vmem>>
          %dma_wait3A_358 = arith.constant 0 : i32
          %dma_wait3A_359 = arith.constant 0 : i32
          %dma_wait3A_360 = tpu.memref_slice %arg18[%dma_wait3A_358, %dma_wait3A_359] : memref<13312x16xf32, #tpu.memory_space<vmem_shared>> -> memref<13312x16xf32, #tpu.memory_space<vmem_shared>>
          %dma_wait3A_361 = tpu.memref_slice %arg22[%rem3A_339] : memref<2x!tpu.dma_semaphore, #tpu.memory_space<semaphore_mem>> -> memref<1x!tpu.dma_semaphore, #tpu.memory_space<semaphore_mem>>
          %dma_wait3A_362 = tpu.memref_squeeze %dma_wait3A_361 : memref<1x!tpu.dma_semaphore, #tpu.memory_space<semaphore_mem>> -> memref<!tpu.dma_semaphore, #tpu.memory_space<semaphore_mem>>
          tpu.wait_indirect_dma semaphore(%dma_wait3A_362 : memref<!tpu.dma_semaphore, #tpu.memory_space<semaphore_mem>>) src(%dma_wait3A_354 : memref<128x16xf32, #tpu.memory_space<vmem>>) dst(%dma_wait3A_360 : memref<13312x16xf32, #tpu.memory_space<vmem_shared>>)
        } else {
        }
      } else {
      }
      %scan3A_73 = arith.constant 0 : i32
      scf.yield %scan3A_73 : i32
    }
    %scan3A_18 = arith.constant 20 : i32
    %sub3A = arith.constant 624 : i32
    %sub3A_19 = arith.subi %sub3A, %add3A : i32
    %jit3A = arith.constant 32 : i32
    %div3A = arith.divsi %sub3A_19, %jit3A : i32
    %sign3A = arith.constant 0 : i32
    %sign3A_20 = arith.cmpi sgt, %sub3A_19, %sign3A : i32
    %sign3A_21 = arith.extui %sign3A_20 : i1 to i32
    %sign3A_22 = arith.constant 0 : i32
    %sign3A_23 = arith.cmpi slt, %sub3A_19, %sign3A_22 : i32
    %sign3A_24 = arith.extui %sign3A_23 : i1 to i32
    %sign3A_25 = arith.subi %sign3A_21, %sign3A_24 : i32
    %sign3A_26 = arith.constant 0 : i32
    %sign3A_27 = arith.cmpi sgt, %jit3A, %sign3A_26 : i32
    %sign3A_28 = arith.extui %sign3A_27 : i1 to i32
    %sign3A_29 = arith.constant 0 : i32
    %sign3A_30 = arith.cmpi slt, %jit3A, %sign3A_29 : i32
    %sign3A_31 = arith.extui %sign3A_30 : i1 to i32
    %sign3A_32 = arith.subi %sign3A_28, %sign3A_31 : i32
    %ne3A = arith.cmpi ne, %sign3A_25, %sign3A_32 : i32
    %rem3A = arith.remsi %sub3A_19, %jit3A : i32
    %ne3A_33 = arith.constant 0 : i32
    %ne3A_34 = arith.cmpi ne, %rem3A, %ne3A_33 : i32
    %and3A = arith.andi %ne3A, %ne3A_34 : i1
    %sub3A_35 = arith.constant 1 : i32
    %sub3A_36 = arith.subi %div3A, %sub3A_35 : i32
    %select_n3A = arith.select %and3A, %sub3A_36, %div3A : i32
    %mul3A_37 = arith.constant 32 : i32
    %mul3A_38 = arith.muli %select_n3A, %mul3A_37 : i32
    %add3A_39 = arith.addi %add3A, %mul3A_38 : i32
    %rem3A_40 = arith.constant 2 : i32
    %rem3A_41 = arith.remsi %select_n3A, %rem3A_40 : i32
    %mul3A_42 = arith.constant 416 : i32
    %mul3A_43 = arith.muli %rem3A_41, %mul3A_42 : i32
    %add3A_44 = arith.addi %mul3A_2, %mul3A_43 : i32
    "tpu.region"() ({
      %run_scoped3A = tpu.sem_alloc : memref<!tpu.dma_semaphore, #tpu.memory_space<semaphore_mem>>
      %dma_start3A = arith.constant 0 : i32
      %dma_start3A_54 = tpu.memref_slice %arg17[%add3A_44, %dma_start3A] : memref<13312x64xf32, #tpu.memory_space<vmem_shared>> -> memref<400x64xf32, #tpu.memory_space<vmem_shared>>
      %dma_start3A_55 = arith.constant 0 : i32
      %dma_start3A_56 = tpu.memref_slice %arg17[%add3A_44, %dma_start3A_55] : memref<13312x64xf32, #tpu.memory_space<vmem_shared>> -> memref<400x64xf32, #tpu.memory_space<vmem_shared>>
      tpu.enqueue_dma source(%dma_start3A_56 : memref<400x64xf32, #tpu.memory_space<vmem_shared>>) target(%arg12 : memref<400x64xf32, #tpu.memory_space<vmem>>) target_semaphore(%run_scoped3A : memref<!tpu.dma_semaphore, #tpu.memory_space<semaphore_mem>>)
      %dma_wait3A = arith.constant 0 : i32
      %dma_wait3A_57 = tpu.memref_slice %arg17[%add3A_44, %dma_wait3A] : memref<13312x64xf32, #tpu.memory_space<vmem_shared>> -> memref<400x64xf32, #tpu.memory_space<vmem_shared>>
      %dma_wait3A_58 = arith.constant 0 : i32
      %dma_wait3A_59 = tpu.memref_slice %arg17[%add3A_44, %dma_wait3A_58] : memref<13312x64xf32, #tpu.memory_space<vmem_shared>> -> memref<400x64xf32, #tpu.memory_space<vmem_shared>>
      tpu.wait_dma2 semaphore(%run_scoped3A : memref<!tpu.dma_semaphore, #tpu.memory_space<semaphore_mem>>) src(%dma_wait3A_59 : memref<400x64xf32, #tpu.memory_space<vmem_shared>>) dst(%arg12 : memref<400x64xf32, #tpu.memory_space<vmem>>)
      tpu.yield
    }) : () -> ()
    "tpu.region"() ({
      %run_scoped3A = tpu.sem_alloc : memref<!tpu.dma_semaphore, #tpu.memory_space<semaphore_mem>>
      %dma_start3A = arith.constant 0 : i32
      %dma_start3A_54 = tpu.memref_slice %arg18[%add3A_44, %dma_start3A] : memref<13312x16xf32, #tpu.memory_space<vmem_shared>> -> memref<400x16xf32, #tpu.memory_space<vmem_shared>>
      %dma_start3A_55 = arith.constant 0 : i32
      %dma_start3A_56 = tpu.memref_slice %arg18[%add3A_44, %dma_start3A_55] : memref<13312x16xf32, #tpu.memory_space<vmem_shared>> -> memref<400x16xf32, #tpu.memory_space<vmem_shared>>
      tpu.enqueue_dma source(%dma_start3A_56 : memref<400x16xf32, #tpu.memory_space<vmem_shared>>) target(%arg13 : memref<400x16xf32, #tpu.memory_space<vmem>>) target_semaphore(%run_scoped3A : memref<!tpu.dma_semaphore, #tpu.memory_space<semaphore_mem>>)
      %dma_wait3A = arith.constant 0 : i32
      %dma_wait3A_57 = tpu.memref_slice %arg18[%add3A_44, %dma_wait3A] : memref<13312x16xf32, #tpu.memory_space<vmem_shared>> -> memref<400x16xf32, #tpu.memory_space<vmem_shared>>
      %dma_wait3A_58 = arith.constant 0 : i32
      %dma_wait3A_59 = tpu.memref_slice %arg18[%add3A_44, %dma_wait3A_58] : memref<13312x16xf32, #tpu.memory_space<vmem_shared>> -> memref<400x16xf32, #tpu.memory_space<vmem_shared>>
      tpu.wait_dma2 semaphore(%run_scoped3A : memref<!tpu.dma_semaphore, #tpu.memory_space<semaphore_mem>>) src(%dma_wait3A_59 : memref<400x16xf32, #tpu.memory_space<vmem_shared>>) dst(%arg13 : memref<400x16xf32, #tpu.memory_space<vmem>>)
      tpu.yield
    }) : () -> ()
    %scan3A_45 = arith.constant 0 : i32
    %scan3A_46 = arith.constant 0 : i32
    %scan3A_47 = arith.constant 400 : i32
    %scan3A_48 = arith.addi %scan3A_46, %scan3A_47 : i32
    %scan3A_49 = arith.constant 1 : i32
    %scan3A_50 = scf.for %scan3A_54 = %scan3A_46 to %scan3A_48 step %scan3A_49 iter_args(%scan3A_55 = %scan3A_45) -> (i32)  : i32 {
      %get3A = arith.index_cast %scan3A_54 : i32 to index
      %get3A_56 = arith.constant 0 : index
      %get3A_57 = tpu.vector_load %arg13[%get3A, %get3A_56] {strides = array<i32>} : memref<400x16xf32, #tpu.memory_space<vmem>>, vector<1x16xf32>,
      %get3A_58 = vector.shape_cast %get3A_57 : vector<1x16xf32> to vector<16xf32>
      %max3A = arith.constant 1.000000e+00 : f32
      %max3A_59 = vector.broadcast %max3A : f32 to vector<16xf32>
      %max3A_60 = arith.maximumf %get3A_58, %max3A_59 : vector<16xf32>
      %div3A_61 = arith.constant 1.000000e+00 : f32
      %div3A_62 = vector.broadcast %div3A_61 : f32 to vector<16xf32>
      %div3A_63 = arith.divf %div3A_62, %max3A_60 : vector<16xf32>
      %get3A_64 = arith.index_cast %scan3A_54 : i32 to index
      %get3A_65 = arith.constant 0 : index
      %get3A_66 = tpu.vector_load %arg12[%get3A_64, %get3A_65] {strides = array<i32>} : memref<400x64xf32, #tpu.memory_space<vmem>>, vector<1x16xf32>,
      %get3A_67 = vector.shape_cast %get3A_66 : vector<1x16xf32> to vector<16xf32>
      %mul3A_68 = arith.mulf %get3A_67, %div3A_63 : vector<16xf32>
      %swap3A = arith.index_cast %scan3A_54 : i32 to index
      %swap3A_69 = arith.constant 0 : index
      %swap3A_70 = tpu.vector_load %arg12[%swap3A, %swap3A_69] {strides = array<i32>} : memref<400x64xf32, #tpu.memory_space<vmem>>, vector<1x16xf32>,
      %swap3A_71 = vector.shape_cast %swap3A_70 : vector<1x16xf32> to vector<16xf32>
      %swap3A_72 = vector.shape_cast %mul3A_68 : vector<16xf32> to vector<1x16xf32>
      tpu.vector_store %arg12[%swap3A, %swap3A_69], %swap3A_72 {strides = array<i32>} : memref<400x64xf32, #tpu.memory_space<vmem>>, vector<1x16xf32>,
      %get3A_73 = arith.index_cast %scan3A_54 : i32 to index
      %get3A_74 = arith.constant 16 : index
      %get3A_75 = tpu.vector_load %arg12[%get3A_73, %get3A_74] {strides = array<i32>} : memref<400x64xf32, #tpu.memory_space<vmem>>, vector<1x16xf32>,
      %get3A_76 = vector.shape_cast %get3A_75 : vector<1x16xf32> to vector<16xf32>
      %mul3A_77 = arith.mulf %get3A_76, %div3A_63 : vector<16xf32>
      %swap3A_78 = arith.index_cast %scan3A_54 : i32 to index
      %swap3A_79 = arith.constant 16 : index
      %swap3A_80 = tpu.vector_load %arg12[%swap3A_78, %swap3A_79] {strides = array<i32>} : memref<400x64xf32, #tpu.memory_space<vmem>>, vector<1x16xf32>,
      %swap3A_81 = vector.shape_cast %swap3A_80 : vector<1x16xf32> to vector<16xf32>
      %swap3A_82 = vector.shape_cast %mul3A_77 : vector<16xf32> to vector<1x16xf32>
      tpu.vector_store %arg12[%swap3A_78, %swap3A_79], %swap3A_82 {strides = array<i32>} : memref<400x64xf32, #tpu.memory_space<vmem>>, vector<1x16xf32>,
      %get3A_83 = arith.index_cast %scan3A_54 : i32 to index
      %get3A_84 = arith.constant 32 : index
      %get3A_85 = tpu.vector_load %arg12[%get3A_83, %get3A_84] {strides = array<i32>} : memref<400x64xf32, #tpu.memory_space<vmem>>, vector<1x16xf32>,
      %get3A_86 = vector.shape_cast %get3A_85 : vector<1x16xf32> to vector<16xf32>
      %mul3A_87 = arith.mulf %get3A_86, %div3A_63 : vector<16xf32>
      %swap3A_88 = arith.index_cast %scan3A_54 : i32 to index
      %swap3A_89 = arith.constant 32 : index
      %swap3A_90 = tpu.vector_load %arg12[%swap3A_88, %swap3A_89] {strides = array<i32>} : memref<400x64xf32, #tpu.memory_space<vmem>>, vector<1x16xf32>,
      %swap3A_91 = vector.shape_cast %swap3A_90 : vector<1x16xf32> to vector<16xf32>
      %swap3A_92 = vector.shape_cast %mul3A_87 : vector<16xf32> to vector<1x16xf32>
      tpu.vector_store %arg12[%swap3A_88, %swap3A_89], %swap3A_92 {strides = array<i32>} : memref<400x64xf32, #tpu.memory_space<vmem>>, vector<1x16xf32>,
      %get3A_93 = arith.index_cast %scan3A_54 : i32 to index
      %get3A_94 = arith.constant 48 : index
      %get3A_95 = tpu.vector_load %arg12[%get3A_93, %get3A_94] {strides = array<i32>} : memref<400x64xf32, #tpu.memory_space<vmem>>, vector<1x16xf32>,
      %get3A_96 = vector.shape_cast %get3A_95 : vector<1x16xf32> to vector<16xf32>
      %mul3A_97 = arith.mulf %get3A_96, %div3A_63 : vector<16xf32>
      %swap3A_98 = arith.index_cast %scan3A_54 : i32 to index
      %swap3A_99 = arith.constant 48 : index
      %swap3A_100 = tpu.vector_load %arg12[%swap3A_98, %swap3A_99] {strides = array<i32>} : memref<400x64xf32, #tpu.memory_space<vmem>>, vector<1x16xf32>,
      %swap3A_101 = vector.shape_cast %swap3A_100 : vector<1x16xf32> to vector<16xf32>
      %swap3A_102 = vector.shape_cast %mul3A_97 : vector<16xf32> to vector<1x16xf32>
      tpu.vector_store %arg12[%swap3A_98, %swap3A_99], %swap3A_102 {strides = array<i32>} : memref<400x64xf32, #tpu.memory_space<vmem>>, vector<1x16xf32>,
      %scan3A_103 = arith.constant 0 : i32
      scf.yield %scan3A_103 : i32
    }
    %scan3A_51 = arith.constant 400 : i32
    %mul3A_52 = arith.constant 400 : i32
    %mul3A_53 = arith.muli %add3A_39, %mul3A_52 : i32
    "tpu.region"() ({
      %run_scoped3A = tpu.sem_alloc : memref<!tpu.dma_semaphore, #tpu.memory_space<semaphore_mem>>
      %dma_start3A = arith.constant 0 : i32
      %dma_start3A_54 = arith.constant 0 : i32
      %dma_start3A_55 = tpu.memref_slice %arg12[%dma_start3A, %dma_start3A_54] : memref<400x64xf32, #tpu.memory_space<vmem>> -> memref<400x64xf32, #tpu.memory_space<vmem>>
      %dma_start3A_56 = arith.constant 0 : i32
      %dma_start3A_57 = tpu.memref_slice %arg6[%mul3A_53, %dma_start3A_56] : memref<250000x64xf32, #tpu.memory_space<hbm>> -> memref<400x64xf32, #tpu.memory_space<hbm>>
      %dma_start3A_58 = arith.constant 0 : i32
      %dma_start3A_59 = tpu.memref_slice %arg6[%mul3A_53, %dma_start3A_58] : memref<250000x64xf32, #tpu.memory_space<hbm>> -> memref<400x64xf32, #tpu.memory_space<hbm>>
      %dma_start3A_60 = arith.constant 0 : i32
      %dma_start3A_61 = arith.constant 0 : i32
      %dma_start3A_62 = tpu.memref_slice %arg12[%dma_start3A_60, %dma_start3A_61] : memref<400x64xf32, #tpu.memory_space<vmem>> -> memref<400x64xf32, #tpu.memory_space<vmem>>
      tpu.enqueue_dma source(%dma_start3A_62 : memref<400x64xf32, #tpu.memory_space<vmem>>) target(%dma_start3A_59 : memref<400x64xf32, #tpu.memory_space<hbm>>) target_semaphore(%run_scoped3A : memref<!tpu.dma_semaphore, #tpu.memory_space<semaphore_mem>>)
      %dma_wait3A = arith.constant 0 : i32
      %dma_wait3A_63 = arith.constant 0 : i32
      %dma_wait3A_64 = tpu.memref_slice %arg12[%dma_wait3A, %dma_wait3A_63] : memref<400x64xf32, #tpu.memory_space<vmem>> -> memref<400x64xf32, #tpu.memory_space<vmem>>
      %dma_wait3A_65 = arith.constant 0 : i32
      %dma_wait3A_66 = tpu.memref_slice %arg6[%mul3A_53, %dma_wait3A_65] : memref<250000x64xf32, #tpu.memory_space<hbm>> -> memref<400x64xf32, #tpu.memory_space<hbm>>
      %dma_wait3A_67 = arith.constant 0 : i32
      %dma_wait3A_68 = tpu.memref_slice %arg6[%mul3A_53, %dma_wait3A_67] : memref<250000x64xf32, #tpu.memory_space<hbm>> -> memref<400x64xf32, #tpu.memory_space<hbm>>
      %dma_wait3A_69 = arith.constant 0 : i32
      %dma_wait3A_70 = arith.constant 0 : i32
      %dma_wait3A_71 = tpu.memref_slice %arg12[%dma_wait3A_69, %dma_wait3A_70] : memref<400x64xf32, #tpu.memory_space<vmem>> -> memref<400x64xf32, #tpu.memory_space<vmem>>
      tpu.wait_dma2 semaphore(%run_scoped3A : memref<!tpu.dma_semaphore, #tpu.memory_space<semaphore_mem>>) src(%dma_wait3A_71 : memref<400x64xf32, #tpu.memory_space<vmem>>) dst(%dma_wait3A_68 : memref<400x64xf32, #tpu.memory_space<hbm>>)
      tpu.yield
    }) : () -> ()
    return
  }
}

</mosaic_0001>

<sc_bundles>
// kernel: kernel.3.cloned.1.call-start
scs
__scs_entry_jumppad:
0x0: {  	(pc) =	sbr.rel $0x88, $3  }
0x1: {  	(tag) =	ssettag $0x0;
	lr =	simm.s32 $0x1  }
0x2: {  	[smem:$0x3F9E] =	sst lr;
	_ =	strace $0xD0000000  }
0x3: {  	_ = 	snop  }
0x4: {  	_ = 	snop  }
0x5: {  	_ = 	snop  }
0x6: {  	_ = 	snop  }
0x7: {  	_ = 	snop  }
__scs_overlays_trampoline_lowered:
0x8: {  	[smem:$0x3FAD] =	sst s0  }
0x9: {  	[smem:$0x3FAE] =	sst s1  }
0xa: {  	[smem:$0x3FAF] =	sst s2  }
0xb: {  	[smem:$0x3FB0] =	sst s3  }
0xc: {  	[smem:$0x3FB1] =	sst s4  }
0xd: {  	[smem:$0x3FB2] =	sst s5  }
0xe: {  	[smem:$0x3FB3] =	sst s6  }
0xf: {  	[smem:$0x3FB4] =	sst s7  }
0x10: {  	[smem:$0x3FB5] =	sst s8  }
0x11: {  	[smem:$0x3FB6] =	sst s9;
	s0 =	simm.s32 @!p0 $0x0  }
0x12: {  	s1 =	sld [smem:$0x3F9C];
	s0 =	simm.s32 @p0 $0x1  }
0x13: {  	[smem:$0x3FB7] =	sst s0;
	s0 =	simm.s32 @!p1 $0x0  }
0x14: {  	s2 =	sld [smem:$0x3F9B];
	s0 =	simm.s32 @p1 $0x1  }
0x15: {  	[smem:$0x3FB8] =	sst s0;
	s0 =	simm.s32 @!p2 $0x0  }
0x16: {  	s3 =	sld [smem:$0x3FDB];
	s0 =	simm.s32 @p2 $0x1  }
0x17: {  	s4 =	simm.s32 $0x1BF5;
	[smem:$0x3FBA] =	sst s0  }
0x18: {  	s0 =	sld [smem:$0x3F9D];
	_ =	swait.ge [sflag:s4], $0x0  }
0x19: {  	s7 =	sld [smem:$0x3F9E]  }
0x1a: {  	s8 =	sadd.s32 $0xFFFFE003, lr  }
0x1b: {  	s9 =	sadd.s32 $0xFFFFFEF7, lr;
	s5 =	simm.s32 $0xFFFFFFFF;
	p2 =	slt.u32 s8, $0xFFFFF086  }
0x1c: {  	p1 =	slt.u32 s9, $0xF7A;
	s5 =	simm.s32 @!p2 $0x0  }
0x1d: {  	s5 =	simm.s32 @p1 $0x1;
	p0 =	seq.s32 s7, s2  }
0x1e: {  	s7 =	smul.u32 @!p0 $0xF7A, s2;
	p2 =	seq.s32 @!p0 s5, $0x0  }
0x1f: {  	s9 =	smul.u32 $0xF7A, s1;
	s8 =	simm.s32 @!p0 $0x1BF5;
	p2 =	por !p2, p0  }
0x20: {  	[sflag:s8] =	ssyncset.s32 @!p0 $0xFFFFF086;
	s6 =	sadd.s32 @!p0 s3, s7;
	s7 =	simm.s32 @!p0 $0x108  }
0x21: {  	s3 =	sadd.s32 s3, s9;
	s6 =	sadd.s32 @!p0 $0x88, s6;
	s7 =	simm.s32 @p2 $0x1082  }
0x22: {  	[simem:s7], [sflag:s8] =	dma.local @!p0 [hbm:s6], $0xF7A  }
0x23: {  	s9 =	sor.u32 $0xD0000000, s2;
	s6 =	simm.s32 $0x108;
	_ =	swait.ge @!p0 [sflag:s8], $0x0  }
0x24: {  	s3 =	sadd.s32 $0x88, s3;
	s6 =	simm.s32 @!p1 $0x1082;
	[sflag:s4] =	ssyncset.s32 $0xFFFFF086  }
0x25: {  	[simem:s6], [sflag:s4] =	dma.local [hbm:s3], $0xF7A  }
0x26: {  	[smem:$0x3F9E] =	sst s1;
	(tag) =	ssettag s2;
	_ =	strace s9  }
0x27: {  	s1 =	sld [smem:$0x3FAE]  }
0x28: {  	s2 =	sld [smem:$0x3FAF]  }
0x29: {  	s4 =	sld [smem:$0x3FB1]  }
0x2a: {  	p0 =	seq.s32 s5, $0x0;
	s5 =	sld [smem:$0x3FB2]  }
0x2b: {  	s6 =	sld [smem:$0x3FB3]  }
0x2c: {  	s7 =	sld [smem:$0x3FB4]  }
0x2d: {  	s3 =	simm.s32 $0x108;
	s8 =	sld [smem:$0x3FB5]  }
0x2e: {  	s3 =	simm.s32 @!p0 $0x1082;
	s9 =	sld [smem:$0x3FB6]  }
0x2f: {  	lr =	sadd.s32 s0, s3;
	s0 =	sld [smem:$0x3FAD]  }
0x30: {  	s3 =	sld [smem:$0x3FB0]  }
0x31: {  	[smem:$0x3FB9] =	sst s10  }
0x32: {  	s10 =	sld [smem:$0x3FB7];
	_ =	sdelay $0x3  }
0x33: {  	p0 =	seq.s32 s10, $0x1;
	s10 =	sld [smem:$0x3FB9];
	_ =	sdelay $0x3  }
0x34: {  	[smem:$0x3FB9] =	sst s10  }
0x35: {  	s10 =	sld [smem:$0x3FB8];
	_ =	sdelay $0x3  }
0x36: {  	p1 =	seq.s32 s10, $0x1;
	s10 =	sld [smem:$0x3FB9];
	_ =	sdelay $0x3  }
0x37: {  	[smem:$0x3FB9] =	sst s10  }
0x38: {  	s10 =	sld [smem:$0x3FBA]  }
0x39: {  	_ = 	snop;
	(pc) =	sbr.ind lr, $3  }
0x3a: {  	_ = 	snop  }
0x3b: {  	_ = 	snop  }
0x3c: {  	p2 =	seq.s32 s10, $0x1;
	s10 =	sld [smem:$0x3FB9]  }
0x3d: {  	_ =	shalt  }
0x3e: {  	_ =	shalt  }
0x3f: {  	_ =	shalt  }
0x40: {  	_ =	shalt  }
0x41: {  	_ =	shalt  }
0x42: {  	_ =	shalt  }
0x43: {  	_ =	shalt  }
0x44: {  	_ =	shalt  }
0x45: {  	_ =	shalt  }
0x46: {  	_ =	shalt  }
0x47: {  	_ =	shalt  }
0x48: {  	_ =	shalt  }
0x49: {  	_ =	shalt  }
0x4a: {  	_ =	shalt  }
0x4b: {  	_ =	shalt  }
0x4c: {  	_ =	shalt  }
0x4d: {  	_ =	shalt  }
0x4e: {  	_ =	shalt  }
0x4f: {  	_ =	shalt  }
0x50: {  	_ =	shalt  }
0x51: {  	_ =	shalt  }
0x52: {  	_ =	shalt  }
0x53: {  	_ =	shalt  }
0x54: {  	_ =	shalt  }
0x55: {  	_ =	shalt  }
0x56: {  	_ =	shalt  }
0x57: {  	_ =	shalt  }
0x58: {  	_ =	shalt  }
0x59: {  	_ =	shalt  }
0x5a: {  	_ =	shalt  }
0x5b: {  	_ =	shalt  }
0x5c: {  	_ =	shalt  }
0x5d: {  	_ =	shalt  }
0x5e: {  	_ =	shalt  }
0x5f: {  	_ =	shalt  }
0x60: {  	_ =	shalt  }
0x61: {  	_ =	shalt  }
0x62: {  	_ =	shalt  }
0x63: {  	_ =	shalt  }
0x64: {  	_ =	shalt  }
0x65: {  	_ =	shalt  }
0x66: {  	_ =	shalt  }
0x67: {  	_ =	shalt  }
0x68: {  	_ =	shalt  }
0x69: {  	_ =	shalt  }
0x6a: {  	_ =	shalt  }
0x6b: {  	_ =	shalt  }
0x6c: {  	_ =	shalt  }
0x6d: {  	_ =	shalt  }
0x6e: {  	_ =	shalt  }
0x6f: {  	_ =	shalt  }
0x70: {  	_ =	shalt  }
0x71: {  	_ =	shalt  }
0x72: {  	_ =	shalt  }
0x73: {  	_ =	shalt  }
0x74: {  	_ =	shalt  }
0x75: {  	_ =	shalt  }
0x76: {  	_ =	shalt  }
0x77: {  	_ =	shalt  }
0x78: {  	_ =	shalt  }
0x79: {  	_ =	shalt  }
0x7a: {  	_ =	shalt  }
0x7b: {  	_ =	shalt  }
0x7c: {  	_ =	shalt  }
0x7d: {  	_ =	shalt  }
0x7e: {  	_ =	shalt  }
0x7f: {  	_ =	shalt  }
0x80: {  	_ =	shalt  }
0x81: {  	_ =	shalt  }
0x82: {  	_ =	shalt  }
0x83: {  	_ =	shalt  }
0x84: {  	_ =	shalt  }
0x85: {  	_ =	shalt  }
0x86: {  	_ =	shalt  }
0x87: {  	_ =	shalt  }
.Lfunc_end0:
.L_simem_size_0:
called_computation.1_lowered:
.L_overlay_start_0:
0x88: {  	s2 =	sld [smem:$0x3FD9]  }
0x89: {  	s3 =	sld [smem:$0x3FFE];
	_ =	sdelay $0x1  }
0x8a: {  	s1 =	srdreg.scid  }
0x8b: {  	s0 =	sand.u32 $0x1, s1  }
0x8c: {  	s17 =	sshll.u32 s0, $0xA;
	s2 =	sadd.s32 s3, s2  }
0x8d: {  	s2 =	sadd.s32 s2, s17  }
0x8e: {  	[smem:$0x3FC5] =	sst s2  }
0x8f: {  	_ = 	snop  }
0x90: {  	s2 =	sld [smem:$0x3FC8]  }
0x91: {  	s18 =	sld [smem:$0x3FC7]  }
0x92: {  	s4 =	sld [smem:$0x3FD0];
	(tm) =	ssettm $0x1  }
0x93: {  	s5 =	sld [smem:$0x3FFB];
	_ =	sdelay $0x3  }
0x94: {  	_ =	strace s5  }
0x95: {  	s5 =	sld [smem:$0x3FFC];
	_ =	sdelay $0x3  }
0x96: {  	_ =	strace s5  }
0x97: {  	s5 =	sld [smem:$0x3FFD];
	_ =	sdelay $0x3  }
0x98: {  	_ =	strace s5  }
0x99: {  	_ =	strace $0x8FFFFFFF  }
0x9a: {  	s19 =	sld [smem:$0x3FDB];
	_ =	sdelay $0x1  }
0x9b: {  	s6 =	simm.s32 $_scs_section_size  }
0x9c: {  	s7 =	simm.s32 $_size__tile_overlayer_lowered;
	s8 =	simm.s32 $_tile_overlayer_lowered  }
0x9d: {  	s22 =	simm.s32 $0x1BFF;
	s21 =	sshll.u32 s8, $0x1;
	s5 =	sadd.s32 s6, s19  }
0x9e: {  	s9 =	simm.s32 $0x0;
	s20 =	sshll.u32 s7, $0x1;
	s7 =	sadd.s32 s21, s5  }
0x9f: {  	[timem:s9], [sflag:s22] =	dma.local [hbm:s7], s20  }
0xa0: {  	_ =	swait.ge [sflag:s22], s20  }
0xa1: {  	s6 =	ssub.s32 $0x0, s20;
	[sflag:s22] =	ssyncset.done $0x0  }
0xa2: {  	[sflag:s22] =	ssyncadd.s32 s6;
	_ =	sdelay $0x1  }
0xa3: {  	s23 =	simm.s32 $0x1B8B  }
0xa4: {  	_ =	swait.ge [sflag:s23], $0x1  }
0xa5: {  	[sflag:s23] =	ssyncset.done $0x0  }
0xa6: {  	s25 =	simm.s32 $0x1B8E;
	s24 =	sld [smem:$0x3FFE];
	[sflag:s23] =	ssyncadd.s32 $0xFFFFFFFF  }
0xa7: {  	s26 =	simm.s32 $execute0_lowered;
	[smem:$0x3FD2] =	sst s25  }
0xa8: {  	s7 =	sshll.u32 s26, $0x1;
	_ =	strace $0x80000046;
	[dreg:$0x1] =	wrdreg $0xFFFFFFFF  }
0xa9: {  	s28 =	simm.s32 $_size_execute0_lowered;
	s5 =	sadd.s32 s5, s7;
	[dreg:$0x0] =	wrdreg $0x0  }
0xaa: {  	s7 =	sshll.u32 s28, $0x1;
	[dreg:$0x2] =	wrdreg s5  }
0xab: {  	[dreg:$0x3] =	wrdreg s7  }
0xac: {  	[dreg:$0x4] =	wrdreg $0xC0  }
0xad: {  	_ =	task [dreg:s9], $0x5FFFF  }
0xae: {  	[dreg:$0x1] =	wrdreg $0xFFFFFFFF  }
0xaf: {  	[dreg:$0x0] =	wrdreg $0x60  }
0xb0: {  	[dreg:$0x2] =	wrdreg s24  }
0xb1: {  	[dreg:$0x3] =	wrdreg s2  }
0xb2: {  	[dreg:$0x4] =	wrdreg s18  }
0xb3: {  	[dreg:$0x5] =	wrdreg s4  }
0xb4: {  	[dreg:$0x6] =	wrdreg $0xF5880  }
0xb5: {  	[dreg:$0x7] =	wrdreg $0x1C5880  }
0xb6: {  	[dreg:$0x8] =	wrdreg $0x9  }
0xb7: {  	_ =	task.clear_ibuf [dreg:s9], $0x9FFFF;
	_ =	strace $0x90000046  }
0xb8: {  	s29 =	simm.s32 $0x9;
	_ =	strace $0x80000048  }
0xb9: {  	_ =	swait.ge [sflag:s29], $0x1  }
0xba: {  	[sflag:s29] =	ssyncadd.s32 $0xFFFFFFFF  }
0xbb: {  	_ =	strace $0x90000048  }
0xbc: {  	_ =	sfence  }
0xbd: {  	s30 =	sld [smem:$0x0];
	_ =	sdelay $0x2  }
0xbe: {  	s31 =	sshll.u32 s1, $0xD;
	s1 =	sshrl.u32 s1, $0x2  }
0xbf: {  	s3 =	sand.u32 $0x4000, s31;
	s1 =	sadd.s32 s1, s30  }
0xc0: {  	s0 =	sor.u32 s3, s0;
	s1 =	sshll.u32 s1, $0x11  }
0xc1: {  	s0 =	sor.u32 s1, s0  }
0xc2: {  	s0 =	sadd.s32 $0x8F2B, s0  }
0xc3: {  	[sflag:s0] =	ssyncadd.remote.s32 $0x1  }
0xc4: {  	_ =	sfence.sel $0xFFFF  }
0xc5: {  	[dreg:$0x0] =	wrdreg $0xFFFFFFFF;
	(pc) =	sbr.abs _section_cstart, $3  }
0xc6: {  	[dreg:$0x1] =	wrdreg $0xFFFFFFFF  }
0xc7: {  	_ =	task.clear_ibuf [dreg:s9], $0x2FFFF;
	_ =	strace $0x9FFFFFFF  }
0xc8: {  	(tm) =	ssettm $0x7FFFFFFF  }
0xc9: {  	_ =	shalt  }
tec
execute0_lowered:
.L_overlay_start_1:
0x0: {  	(tag) =	ssettag $0x1  }
0x1: {  	s0 =	rddreg [dreg:$0x0]  }
0x2: {  	s1 =	rddreg [dreg:$0x1]  }
0x3: {  	s2 =	rddreg [dreg:$0x2]  }
0x4: {  	s3 =	rddreg [dreg:$0x3]  }
0x5: {  	s5 =	rddreg [dreg:$0x4]  }
0x6: {  	s6 =	rddreg [dreg:$0x5]  }
0x7: {  	s8 =	srdreg.scid;
	s4 =	stileid.u32;
	s7 =	simm.s32 $0x0  }
0x8: {  	s18 =	simm.s32 $0xE588;
	s31 =	simm.s32 $0xED88;
	s19 =	simm.s32 $0xD  }
0x9: {  	s20 =	simm.s32 $0x80;
	s21 =	simm.s32 $0x4888;
	s22 =	simm.s32 $0xAC88  }
0xa: {  	s23 =	simm.s32 $0x0;
	s12 =	sand.u32 $0x1, s8;
	s25 =	sshll.u32 s4, $0x1  }
0xb: {  	[smem:$0x7FF] =	sst s7;
	s9 =	sadd.s32 $0xF43800, s0;
	s8 =	sor.u32 s12, s25  }
0xc: {  	s0 =	sadd.s32 $0x1200, s0;
	s11 =	smul.u32 $0x340, s4;
	s13 =	ssub.s32 $0x270, s8  }
0xd: {  	_ =	strace $0x80000047;
	s14 =	sshll.u32 s13, $0x1A;
	s13 =	sand.u32 $0x260, s13  }
0xe: {  	[dreg:$0x9] =	wrdreg s0;
	s26 =	sshra.s32 s14, $0x1F;
	s13 =	sor.u32 s8, s13  }
0xf: {  	s12 =	ssub.s32 $0x2, s12;
	s0 =	sand.u32 $0x1A0, s26;
	s16 =	smul.u32 $0xC80, s13  }
0x10: {  	[dreg:$0x7] =	wrdreg s31;
	s28 =	sshrl.u32 s12, $0x1;
	s0 =	sadd.s32 s11, s0  }
0x11: {  	v0 =	vimm.f32 $0.0e+00;
	v9 =	vlaneseq.u32;
	s17 =	ssub.s32 s12, s28;
	s15 =	sshll.u32 s0, $0x6;
	s30 =	sadd.s32 s3, s16  }
0x12: {  	v1 =	vimm.f32 $1.000000000e+00;
	v2 =	vadd.s32 $0x1, v9;
	v3 =	vadd.s32 $0x11, v9;
	s0 =	sshll.u32 s0, $0x4;
	s29 =	sadd.s32 s15, s5;
	[dreg:$0xc] =	wrdreg s30  }
0x13: {  	v4 =	vadd.s32 $0x21, v9;
	v5 =	vadd.s32 $0x31, v9;
	v6 =	vadd.s32 $0x41, v9;
	s16 =	simm.s32 $0xE;
	s0 =	sadd.s32 s0, s6;
	[dreg:$0xa] =	wrdreg s29  }
0x14: {  	v7 =	vadd.s32 $0x51, v9;
	v8 =	vadd.s32 $0x61, v9;
	v9 =	vadd.s32 $0x71, v9;
	s15 =	smax.u32 s17, $0x1;
	s17 =	simm.s32 $0xC588;
	[dreg:$0xb] =	wrdreg s0  }
.LBB2_1:
0x15: {  	s0 =	rddreg [dreg:$0x9]  }
0x16: {  	[tilespmem:s7], [sflag:$0xE] =	stream.linear.gather [hbm4b:s0+s7], $0x288, $0x38;
	[tilespmem:$0x1F988] =	vst v63  }
0x17: {  	_ =	swait.ge [sflag:s16], $0x288  }
0x18: {  	[sflag:s16] =	ssyncset.done $0x0  }
0x19: {  	s24 =	simm.s32 $0xC5A8;
	[sflag:s16] =	ssyncadd.s32 $0xFFFFFD78  }
0x1a: {  	[tilespmem:s24+$0xFFFFFFE0] =	vst v0  }
0x1b: {  	[tilespmem:s24+$0x10] =	vst v0  }
0x1c: {  	[tilespmem:s24+$0x0] =	vst v0  }
0x1d: {  	s25 =	simm.s32 $0x40;
	s26 =	simm.s32 $0x0;
	[tilespmem:s24+$0xFFFFFFF0] =	vst v0  }
.LBB2_2:
0x1e: {  	p0 =	sne.s32 s25, $0x1FC0  }
0x1f: {  	[tilespmem:s26+$0xE588] =	vst v0;
	s24 =	sadd.s32 $0x40, s24;
	s0 =	smov.u32 s25;
	s25 =	sadd.s32 $0x40, s25  }
.Ltmp0:
0x20: {  	[tilespmem:s26+$0xED88] =	vst v1;
	(pc) =	sbr.rel @p0 .LBB2_2-.Ltmp0, $4  }
0x21: {  	[tilespmem:s24+$0xFFFFFFE0] =	vst v0  }
0x22: {  	[tilespmem:s24+$0x10] =	vst v0  }
0x23: {  	[tilespmem:s24+$0x0] =	vst v0  }
0x24: {  	s26 =	sshra.s32 s0, $0x2;
	[tilespmem:s24+$0xFFFFFFF0] =	vst v0  }
.Ltmp1:
0x25: {  	(pc) =	sbr.rel .LBB2_4-.Ltmp1, $3  }
0x26: {  	_ =	sdelay $0x1  }
0x27: {  	[tilespmem:s26+$0xE588] =	vst v0  }
0x28: {  	[tilespmem:s26+$0xED88] =	vst v1;
	s24 =	simm.s32 $0x0  }
.LBB2_13:
0x29: {  	p0 =	sne.s32 s24, $0x14  }
.Ltmp2:
0x2a: {  	_ = 	snop;
	(pc) =	sbr.rel @!p0 .LBB2_14-.Ltmp2, $1  }
0x2b: {  	_ =	sdelay $0x3  }
.LBB2_4:
0x2c: {  	s0 =	sshll.u32 s24, $0x5  }
0x2d: {  	s28 =	sor.u32 s8, s0  }
0x2e: {  	p0 =	sgt.u32 s28, $0x270  }
.Ltmp3:
0x2f: {  	_ = 	snop;
	(pc) =	sbr.rel @p0 .LBB2_13-.Ltmp3, $2  }
0x30: {  	_ =	sdelay $0x2  }
0x31: {  	s30 =	smov.u32 s24;
	s24 =	sadd.s32 $0x1, s24  }
0x32: {  	v10 =	vld [tilespmem:s28+$0x0];
	_ =	sdelay $0x4  }
0x33: {  	(v2sf) =	vpush v10, $0x0  }
0x34: {  	(v2sf) =	vpush v10, $0x1;
	_ =	sdelay $0xd  }
0x35: {  	s0 =	spop (v2sf)  }
0x36: {  	s26 =	spop (v2sf);
	s25 =	sand.u32 $0xFFFFFFF8, s0  }
0x37: {  	s0 =	ssub.s32 s26, s25  }
0x38: {  	s0 =	sadd.s32 $0x7F, s0  }
0x39: {  	s4 =	sand.u32 $0x7F, s0  }
0x3a: {  	s29 =	sshra.s32 s0, $0x1F;
	p0 =	slt.s32 s0, $0x1;
	p1 =	sne.s32 s4, $0x0  }
0x3b: {  	s10 =	sshrl.u32 s29, $0x19;
	p0 =	por !p0, !p1  }
0x3c: {  	s26 =	simm.s32 $0x1;
	s0 =	sadd.s32 s10, s0;
	p0 =	por !p0, !p0  }
0x3d: {  	s0 =	sshra.s32 s0, $0x7;
	s26 =	simm.s32 @!p0 $0x0  }
0x3e: {  	s26 =	ssub.s32 s0, s26  }
0x3f: {  	p0 =	slt.s32 s26, $0x1  }
0x40: {  	p1 =	slt.s32 @!p0 s25, $0xF41C0  }
0x41: {  	s0 =	smov.u32 s25;
	p1 =	por !p1, p0  }
0x42: {  	s0 =	simm.s32 @p1 $0xF41C0  }
0x43: {  	s31 =	simm.s32 @!p0 $0x0;
	s0 =	sshrl.u32 @!p0 s0, $0x3  }
0x44: {  	s4 =	simm.s32 @!p0 $0x288;
	p2 =	seq.s32 @!p0 s26, $0x1;
	s29 =	sadd.s32 @!p0 s1, s0  }
0x45: {  	[tilespmem:s4], [sflag:$0x1] =	stream.linear.gather @!p0 [hbm4b:s29+s31], $0x80, $0x38;
	[tilespmem:$0x1F988] =	vst v63  }
0x46: {  	p1 =	por p2, p0;
	s0 =	sadd.s32 @!p0 s2, s0;
	s29 =	simm.s32 @!p0 $0x488  }
0x47: {  	[tilespmem:s29], [sflag:$0x5] =	stream.linear.gather @!p0 [hbm4b:s0+s31], $0x80, $0x38;
	[tilespmem:$0x1F988] =	vst v63  }
0x48: {  	s0 =	sadd.s32 @!p1 $0x80, s25  }
0x49: {  	p3 =	slt.s32 @!p1 s0, $0xF41C0  }
0x4a: {  	p2 =	por @!p0 !p3, p2  }
0x4b: {  	p2 =	por !p2, p0  }
0x4c: {  	s10 =	simm.s32 @!p1 $0x0;
	s29 =	sand.u32 $0x1, s30;
	s0 =	simm.s32 @!p2 $0xF41C0  }
0x4d: {  	p3 =	seq.s32 s29, $0x1;
	s29 =	simm.s32 $0x1A0;
	s0 =	sshrl.u32 @!p1 s0, $0x3  }
0x4e: {  	s12 =	simm.s32 @!p1 $0x308;
	s29 =	simm.s32 @!p3 $0x0;
	s31 =	sadd.s32 @!p1 s1, s0  }
0x4f: {  	[tilespmem:s12], [sflag:$0x2] =	stream.linear.gather @!p1 [hbm4b:s31+s10], $0x80, $0x38;
	[tilespmem:$0x1F988] =	vst v63  }
0x50: {  	s29 =	sadd.s32 s11, s29;
	s0 =	sadd.s32 @!p1 s2, s0;
	s12 =	simm.s32 @!p1 $0x508  }
0x51: {  	[tilespmem:s12], [sflag:$0x6] =	stream.linear.gather @!p1 [hbm4b:s0+s10], $0x80, $0x38;
	[tilespmem:$0x1F988] =	vst v63  }
0x52: {  	s12 =	sshll.u32 s29, $0x6  }
0x53: {  	s13 =	sshll.u32 s29, $0x4;
	s14 =	sadd.s32 $0x80, s29;
	s0 =	sadd.s32 s12, s5  }
0x54: {  	[spmem:s0] =	stream.linear.scatter [tilespmem:s17], [sflag:$0xD], $0x2000, $0x38;
	[tilespmem:$0x1F988] =	vst v63  }
0x55: {  	s31 =	sshll.u32 s14, $0x6;
	s0 =	sadd.s32 s13, s6  }
0x56: {  	[spmem:s0] =	stream.linear.scatter [tilespmem:s18], [sflag:$0xD], $0x800, $0x38;
	[tilespmem:$0x1F988] =	vst v63  }
0x57: {  	s10 =	sadd.s32 s31, s5;
	s12 =	sadd.s32 $0x100, s29;
	s0 =	sshll.u32 s14, $0x4  }
0x58: {  	[spmem:s10] =	stream.linear.scatter [tilespmem:s17], [sflag:$0xD], $0x2000, $0x38;
	[tilespmem:$0x1F988] =	vst v63  }
0x59: {  	s13 =	sshll.u32 s12, $0x6;
	s0 =	sadd.s32 s0, s6  }
0x5a: {  	[spmem:s0] =	stream.linear.scatter [tilespmem:s18], [sflag:$0xD], $0x800, $0x38;
	[tilespmem:$0x1F988] =	vst v63  }
0x5b: {  	s14 =	sadd.s32 $0x180, s29;
	s10 =	sadd.s32 s13, s5;
	s0 =	sshll.u32 s12, $0x4  }
0x5c: {  	[spmem:s10] =	stream.linear.scatter [tilespmem:s17], [sflag:$0xD], $0x2000, $0x38;
	[tilespmem:$0x1F988] =	vst v63  }
0x5d: {  	s31 =	sshll.u32 s14, $0x6;
	s0 =	sadd.s32 s0, s6  }
0x5e: {  	[spmem:s0] =	stream.linear.scatter [tilespmem:s18], [sflag:$0xD], $0x800, $0x38;
	[tilespmem:$0x1F988] =	vst v63  }
0x5f: {  	s10 =	sadd.s32 s31, s5;
	s0 =	sshll.u32 s14, $0x4  }
0x60: {  	[spmem:s10] =	stream.linear.scatter [tilespmem:s17], [sflag:$0xD], $0x440, $0x38;
	[tilespmem:$0x1F988] =	vst v63  }
0x61: {  	p1 =	seq.s32 s30, $0x0;
	s0 =	sadd.s32 s0, s6  }
0x62: {  	[spmem:s0] =	stream.linear.scatter [tilespmem:s18], [sflag:$0xD], $0x110, $0x38;
	[tilespmem:$0x1F988] =	vst v63  }
.Ltmp4:
0x63: {  	s0 =	simm.s32 @!p0 $0x1;
	(pc) =	sbr.rel @p1 .LBB2_9-.Ltmp4, $4  }
0x64: {  	_ =	swait.ge @!p0 [sflag:s0], $0x80  }
0x65: {  	[sflag:s0] =	ssyncset.done @!p0 $0x0  }
0x66: {  	s10 =	simm.s32 @!p0 $0x888;
	[sflag:s0] =	ssyncadd.s32 @!p0 $0xFFFFFF80;
	s0 =	simm.s32 @!p0 $0x80  }
0x67: {  	[tilespmem:s10], [sflag:$0x9] =	stream.indirect.gather @!p0 [hbm4b:s9+s0], $0x40, s4, s0, $0xb8;
	[tilespmem:$0x1F988] =	vst v63  }
0x68: {  	s0 =	sand.u32 $0x1, s24  }
0x69: {  	p1 =	seq.s32 s0, $0x1;
	s0 =	simm.s32 $0x1A0  }
0x6a: {  	s0 =	simm.s32 @!p1 $0x0  }
0x6b: {  	s0 =	sadd.s32 s11, s0  }
0x6c: {  	s4 =	sshll.u32 s0, $0x6  }
0x6d: {  	s4 =	sadd.s32 s4, s5  }
0x6e: {  	[tilespmem:s21], [sflag:$0xE] =	stream.linear.gather [spmem:s4], $0x6400, $0x38;
	[tilespmem:$0x1F988] =	vst v63  }
0x6f: {  	_ =	swait.ge [sflag:s16], $0x6400  }
0x70: {  	s0 =	sshll.u32 s0, $0x4;
	[sflag:s16] =	ssyncset.done $0x0  }
0x71: {  	s0 =	sadd.s32 s0, s6;
	[sflag:s16] =	ssyncadd.s32 $0xFFFF9C00  }
0x72: {  	[tilespmem:s22], [sflag:$0xE] =	stream.linear.gather [spmem:s0], $0x1900, $0x38;
	[tilespmem:$0x1F988] =	vst v63  }
0x73: {  	_ =	swait.ge [sflag:s16], $0x1900  }
0x74: {  	[sflag:s16] =	ssyncset.done $0x0  }
0x75: {  	s14 =	simm.s32 $0x0;
	[sflag:s16] =	ssyncadd.s32 $0xFFFFE700  }
0x76: {  	v10 =	vld [tilespmem:s14+$0xAC88];
	_ =	sdelay $0x4  }
0x77: {  	v10 =	vmax.f32 v10, $1.000000000e+00  }
0x78: {  	(erf) = vrcp.f32 v10;
	_ =	sdelay $0x3  }
0x79: {  	s30 =	simm.s32 $0x48A8  }
0x7a: {  	v10 =	vld [tilespmem:s30+$0xFFFFFFE0]  }
0x7b: {  	v11 =	vld [tilespmem:s30+$0xFFFFFFF0]  }
0x7c: {  	v12 =	vld [tilespmem:s30+$0x0]  }
0x7d: {  	v13 =	vld [tilespmem:s30+$0x10]  }
0x7e: {  	v14 =	vpop (erf)  }
0x7f: {  	v10 =	vmul.f32 v14, v10  }
0x80: {  	v11 =	vmul.f32 v11, v14  }
0x81: {  	v12 =	vmul.f32 v12, v14;
	[tilespmem:s30+$0xFFFFFFE0] =	vst v10  }
0x82: {  	v10 =	vmul.f32 v13, v14;
	[tilespmem:s30+$0xFFFFFFF0] =	vst v11  }
0x83: {  	[tilespmem:s30+$0x0] =	vst v12  }
0x84: {  	s31 =	simm.s32 $0x80;
	s0 =	simm.s32 $0x10;
	[tilespmem:s30+$0x10] =	vst v10  }
.LBB2_7:
0x85: {  	p1 =	sne.s32 s31, $0x63C0;
	v10 =	vld [tilespmem:s0+$0xAC88];
	_ =	sdelay $0x4  }
0x86: {  	v10 =	vmax.f32 v10, $1.000000000e+00  }
0x87: {  	(erf) = vrcp.f32 v10;
	_ =	sdelay $0x1  }
0x88: {  	s30 =	sadd.s32 $0x40, s30  }
0x89: {  	v10 =	vld [tilespmem:s30+$0xFFFFFFF0]  }
0x8a: {  	v11 =	vld [tilespmem:s30+$0x10]  }
0x8b: {  	v12 =	vld [tilespmem:s30+$0xFFFFFFE0]  }
0x8c: {  	v13 =	vld [tilespmem:s30+$0x0];
	_ =	sdelay $0x2  }
0x8d: {  	v14 =	vpop (erf)  }
0x8e: {  	v12 =	vmul.f32 v14, v12;
	v10 =	vmul.f32 v10, v14  }
.Ltmp5:
0x8f: {  	v11 =	vmul.f32 v11, v14;
	v13 =	vmul.f32 v13, v14;
	(pc) =	sbr.rel @p1 .LBB2_7-.Ltmp5, $4  }
0x90: {  	[tilespmem:s30+$0xFFFFFFE0] =	vst v12  }
0x91: {  	[tilespmem:s30+$0xFFFFFFF0] =	vst v10  }
0x92: {  	[tilespmem:s30+$0x0] =	vst v13  }
0x93: {  	s0 =	sshra.s32 s31, $0x2;
	s31 =	sadd.s32 $0x40, s31;
	[tilespmem:s30+$0x10] =	vst v11  }
0x94: {  	v10 =	vld [tilespmem:s0+$0xAC88];
	_ =	sdelay $0x4  }
0x95: {  	v10 =	vmax.f32 v10, $1.000000000e+00  }
0x96: {  	(erf) = vrcp.f32 v10;
	_ =	sdelay $0x3  }
0x97: {  	s30 =	sadd.s32 $0x40, s30  }
0x98: {  	v10 =	vld [tilespmem:s30+$0xFFFFFFE0]  }
0x99: {  	v11 =	vld [tilespmem:s30+$0xFFFFFFF0]  }
0x9a: {  	v12 =	vld [tilespmem:s30+$0x0]  }
0x9b: {  	v13 =	vld [tilespmem:s30+$0x10]  }
0x9c: {  	v14 =	vpop (erf)  }
0x9d: {  	v10 =	vmul.f32 v14, v10  }
0x9e: {  	s4 =	smul.u32 $0x6400, s28;
	v11 =	vmul.f32 v11, v14  }
0x9f: {  	v12 =	vmul.f32 v12, v14;
	[tilespmem:s30+$0xFFFFFFE0] =	vst v10  }
0xa0: {  	s4 =	sadd.s32 $0xFFF38000, s4;
	v10 =	vmul.f32 v13, v14;
	[tilespmem:s30+$0xFFFFFFF0] =	vst v11  }
0xa1: {  	s4 =	sshrl.u32 s4, $0x3;
	[tilespmem:s30+$0x0] =	vst v12  }
0xa2: {  	s31 =	sadd.s32 s3, s4;
	[tilespmem:s30+$0x10] =	vst v10  }
0xa3: {  	[hbm4b:s31+s7] =	stream.linear.scatter [tilespmem:s21], [sflag:$0xE], $0x6400, $0x38;
	[tilespmem:$0x1F988] =	vst v63  }
0xa4: {  	_ =	swait.ge [sflag:s16], $0x6400  }
0xa5: {  	[sflag:s16] =	ssyncset.done $0x0  }
0xa6: {  	[sflag:s16] =	ssyncadd.s32 $0xFFFF9C00  }
.LBB2_9:
0xa7: {  	_ =	swait.ge [sflag:s19], $0x2000  }
0xa8: {  	[sflag:s19] =	ssyncset.done $0x0  }
0xa9: {  	[sflag:s19] =	ssyncadd.s32 $0xFFFFE000  }
0xaa: {  	_ =	swait.ge [sflag:s19], $0x800  }
0xab: {  	[sflag:s19] =	ssyncset.done $0x0  }
0xac: {  	[sflag:s19] =	ssyncadd.s32 $0xFFFFF800  }
0xad: {  	_ =	swait.ge [sflag:s19], $0x2000  }
0xae: {  	[sflag:s19] =	ssyncset.done $0x0  }
0xaf: {  	[sflag:s19] =	ssyncadd.s32 $0xFFFFE000  }
0xb0: {  	_ =	swait.ge [sflag:s19], $0x800  }
0xb1: {  	[sflag:s19] =	ssyncset.done $0x0  }
0xb2: {  	[sflag:s19] =	ssyncadd.s32 $0xFFFFF800  }
0xb3: {  	_ =	swait.ge [sflag:s19], $0x2000  }
0xb4: {  	[sflag:s19] =	ssyncset.done $0x0  }
0xb5: {  	[sflag:s19] =	ssyncadd.s32 $0xFFFFE000  }
0xb6: {  	_ =	swait.ge [sflag:s19], $0x800  }
0xb7: {  	[sflag:s19] =	ssyncset.done $0x0  }
0xb8: {  	[sflag:s19] =	ssyncadd.s32 $0xFFFFF800  }
0xb9: {  	_ =	swait.ge [sflag:s19], $0x440  }
.Ltmp6:
0xba: {  	[sflag:s19] =	ssyncset.done $0x0;
	(pc) =	sbr.rel @p0 .LBB2_13-.Ltmp6, $4  }
0xbb: {  	[sflag:s19] =	ssyncadd.s32 $0xFFFFFBC0  }
0xbc: {  	_ =	swait.ge [sflag:s19], $0x110  }
0xbd: {  	[sflag:s19] =	ssyncset.done $0x0  }
0xbe: {  	[sflag:s19] =	ssyncadd.s32 $0xFFFFFEF0  }
0xbf: {  	s0 =	smul.u32 $0x190, s28  }
0xc0: {  	s4 =	ssub.s32 $0x0, s26  }
0xc1: {  	v11 =	vmov s29;
	s28 =	sadd.s32 $0x100, s25;
	s29 =	simm.s32 $0xFFFFFFFF;
	[dreg:$0x8] =	wrdreg s4;
	v10 =	vmov s0  }
.LBB2_11:
0xc2: {  	s0 =	sadd.s32 $0x2, s29  }
0xc3: {  	p0 =	sge.s32 s0, s26  }
0xc4: {  	p1 =	seq.s32 @!p0 s29, $0xFFFFFFFF  }
0xc5: {  	p1 =	por p1, p0  }
0xc6: {  	s4 =	sshrl.u32 @!p1 s29, $0x1F  }
0xc7: {  	s4 =	sadd.s32 @!p1 s4, s29  }
0xc8: {  	s4 =	sand.u32 @!p1 $0xFFFFFFFE, s4  }
0xc9: {  	s4 =	ssub.s32 @!p1 s29, s4  }
0xca: {  	s4 =	sadd.s32 @!p1 $0xB, s4  }
0xcb: {  	_ =	swait.ge @!p1 [sflag:s4], $0x2000  }
0xcc: {  	[sflag:s4] =	ssyncset.done @!p1 $0x0  }
0xcd: {  	[sflag:s4] =	ssyncadd.s32 @!p1 $0xFFFFE000  }
0xce: {  	_ =	swait.ge @!p1 [sflag:s4], $0x800  }
0xcf: {  	s10 =	sand.u32 @!p0 $0x3, s0;
	[sflag:s4] =	ssyncset.done @!p1 $0x0  }
0xd0: {  	[sflag:s4] =	ssyncadd.s32 @!p1 $0xFFFFF800;
	s4 =	sadd.s32 @!p0 $0x1, s10  }
0xd1: {  	_ =	swait.ge @!p0 [sflag:s4], $0x80  }
0xd2: {  	s0 =	sand.u32 @!p0 $0x1, s0;
	s12 =	simm.s32 @!p0 $0x80;
	[sflag:s4] =	ssyncset.done @!p0 $0x0  }
0xd3: {  	s10 =	sshll.u32 @!p0 s10, $0x7;
	[sflag:s4] =	ssyncadd.s32 @!p0 $0xFFFFFF80;
	s4 =	sshll.u32 @!p0 s0, $0xD  }
0xd4: {  	s10 =	sadd.s32 @!p0 $0x288, s10;
	s0 =	sadd.s32 @!p0 $0x9, s0;
	s4 =	sor.u32 @!p0 $0x888, s4  }
0xd5: {  	[tilespmem:s4], [sflag:s0] =	stream.indirect.gather @!p0 [hbm4b:s9+s12], $0x40, s10, s12, $0xb8;
	[tilespmem:$0x1F988] =	vst v63  }
0xd6: {  	s0 =	sadd.s32 $0x3, s29  }
0xd7: {  	p0 =	sge.s32 s0, s26  }
0xd8: {  	s29 =	sadd.s32 $0x1, s29;
	p1 =	slt.s32 @!p0 s28, $0xF41C0  }
0xd9: {  	s4 =	smov.u32 s28;
	s12 =	sand.u32 $0x3, s29;
	p1 =	por !p1, p0  }
0xda: {  	s0 =	sand.u32 @!p0 $0x3, s0;
	s14 =	simm.s32 @!p0 $0x0;
	s4 =	simm.s32 @p1 $0xF41C0  }
0xdb: {  	s10 =	sshll.u32 @!p0 s0, $0x7;
	s31 =	sadd.s32 @!p0 $0x1, s0;
	s4 =	sshrl.u32 @!p0 s4, $0x3  }
0xdc: {  	s0 =	sadd.s32 @!p0 $0x5, s0;
	s30 =	sadd.s32 @!p0 $0x288, s10;
	s13 =	sadd.s32 @!p0 s1, s4  }
0xdd: {  	[tilespmem:s30], [sflag:s31] =	stream.linear.gather @!p0 [hbm4b:s13+s14], $0x80, $0x38;
	[tilespmem:$0x1F988] =	vst v63  }
0xde: {  	s10 =	sadd.s32 @!p0 $0x488, s10;
	s4 =	sadd.s32 @!p0 s2, s4;
	s31 =	sadd.s32 $0x5, s12  }
0xdf: {  	[tilespmem:s10], [sflag:s0] =	stream.linear.gather @!p0 [hbm4b:s4+s14], $0x80, $0x38;
	[tilespmem:$0x1F988] =	vst v63  }
0xe0: {  	_ =	swait.ge [sflag:s31], $0x80  }
0xe1: {  	[sflag:s31] =	ssyncset.done $0x0  }
0xe2: {  	s4 =	sshll.u32 s12, $0x7;
	[sflag:s31] =	ssyncadd.s32 $0xFFFFFF80  }
0xe3: {  	v12 =	vld [tilespmem:s4+$0x488]  }
0xe4: {  	v13 =	vld [tilespmem:s4+$0x498]  }
0xe5: {  	p0 =	slt.s32 s25, $0xF41C0;
	s0 =	smov.u32 s25;
	v14 =	vld [tilespmem:s4+$0x4A8]  }
0xe6: {  	s0 =	simm.s32 @!p0 $0xF41C0;
	v16 =	vld [tilespmem:s4+$0x4B8]  }
0xe7: {  	s0 =	ssub.s32 s25, s0;
	v17 =	vld [tilespmem:s4+$0x4C8]  }
0xe8: {  	v15 =	vmov s0;
	v18 =	vld [tilespmem:s4+$0x4D8]  }
0xe9: {  	vm0 =	vlt.s32 v15, v2;
	v19 =	vld [tilespmem:s4+$0x4E8]  }
0xea: {  	vm10 =	vlt.s32 v15, v3;
	vm1 =	vlt.s32 v15, v4;
	vm11 =	vlt.s32 v15, v5;
	v20 =	vld [tilespmem:s4+$0x4F8]  }
0xeb: {  	vm12 =	vlt.s32 v15, v6;
	vm13 =	vlt.s32 v15, v7;
	vm14 =	vlt.s32 v15, v8  }
0xec: {  	vm15 =	vlt.s32 v15, v9;
	v12 =	vsub.s32 v12, v10;
	v13 =	vsub.s32 v13, v10  }
0xed: {  	v14 =	vsub.s32 v14, v10;
	v16 =	vsub.s32 v16, v10;
	v17 =	vsub.s32 v17, v10  }
0xee: {  	v53 =	vsub.s32 v18, v10;
	v55 =	vsub.s32 v19, v10;
	v12 =	vmin.u32 v12, $0x190  }
0xef: {  	v59 =	vsub.s32 v20, v10;
	v13 =	vmin.u32 v13, $0x190;
	v12 =	vnsel vm0, $0x190, v12  }
0xf0: {  	v14 =	vmin.u32 v14, $0x190;
	v13 =	vnsel vm10, $0x190, v13;
	v12 =	vadd.s32 v11, v12  }
0xf1: {  	v16 =	vmin.u32 v16, $0x190;
	v14 =	vnsel vm1, $0x190, v14;
	v13 =	vadd.s32 v11, v13;
	[tilespmem:s4+$0x688] =	vst v12  }
0xf2: {  	v17 =	vmin.u32 v17, $0x190;
	v16 =	vnsel vm11, $0x190, v16;
	v51 =	vadd.s32 v11, v14;
	[tilespmem:s4+$0x698] =	vst v13  }
0xf3: {  	v60 =	vmin.u32 v59, $0x190;
	v17 =	vnsel vm12, $0x190, v17;
	v52 =	vadd.s32 v11, v16;
	[tilespmem:s4+$0x6A8] =	vst v51  }
0xf4: {  	v54 =	vmin.u32 v53, $0x190;
	v62 =	vnsel vm15, $0x190, v60;
	v58 =	vadd.s32 v11, v17;
	[tilespmem:s4+$0x6B8] =	vst v52  }
0xf5: {  	v57 =	vmin.u32 v55, $0x190;
	v56 =	vnsel vm13, $0x190, v54;
	v63 =	vadd.s32 v11, v62;
	[tilespmem:s4+$0x6C8] =	vst v58  }
0xf6: {  	v13 =	vnsel vm14, $0x190, v57;
	v12 =	vadd.s32 v11, v56;
	[tilespmem:s4+$0x6F8] =	vst v63  }
0xf7: {  	s10 =	sand.u32 $0x1, s29;
	[tilespmem:s4+$0x6D8] =	vst v12;
	v61 =	vadd.s32 v11, v13  }
0xf8: {  	s14 =	sadd.s32 $0x9, s10;
	[tilespmem:s4+$0x6E8] =	vst v61  }
0xf9: {  	s13 =	sshll.u32 s10, $0xD;
	_ =	swait.ge [sflag:s14], $0x2000  }
0xfa: {  	s12 =	sor.u32 $0x888, s13;
	s31 =	sadd.s32 $0x688, s4;
	[sflag:s14] =	ssyncset.done $0x0  }
0xfb: {  	s0 =	sadd.s32 $0xB, s10;
	s30 =	rddreg [dreg:$0x8];
	[sflag:s14] =	ssyncadd.s32 $0xFFFFE000  }
0xfc: {  	[spmem:s5] =	stream.indirect.scatter.add.f32 [tilespmem:s12], [sflag:s0], $0x40, s31, s20, $0xb8;
	[tilespmem:$0x1F988] =	vst v63  }
0xfd: {  	s14 =	rddreg [dreg:$0x7]  }
0xfe: {  	[spmem:s6] =	stream.indirect.scatter.add.f32 [tilespmem:s14], [sflag:s0], $0x10, s31, s20, $0xb8;
	[tilespmem:$0x1F988] =	vst v63  }
0xff: {  	s31 =	sadd.s32 s29, s30  }
0x100: {  	p0 =	sne.s32 s31, $0xFFFFFFFF  }
.Ltmp7:
0x101: {  	_ = 	snop;
	(pc) =	sbr.rel @p0 .LBB2_11-.Ltmp7, $2  }
0x102: {  	_ =	sdelay $0x2  }
0x103: {  	s28 =	sadd.s32 $0x80, s28;
	s25 =	sadd.s32 $0x80, s25  }
0x104: {  	p0 =	seq.s32 s26, $0x1  }
0x105: {  	s0 =	sand.u32 @!p0 $0x1, s26  }
0x106: {  	s4 =	sadd.s32 @!p0 $0xB, s0  }
0x107: {  	_ =	swait.ge @!p0 [sflag:s4], $0x2000  }
0x108: {  	[sflag:s4] =	ssyncset.done @!p0 $0x0  }
0x109: {  	[sflag:s4] =	ssyncadd.s32 @!p0 $0xFFFFE000  }
0x10a: {  	s0 =	sxor.u32 @!p0 $0x1, s0;
	_ =	swait.ge @!p0 [sflag:s4], $0x800  }
0x10b: {  	s0 =	simm.s32 @p0 $0x0;
	[sflag:s4] =	ssyncset.done @!p0 $0x0  }
0x10c: {  	s0 =	sadd.s32 $0xB, s0;
	[sflag:s4] =	ssyncadd.s32 @!p0 $0xFFFFF800  }
0x10d: {  	_ =	swait.ge [sflag:s0], $0x2000  }
.Ltmp8:
0x10e: {  	[sflag:s0] =	ssyncset.done $0x0;
	(pc) =	sbr.rel .LBB2_13-.Ltmp8, $4  }
0x10f: {  	[sflag:s0] =	ssyncadd.s32 $0xFFFFE000  }
0x110: {  	_ =	swait.ge [sflag:s0], $0x800  }
0x111: {  	[sflag:s0] =	ssyncset.done $0x0  }
0x112: {  	[sflag:s0] =	ssyncadd.s32 $0xFFFFF800  }
.LBB2_14:
0x113: {  	s0 =	rddreg [dreg:$0xa]  }
0x114: {  	[tilespmem:s21], [sflag:$0xE] =	stream.linear.gather [spmem:s0], $0x6400, $0x38;
	[tilespmem:$0x1F988] =	vst v63  }
0x115: {  	_ =	swait.ge [sflag:s16], $0x6400  }
0x116: {  	[sflag:s16] =	ssyncset.done $0x0  }
0x117: {  	s30 =	rddreg [dreg:$0xb];
	[sflag:s16] =	ssyncadd.s32 $0xFFFF9C00  }
0x118: {  	[tilespmem:s22], [sflag:$0xE] =	stream.linear.gather [spmem:s30], $0x1900, $0x38;
	[tilespmem:$0x1F988] =	vst v63  }
0x119: {  	_ =	swait.ge [sflag:s16], $0x1900  }
0x11a: {  	[sflag:s16] =	ssyncset.done $0x0  }
0x11b: {  	s31 =	simm.s32 $0x0;
	[sflag:s16] =	ssyncadd.s32 $0xFFFFE700  }
0x11c: {  	v10 =	vld [tilespmem:s31+$0xAC88];
	_ =	sdelay $0x4  }
0x11d: {  	v10 =	vmax.f32 v10, $1.000000000e+00  }
0x11e: {  	(erf) = vrcp.f32 v10;
	_ =	sdelay $0x3  }
0x11f: {  	s24 =	simm.s32 $0x48A8  }
0x120: {  	v10 =	vld [tilespmem:s24+$0xFFFFFFE0]  }
0x121: {  	v11 =	vld [tilespmem:s24+$0xFFFFFFF0]  }
0x122: {  	v12 =	vld [tilespmem:s24+$0x0]  }
0x123: {  	v13 =	vld [tilespmem:s24+$0x10]  }
0x124: {  	v14 =	vpop (erf)  }
0x125: {  	v10 =	vmul.f32 v14, v10  }
0x126: {  	v11 =	vmul.f32 v11, v14  }
0x127: {  	v12 =	vmul.f32 v12, v14;
	[tilespmem:s24+$0xFFFFFFE0] =	vst v10  }
0x128: {  	v10 =	vmul.f32 v13, v14;
	[tilespmem:s24+$0xFFFFFFF0] =	vst v11  }
0x129: {  	[tilespmem:s24+$0x0] =	vst v12  }
0x12a: {  	s25 =	simm.s32 $0x80;
	s0 =	simm.s32 $0x10;
	[tilespmem:s24+$0x10] =	vst v10  }
.LBB2_15:
0x12b: {  	p0 =	sne.s32 s25, $0x63C0;
	v10 =	vld [tilespmem:s0+$0xAC88];
	_ =	sdelay $0x4  }
0x12c: {  	v10 =	vmax.f32 v10, $1.000000000e+00  }
0x12d: {  	(erf) = vrcp.f32 v10;
	_ =	sdelay $0x1  }
0x12e: {  	s24 =	sadd.s32 $0x40, s24  }
0x12f: {  	v10 =	vld [tilespmem:s24+$0xFFFFFFF0]  }
0x130: {  	v11 =	vld [tilespmem:s24+$0x10]  }
0x131: {  	v12 =	vld [tilespmem:s24+$0xFFFFFFE0]  }
0x132: {  	v13 =	vld [tilespmem:s24+$0x0];
	_ =	sdelay $0x2  }
0x133: {  	v14 =	vpop (erf)  }
0x134: {  	v12 =	vmul.f32 v14, v12;
	v10 =	vmul.f32 v10, v14  }
.Ltmp9:
0x135: {  	v11 =	vmul.f32 v11, v14;
	v13 =	vmul.f32 v13, v14;
	(pc) =	sbr.rel @p0 .LBB2_15-.Ltmp9, $4  }
0x136: {  	[tilespmem:s24+$0xFFFFFFE0] =	vst v12  }
0x137: {  	[tilespmem:s24+$0xFFFFFFF0] =	vst v10  }
0x138: {  	[tilespmem:s24+$0x0] =	vst v13  }
0x139: {  	s0 =	sshra.s32 s25, $0x2;
	s25 =	sadd.s32 $0x40, s25;
	[tilespmem:s24+$0x10] =	vst v11  }
0x13a: {  	v10 =	vld [tilespmem:s0+$0xAC88];
	_ =	sdelay $0x4  }
0x13b: {  	v10 =	vmax.f32 v10, $1.000000000e+00  }
0x13c: {  	(erf) = vrcp.f32 v10;
	_ =	sdelay $0x3  }
0x13d: {  	s30 =	sadd.s32 $0x40, s24  }
0x13e: {  	v10 =	vld [tilespmem:s30+$0xFFFFFFE0]  }
0x13f: {  	v11 =	vld [tilespmem:s30+$0xFFFFFFF0]  }
0x140: {  	v12 =	vld [tilespmem:s30+$0x0]  }
0x141: {  	v13 =	vld [tilespmem:s30+$0x10]  }
0x142: {  	v14 =	vpop (erf)  }
0x143: {  	v10 =	vmul.f32 v14, v10  }
0x144: {  	v11 =	vmul.f32 v11, v14  }
0x145: {  	v12 =	vmul.f32 v12, v14;
	[tilespmem:s30+$0xFFFFFFE0] =	vst v10  }
0x146: {  	s23 =	sadd.s32 $0x1, s23;
	v10 =	vmul.f32 v13, v14;
	[tilespmem:s30+$0xFFFFFFF0] =	vst v11  }
0x147: {  	p0 =	sne.s32 s23, s15;
	[tilespmem:s30+$0x0] =	vst v12  }
.Ltmp10:
0x148: {  	s31 =	rddreg [dreg:$0xc];
	[tilespmem:s30+$0x10] =	vst v10;
	(pc) =	sbr.rel @p0 .LBB2_1-.Ltmp10, $4  }
0x149: {  	[hbm4b:s31+s7] =	stream.linear.scatter [tilespmem:s21], [sflag:$0xE], $0x6400, $0x38;
	[tilespmem:$0x1F988] =	vst v63  }
0x14a: {  	_ =	swait.ge [sflag:s16], $0x6400  }
0x14b: {  	[sflag:s16] =	ssyncset.done $0x0  }
0x14c: {  	[sflag:s16] =	ssyncadd.s32 $0xFFFF9C00  }
0x14d: {  	_ =	sfence.sel $0x180000  }
0x14e: {  	[bflag:$0x0] =	sbarrier.arrive $0xFFFF  }
0x14f: {  	_ =	strace $0x90000047  }
0x150: {  	s0 =	stileid.u32;
	[bflag:$0x2] =	sbarrier.arrive $0xFFFF  }
0x151: {  	p0 =	sne.s32 s0, $0x0;
	s0 =	rddreg [dreg:$0x6]  }
0x152: {  	s0 =	sadd.s32 @!p0 $0x100000, s0  }
0x153: {  	[sflag:s0] =	ssyncadd.tile.s32 @!p0 $0x1;
	_ =	shalt  }
.Lfunc_end2:
_tile_overlayer_lowered:
.L_overlay_start_2:
0x154: {  	(tag) =	ssettag $0x2  }
0x155: {  	s0 =	rddreg [dreg:$0x0];
	s2 =	stileid.u32  }
0x156: {  	s1 =	rddreg [dreg:$0x1];
	p0 =	sne.s32 s2, $0x0  }
0x157: {  	s3 =	rddreg [dreg:$0x2];
	[bflag:$0x3] =	sbarrier.arrive $0xFFFF;
	s2 =	simm.s32 @!p0 $0x1C0E  }
0x158: {  	[timem:s3], [sflag:s2] =	dma.local @!p0 [hbm:s0], s1  }
0x159: {  	s0 =	simm.s32 @!p0 $0xE  }
0x15a: {  	_ =	swait.ge @!p0 [sflag:s0], s1  }
0x15b: {  	s1 =	ssub.s32 @!p0 $0x0, s1;
	[sflag:s0] =	ssyncset.done @!p0 $0x0  }
0x15c: {  	[sflag:s0] =	ssyncadd.s32 @!p0 s1  }
0x15d: {  	[bflag:$0x3] =	sbarrier.arrive $0xFFFF  }
0x15e: {  	_ =	shalt  }

// kernel: sparse-core-data-format-call.cloned.1.call-start
scs
called_computation_lowered:
.L_overlay_start_0:
0x0: {  	s2 =	sld [smem:$0x3FD9]  }
0x1: {  	s3 =	sld [smem:$0x3FFE];
	_ =	sdelay $0x1  }
0x2: {  	s1 =	srdreg.scid  }
0x3: {  	s0 =	sand.u32 $0x1, s1  }
0x4: {  	s18 =	sshll.u32 s0, $0xA;
	s2 =	sadd.s32 s3, s2  }
0x5: {  	s2 =	sadd.s32 s2, s18  }
0x6: {  	[smem:$0x3FC5] =	sst s2  }
0x7: {  	_ = 	snop  }
0x8: {  	s2 =	sld [smem:$0x3FD0];
	(tm) =	ssettm $0x1  }
0x9: {  	s19 =	sld [smem:$0x3FFB];
	_ =	sdelay $0x3  }
0xa: {  	_ =	strace s19  }
0xb: {  	s3 =	sld [smem:$0x3FFC];
	_ =	sdelay $0x3  }
0xc: {  	_ =	strace s3  }
0xd: {  	s3 =	sld [smem:$0x3FFD];
	_ =	sdelay $0x3  }
0xe: {  	_ =	strace s3  }
0xf: {  	_ =	strace $0x8FFFFFFF  }
0x10: {  	s20 =	sld [smem:$0x3FDB];
	_ =	sdelay $0x1  }
0x11: {  	s4 =	simm.s32 $_scs_section_size  }
0x12: {  	s5 =	simm.s32 $_size__tile_overlayer_lowered;
	s6 =	simm.s32 $_tile_overlayer_lowered  }
0x13: {  	s23 =	simm.s32 $0x1BFF;
	s22 =	sshll.u32 s6, $0x1;
	s3 =	sadd.s32 s4, s20  }
0x14: {  	s7 =	simm.s32 $0x0;
	s21 =	sshll.u32 s5, $0x1;
	s5 =	sadd.s32 s22, s3  }
0x15: {  	[timem:s7], [sflag:s23] =	dma.local [hbm:s5], s21  }
0x16: {  	_ =	swait.ge [sflag:s23], s21  }
0x17: {  	s4 =	ssub.s32 $0x0, s21;
	[sflag:s23] =	ssyncset.done $0x0  }
0x18: {  	[sflag:s23] =	ssyncadd.s32 s4;
	_ =	sdelay $0x1  }
0x19: {  	s24 =	simm.s32 $0x1B8B  }
0x1a: {  	_ =	swait.ge [sflag:s24], $0x1  }
0x1b: {  	[sflag:s24] =	ssyncset.done $0x0  }
0x1c: {  	s26 =	simm.s32 $0x1B8E;
	s25 =	sld [smem:$0x3FFE];
	[sflag:s24] =	ssyncadd.s32 $0xFFFFFFFF  }
0x1d: {  	s27 =	simm.s32 $execute0_lowered;
	[smem:$0x3FD2] =	sst s26  }
0x1e: {  	s5 =	sshll.u32 s27, $0x1;
	_ =	strace $0x80000049;
	[dreg:$0x1] =	wrdreg $0xFFFFFFFF  }
0x1f: {  	s28 =	simm.s32 $_size_execute0_lowered;
	s3 =	sadd.s32 s3, s5;
	[dreg:$0x0] =	wrdreg $0x0  }
0x20: {  	s5 =	sshll.u32 s28, $0x1;
	[dreg:$0x2] =	wrdreg s3  }
0x21: {  	[dreg:$0x3] =	wrdreg s5  }
0x22: {  	[dreg:$0x4] =	wrdreg $0xC0  }
0x23: {  	_ =	task [dreg:s7], $0x5FFFF  }
0x24: {  	[dreg:$0x1] =	wrdreg $0xFFFFFFFF  }
0x25: {  	[dreg:$0x0] =	wrdreg $0x60  }
0x26: {  	[dreg:$0x2] =	wrdreg s25  }
0x27: {  	[dreg:$0x3] =	wrdreg s2  }
0x28: {  	[dreg:$0x4] =	wrdreg $0x9  }
0x29: {  	_ =	task.clear_ibuf [dreg:s7], $0x5FFFF;
	_ =	strace $0x90000049  }
0x2a: {  	s29 =	simm.s32 $0x9;
	_ =	strace $0x8000004B  }
0x2b: {  	_ =	swait.ge [sflag:s29], $0x1  }
0x2c: {  	[sflag:s29] =	ssyncadd.s32 $0xFFFFFFFF  }
0x2d: {  	_ =	strace $0x9000004B  }
0x2e: {  	_ =	sfence  }
0x2f: {  	s30 =	sld [smem:$0x0];
	_ =	sdelay $0x2  }
0x30: {  	s31 =	sshll.u32 s1, $0xD;
	s1 =	sshrl.u32 s1, $0x2  }
0x31: {  	s3 =	sand.u32 $0x4000, s31;
	s1 =	sadd.s32 s1, s30  }
0x32: {  	s0 =	sor.u32 s3, s0;
	s1 =	sshll.u32 s1, $0x11  }
0x33: {  	s0 =	sor.u32 s1, s0  }
0x34: {  	s0 =	sadd.s32 $0x8F2B, s0  }
0x35: {  	[sflag:s0] =	ssyncadd.remote.s32 $0x1  }
0x36: {  	_ =	sfence.sel $0xFFFF  }
0x37: {  	[dreg:$0x0] =	wrdreg $0xFFFFFFFF;
	(pc) =	sbr.abs _section_cstart, $3  }
0x38: {  	[dreg:$0x1] =	wrdreg $0xFFFFFFFF  }
0x39: {  	_ =	task.clear_ibuf [dreg:s7], $0x2FFFF;
	_ =	strace $0x9FFFFFFF  }
0x3a: {  	(tm) =	ssettm $0x7FFFFFFF  }
0x3b: {  	_ =	shalt  }
tec
execute0_lowered:
.L_overlay_start_1:
0x0: {  	(tag) =	ssettag $0x1  }
0x1: {  	s4 =	rddreg [dreg:$0x0]  }
0x2: {  	s0 =	srdreg.scid;
	s2 =	rddreg [dreg:$0x1]  }
0x3: {  	s1 =	stileid.u32;
	s5 =	simm.s32 $0x1;
	s0 =	sshll.u32 s0, $0x4  }
0x4: {  	s7 =	simm.s32 $0x2;
	s11 =	simm.s32 $0x0;
	s3 =	sand.u32 $0x10, s0  }
.Ltmp0:
0x5: {  	p0 =	por $0x0, $0x0;
	s3 =	sor.u32 s1, s3;
	(pc) =	sbr.rel .LBB1_1-.Ltmp0, $4  }
0x6: {  	s8 =	simm.s32 $0x1E8800;
	s10 =	simm.s32 $0x0;
	s3 =	sshll.u32 s3, $0x7  }
0x7: {  	s0 =	rddreg [dreg:$0x2];
	_ =	strace $0x8000004A;
	s6 =	ssub.s32 $0x3D080, s3  }
0x8: {  	s4 =	sadd.s32 $0x1200, s4;
	[sflag:s5] =	ssyncpa.u1 $0x0;
	s6 =	sshrl.u32 s6, $0xC  }
0x9: {  	[sflag:s7] =	ssyncpa.u1 $0x0;
	s9 =	smov.u32 s3;
	s7 =	sor.u32 $0x2, s6  }
.LBB1_5:
0xa: {  	s13 =	sadd.s32 $0x1000, s9  }
0xb: {  	p2 =	sgt.s32 s13, $0x3D08F  }
0xc: {  	s13 =	smov.u32 @p2 s3;
	p2 =	sne.s32 s10, s7  }
.Ltmp1:
0xd: {  	p1 =	slt.u32 s10, $0x2;
	(pc) =	sbr.rel @!p2 .LBB1_6-.Ltmp1, $4  }
0xe: {  	s12 =	simm.s32 @!p1 $0x2  }
0xf: {  	s14 =	sadd.s32 $0x1, s10;
	_ =	swait.ge @!p1 [sflag:s12], $0x2000  }
0x10: {  	s11 =	smov.u32 s9;
	p0 =	por !p0, !p0;
	[sflag:s12] =	ssyncset.done @!p1 $0x0  }
0x11: {  	s10 =	smov.u32 s14;
	s9 =	smov.u32 s13;
	[sflag:s12] =	ssyncadd.s32 @!p1 $0xFFFFE000  }
.LBB1_1:
0x12: {  	p1 =	sgt.u32 s10, s6  }
0x13: {  	s13 =	smov.u32 s9;
	p2 =	sgt.s32 @!p1 s9, $0x3D010  }
0x14: {  	s12 =	sand.u32 @!p1 $0x1FFFFFF, s9;
	s14 =	sshra.s32 @!p1 s9, $0x1F;
	p2 =	por !p2, p1  }
0x15: {  	s15 =	smulhi.u32 @!p1 $0x218DEF5, s12;
	s14 =	sand.u32 @!p1 s14, s9;
	s13 =	simm.s32 @p2 $0x3D010  }
0x16: {  	s13 =	ssub.s32 @!p1 s13, s14  }
0x17: {  	s14 =	sshrl.u32 @!p1 s15, $0xB;
	s13 =	sadd.s32 @!p1 $0xFFFC2FF0, s13  }
0x18: {  	s15 =	sxor.u32 @!p1 $0xFFFFFFFF, s10;
	s14 =	smul.u32 @!p1 $0x3D090, s14;
	s16 =	sshll.u32 @!p1 s13, $0x8  }
0x19: {  	s15 =	sshll.u32 @!p1 s15, $0xD;
	p2 =	sgt.s32 @!p1 s13, $0x7F;
	s13 =	ssub.s32 @!p1 $0x8000, s16  }
0x1a: {  	s12 =	ssub.s32 @!p1 s12, s14;
	p2 =	por !p2, p1;
	s14 =	sand.u32 @!p1 $0x2000, s15  }
0x1b: {  	s15 =	simm.s32 @!p1 $0x40;
	s13 =	sshrl.u32 @!p1 s13, $0x2;
	s12 =	sshll.u32 @!p1 s12, $0x4  }
0x1c: {  	s16 =	simm.s32 @!p1 $0x80;
	s13 =	simm.s32 @!p2 $0x0;
	s12 =	sadd.s32 @!p1 s4, s12  }
0x1d: {  	[tilespmem:s14], [sflag:$0x1] =	stream.strided.gather @!p1 [hbm4b:s12+s15], s13, s16, s15, $0x38;
	[tilespmem:$0x8080] =	vst v63  }
0x1e: {  	p1 =	seq.s32 s10, $0x0  }
0x1f: {  	p2 =	sge.u32 @!p1 s10, s7  }
0x20: {  	p1 =	por p1, p2  }
.Ltmp2:
0x21: {  	_ = 	snop;
	(pc) =	sbr.rel @p1 .LBB1_5-.Ltmp2, $1  }
0x22: {  	_ =	sdelay $0x3  }
0x23: {  	p1 =	sgt.s32 s11, $0x3D010;
	s12 =	smov.u32 s11;
	s13 =	sshra.s32 s11, $0x1F  }
0x24: {  	s12 =	simm.s32 @!p1 $0x3D010;
	s13 =	sand.u32 s13, s11  }
0x25: {  	s12 =	ssub.s32 s12, s13  }
0x26: {  	s12 =	sadd.s32 $0xFFFC2FF0, s12  }
0x27: {  	s28 =	sshll.u32 s12, $0x8  }
0x28: {  	s13 =	ssub.s32 $0x8000, s28  }
0x29: {  	p1 =	sgt.s32 s12, $0x7F;
	s12 =	sshrl.u32 s13, $0x2  }
0x2a: {  	s13 =	simm.s32 $0x1;
	s12 =	simm.s32 @p1 $0x0  }
0x2b: {  	s13 =	simm.s32 @!p0 $0x0;
	_ =	swait.ge [sflag:s5], s12  }
0x2c: {  	s14 =	sshll.u32 s13, $0xD;
	s12 =	ssub.s32 $0x0, s12;
	[sflag:s5] =	ssyncset.done $0x0  }
0x2d: {  	s16 =	sor.u32 $0x20, s14;
	[sflag:s5] =	ssyncadd.s32 s12  }
0x2e: {  	s29 =	smul.u32 $0x8100, s13;
	v3 =	vld [tilespmem:s16+$0x10]  }
0x2f: {  	s30 =	sand.u32 $0x1, s10;
	v2 =	vld [tilespmem:s16+$0xFFFFFFF0]  }
0x30: {  	s13 =	smul.u32 $0x8100, s30;
	s12 =	sshrl.u32 s29, $0x2;
	v0 =	vld [tilespmem:s16+$0x0]  }
0x31: {  	s14 =	sor.u32 $0x4000, s12;
	v1 =	vld [tilespmem:s16+$0xFFFFFFE0]  }
0x32: {  	s31 =	sshrl.u32 s13, $0x2;
	s13 =	sadd.s32 $0x0, s14  }
0x33: {  	s15 =	simm.s32 $0x4;
	s12 =	sor.u32 $0x4000, s31;
	s16 =	sadd.s32 $0x40, s16;
	[tilespmem:s13+$0x1830 ss:$0x81] =	vst.msk $0xffff, v3  }
.LBB1_3:
0x34: {  	v3 =	vld [tilespmem:s16+$0x10];
	p1 =	sne.s32 s15, $0x1FC;
	[tilespmem:s13+$0x810 ss:$0x81] =	vst.msk $0xffff, v2;
	s17 =	smov.u32 s15;
	s15 =	sadd.s32 $0x4, s15  }
.Ltmp3:
0x35: {  	v2 =	vld [tilespmem:s16+$0xFFFFFFF0];
	[tilespmem:s13+$0x1020 ss:$0x81] =	vst.msk $0xffff, v0;
	(pc) =	sbr.rel @p1 .LBB1_3-.Ltmp3, $4  }
0x36: {  	v0 =	vld [tilespmem:s16+$0x0];
	[tilespmem:s13+$0x0 ss:$0x81] =	vst.msk $0xffff, v1  }
0x37: {  	s13 =	sshra.s32 s17, $0x2;
	v1 =	vld [tilespmem:s16+$0xFFFFFFE0]  }
0x38: {  	s13 =	sadd.s32 s13, s14  }
0x39: {  	s16 =	sadd.s32 $0x40, s16;
	[tilespmem:s13+$0x1830 ss:$0x81] =	vst.msk $0xffff, v3  }
0x3a: {  	s14 =	sshll.u32 s11, $0x3  }
0x3b: {  	s14 =	sand.u32 $0xFFFFFC00, s14  }
0x3c: {  	s15 =	sshrl.u32 s14, $0x8  }
0x3d: {  	s15 =	smulhi.u32 $0x10C50B5, s15;
	_ =	sdelay $0x1  }
0x3e: {  	s15 =	sshrl.u32 s15, $0x2  }
0x3f: {  	s28 =	sand.u32 $0x7F, s11;
	s16 =	smul.u32 $0x3D100, s15  }
0x40: {  	s11 =	sor.u32 s28, s14  }
.Ltmp4:
0x41: {  	s29 =	sand.u32 $0x3F, s15;
	s11 =	ssub.s32 s11, s16;
	(pc) =	sbr.rel .LBB1_5-.Ltmp4, $4  }
0x42: {  	[tilespmem:s13+$0x810 ss:$0x81] =	vst.msk $0xffff, v2;
	s14 =	smul.u32 $0x7A20, s29;
	s30 =	sshrl.u32 s11, $0x3;
	s11 =	sand.u32 $0x7, s11  }
0x43: {  	[tilespmem:s13+$0x1020 ss:$0x81] =	vst.msk $0xffff, v0;
	s15 =	sadd.s32 s2, s30;
	s11 =	sshll.u32 s11, $0x12  }
0x44: {  	[tilespmem:s13+$0x0 ss:$0x81] =	vst.msk $0xffff, v1;
	s31 =	sadd.s32 s14, s15;
	s11 =	sor.u32 $0x400, s11  }
0x45: {  	[hbm4b:s31+s11] =	stream.strided.scatter [tilespmem:s12], [sflag:$0x2], $0x2000, s8, s11, $0x20;
	[tilespmem:$0x8080] =	vst v63  }
.LBB1_6:
0x46: {  	_ =	sfence.sel $0x180000  }
0x47: {  	s2 =	simm.s32 $0x1;
	[bflag:$0x0] =	sbarrier.arrive $0xFFFF  }
0x48: {  	s31 =	simm.s32 $0x2;
	[sflag:s2] =	ssyncpa.u1 $0x1  }
0x49: {  	[sflag:s31] =	ssyncpa.u1 $0x1  }
0x4a: {  	p0 =	sne.s32 s1, $0x0;
	_ =	strace $0x9000004A  }
0x4b: {  	s0 =	sadd.s32 @!p0 $0x100000, s0;
	[bflag:$0x2] =	sbarrier.arrive $0xFFFF  }
0x4c: {  	[sflag:s0] =	ssyncadd.tile.s32 @!p0 $0x1;
	_ =	shalt  }
.Lfunc_end1:
_tile_overlayer_lowered:
.L_overlay_start_2:
0x4d: {  	(tag) =	ssettag $0x2  }
0x4e: {  	s0 =	rddreg [dreg:$0x0];
	s2 =	stileid.u32  }
0x4f: {  	s1 =	rddreg [dreg:$0x1];
	p0 =	sne.s32 s2, $0x0  }
0x50: {  	s3 =	rddreg [dreg:$0x2];
	[bflag:$0x3] =	sbarrier.arrive $0xFFFF;
	s2 =	simm.s32 @!p0 $0x1C01  }
0x51: {  	[timem:s3], [sflag:s2] =	dma.local @!p0 [hbm:s0], s1  }
0x52: {  	s0 =	simm.s32 @!p0 $0x1  }
0x53: {  	_ =	swait.ge @!p0 [sflag:s0], s1  }
0x54: {  	s1 =	ssub.s32 @!p0 $0x0, s1;
	[sflag:s0] =	ssyncset.done @!p0 $0x0  }
0x55: {  	[sflag:s0] =	ssyncadd.s32 @!p0 s1  }
0x56: {  	[bflag:$0x3] =	sbarrier.arrive $0xFFFF  }
0x57: {  	_ =	shalt  }

</sc_bundles>
